<compile_context>
chip_gen: v7x
topology: tpu7x:2x2x1
jax: 0.10.2.dev20260603
libtpu: 0.0.44.dev20260713+nightly
codegen_flags: <defaults>
</compile_context>

<pallas_src>
import jax
import jax.numpy as jnp
from jax import lax
from jax.experimental import pallas as pl
from jax.experimental.pallas import tpu as pltpu
from jax.experimental.pallas import tpu_sc as plsc

B, N, S, D = 8, 14, 196, 128
NW = 32
R = 6
RLO = NW * R
RB = S - RLO
NGRP = 49
NJ = 6 * NGRP
BAND_K = 10


def _body(x_hbm, out_hbm, buf, band, sem_in, sem_lt, sem_bd, sem_out):
    c = lax.axis_index("c")
    s = lax.axis_index("s")
    wid = s * 2 + c
    lo = wid * R

    jlo = jnp.minimum((wid * NJ) // NW, NJ - BAND_K)
    jhi = jlo + BAND_K
    g0 = jlo // 6
    ghi = (jhi - 1) // 6

    for n in range(8, N):
        pltpu.async_copy(x_hbm.at[n, pl.ds(lo, R)], buf.at[n], sem_in)
    for n in range(8):
        pltpu.async_copy(x_hbm.at[n, pl.ds(lo, R)], buf.at[n], sem_lt)
    for p in range(6):
        pltpu.async_copy(x_hbm.at[8 + p, pl.ds(RLO, RB)], band.at[p], sem_bd)
    for t in range(3):
        gt = g0 + t

        @pl.when((gt >= 1) & (gt <= ghi))
        def _():
            pltpu.async_copy(
                x_hbm.at[lax.div(gt - 1, 6), pl.ds(RLO, RB)],
                band.at[6 + t],
                sem_bd,
            )

    for n in range(8, N):
        pltpu.make_async_copy(
            x_hbm.at[n, pl.ds(lo, R)], buf.at[n], sem_in
        ).wait()

    def fire(g, carry):
        for p in range(6):
            keep = (g == 0) | (lax.rem(g - 1, 6) != p)

            @pl.when(keep)
            def _():
                j = g * 6 + p
                pltpu.async_copy(
                    buf.at[8 + p],
                    out_hbm.at[j // NGRP, lax.rem(j, NGRP), pl.ds(lo, R)],
                    sem_out,
                )

        return carry

    lax.fori_loop(0, NGRP, fire, 0)

    for p in range(6):
        pltpu.make_async_copy(
            x_hbm.at[8 + p, pl.ds(RLO, RB)], band.at[p], sem_bd
        ).wait()
    for t in range(3):
        gt = g0 + t

        @pl.when((gt >= 1) & (gt <= ghi))
        def _():
            pltpu.make_async_copy(
                x_hbm.at[0, pl.ds(RLO, RB)], band.at[6 + t], sem_bd
            ).wait()

    def fire_band(t, carry):
        j = jlo + t
        g = lax.div(j, 6)
        p = lax.rem(j, 6)
        replaced = (g > 0) & (lax.rem(g - 1, 6) == p)
        slot = jnp.where(replaced, 6 + (g - g0), p)
        pltpu.async_copy(
            band.at[slot],
            out_hbm.at[lax.div(j, NGRP), lax.rem(j, NGRP), pl.ds(RLO, RB)],
            sem_out,
        )
        return carry

    lax.fori_loop(0, BAND_K, fire_band, 0)

    for n in range(8):
        pltpu.make_async_copy(
            x_hbm.at[n, pl.ds(lo, R)], buf.at[n], sem_lt
        ).wait()

    def fire_light(g, carry):
        jj = lax.rem(g - 1, 6)
        j = g * 6 + jj
        pltpu.async_copy(
            buf.at[lax.div(g - 1, 6)],
            out_hbm.at[j // NGRP, lax.rem(j, NGRP), pl.ds(lo, R)],
            sem_out,
        )
        return carry

    lax.fori_loop(1, NGRP, fire_light, 0)

    def drain(g, carry):
        for p in range(6):
            keep = (g == 0) | (lax.rem(g - 1, 6) != p)

            @pl.when(keep)
            def _():
                pltpu.make_async_copy(
                    buf.at[8 + p], out_hbm.at[0, 0, pl.ds(lo, R)], sem_out
                ).wait()

        return carry

    lax.fori_loop(0, NGRP, drain, 0)

    def drain_light(g, carry):
        pltpu.make_async_copy(
            buf.at[0], out_hbm.at[0, 0, pl.ds(lo, R)], sem_out
        ).wait()
        return carry

    lax.fori_loop(1, NGRP, drain_light, 0)

    def drain_band(t, carry):
        pltpu.make_async_copy(
            band.at[0], out_hbm.at[0, 0, pl.ds(RLO, RB)], sem_out
        ).wait()
        return carry

    lax.fori_loop(0, BAND_K, drain_band, 0)


@jax.jit
def kernel(x):
    x_t = x.transpose(1, 2, 0, 3)
    out_t = pl.kernel(
        _body,
        out_type=jax.ShapeDtypeStruct((6, NGRP, S, B, D), jnp.float32),
        mesh=plsc.VectorSubcoreMesh(core_axis_name="c", subcore_axis_name="s"),
        scratch_types=[
            pltpu.VMEM((N, R, B, D), jnp.float32),
            pltpu.VMEM((9, RB, B, D), jnp.float32),
            pltpu.SemaphoreType.DMA,
            pltpu.SemaphoreType.DMA,
            pltpu.SemaphoreType.DMA,
            pltpu.SemaphoreType.DMA,
        ],
    )(x_t)
    return out_t.transpose(3, 0, 1, 2, 4)

# --- scband reference (transcript-rebuilt; emitter-appended) ---
"""Pipeline reference for scband-get-choise-44040594653929 (READ-ONLY COPY).

The authoritative reference and input builder live on the scoring server;
editing this copy changes nothing except your own understanding.
"""

import jax, jax.numpy as jnp
import numpy as np


def _build_index():
    index = [8, 9, 10, 11, 12, 13]
    for i in range(8):
        index += [i, 9, 10, 11, 12, 13]
        index += [8, i, 10, 11, 12, 13]
        index += [8, 9, i, 11, 12, 13]
        index += [8, 9, 10, i, 12, 13]
        index += [8, 9, 10, 11, i, 13]
        index += [8, 9, 10, 11, 12, i]
    return np.asarray(index, dtype=np.int32)


def setup_inputs(seed: int = 0) -> dict:
    key = jax.random.key(seed)
    x = jax.random.normal(key, (8, 14, 196, 128), dtype=jnp.float32)
    return {"x": x}


def reference(x):
    b, n, s, d = x.shape
    assert n == 14
    idx = jnp.asarray(_build_index())  # length 294
    gathered = jnp.take(x, idx, axis=1)  # [b, 294, s, d]
    return gathered.reshape(b, 6, -1, s, d)  # [b, 6, 49, s, d]

if __name__ == "__main__":
    import jax
    _d = setup_inputs()
    print(jax.jit(kernel)(*tuple(_d.values())))

</pallas_src>

<mosaic_0001>
#map = affine_map<(d0, d1) -> (0, 0, 0, 0)>
#map1 = affine_map<(d0, d1) -> (0, 0, 0, 0, 0)>
module attributes {stable_mosaic.version = 14 : i64} {
  func.func @_body(%arg0: i32, %arg1: i32, %arg2: memref<14x196x8x128xf32, #tpu.memory_space<hbm>>, %arg3: memref<6x49x196x8x128xf32, #tpu.memory_space<hbm>>, %arg4: memref<14x6x8x128xf32, #tpu.memory_space<vmem>>, %arg5: memref<9x4x8x128xf32, #tpu.memory_space<vmem>>, %arg6: memref<!tpu.dma_semaphore, #tpu.memory_space<semaphore_mem>>, %arg7: memref<!tpu.dma_semaphore, #tpu.memory_space<semaphore_mem>>, %arg8: memref<!tpu.dma_semaphore, #tpu.memory_space<semaphore_mem>>, %arg9: memref<!tpu.dma_semaphore, #tpu.memory_space<semaphore_mem>>) attributes {dimension_semantics = [#tpu.dimension_semantics<core_parallel>, #tpu.dimension_semantics<subcore_parallel>], iteration_bounds = array<i64: 2, 16>, scalar_prefetch = 0 : i64, scratch_operands = 6 : i64, tpu.core_type = #tpu.core_type<sc_vector_subcore>, window_params = [{transform_indices = #map}, {transform_indices = #map1}]} {
    %mul3A = arith.constant 2 : i32
    %mul3A_0 = arith.muli %arg1, %mul3A : i32
    %add3A = arith.addi %mul3A_0, %arg0 : i32
    %mul3A_1 = arith.constant 6 : i32
    %mul3A_2 = arith.muli %add3A, %mul3A_1 : i32
    %mul3A_3 = arith.constant 294 : i32
    %mul3A_4 = arith.muli %add3A, %mul3A_3 : i32
    %jit3A = arith.constant 32 : i32
    %div3A = arith.divsi %mul3A_4, %jit3A : i32
    %sign3A = arith.constant 0 : i32
    %sign3A_5 = arith.cmpi sgt, %mul3A_4, %sign3A : i32
    %sign3A_6 = arith.extui %sign3A_5 : i1 to i32
    %sign3A_7 = arith.constant 0 : i32
    %sign3A_8 = arith.cmpi slt, %mul3A_4, %sign3A_7 : i32
    %sign3A_9 = arith.extui %sign3A_8 : i1 to i32
    %sign3A_10 = arith.subi %sign3A_6, %sign3A_9 : i32
    %sign3A_11 = arith.constant 0 : i32
    %sign3A_12 = arith.cmpi sgt, %jit3A, %sign3A_11 : i32
    %sign3A_13 = arith.extui %sign3A_12 : i1 to i32
    %sign3A_14 = arith.constant 0 : i32
    %sign3A_15 = arith.cmpi slt, %jit3A, %sign3A_14 : i32
    %sign3A_16 = arith.extui %sign3A_15 : i1 to i32
    %sign3A_17 = arith.subi %sign3A_13, %sign3A_16 : i32
    %ne3A = arith.cmpi ne, %sign3A_10, %sign3A_17 : i32
    %rem3A = arith.remsi %mul3A_4, %jit3A : i32
    %ne3A_18 = arith.constant 0 : i32
    %ne3A_19 = arith.cmpi ne, %rem3A, %ne3A_18 : i32
    %and3A = arith.andi %ne3A, %ne3A_19 : i1
    %sub3A = arith.constant 1 : i32
    %sub3A_20 = arith.subi %div3A, %sub3A : i32
    %select_n3A = arith.select %and3A, %sub3A_20, %div3A : i32
    %min3A = arith.constant 284 : i32
    %min3A_21 = arith.minsi %select_n3A, %min3A : i32
    %add3A_22 = arith.constant 10 : i32
    %add3A_23 = arith.addi %min3A_21, %add3A_22 : i32
    %jit3A_24 = arith.constant 6 : i32
    %div3A_25 = arith.divsi %min3A_21, %jit3A_24 : i32
    %sign3A_26 = arith.constant 0 : i32
    %sign3A_27 = arith.cmpi sgt, %min3A_21, %sign3A_26 : i32
    %sign3A_28 = arith.extui %sign3A_27 : i1 to i32
    %sign3A_29 = arith.constant 0 : i32
    %sign3A_30 = arith.cmpi slt, %min3A_21, %sign3A_29 : i32
    %sign3A_31 = arith.extui %sign3A_30 : i1 to i32
    %sign3A_32 = arith.subi %sign3A_28, %sign3A_31 : i32
    %sign3A_33 = arith.constant 0 : i32
    %sign3A_34 = arith.cmpi sgt, %jit3A_24, %sign3A_33 : i32
    %sign3A_35 = arith.extui %sign3A_34 : i1 to i32
    %sign3A_36 = arith.constant 0 : i32
    %sign3A_37 = arith.cmpi slt, %jit3A_24, %sign3A_36 : i32
    %sign3A_38 = arith.extui %sign3A_37 : i1 to i32
    %sign3A_39 = arith.subi %sign3A_35, %sign3A_38 : i32
    %ne3A_40 = arith.cmpi ne, %sign3A_32, %sign3A_39 : i32
    %rem3A_41 = arith.remsi %min3A_21, %jit3A_24 : i32
    %ne3A_42 = arith.constant 0 : i32
    %ne3A_43 = arith.cmpi ne, %rem3A_41, %ne3A_42 : i32
    %and3A_44 = arith.andi %ne3A_40, %ne3A_43 : i1
    %sub3A_45 = arith.constant 1 : i32
    %sub3A_46 = arith.subi %div3A_25, %sub3A_45 : i32
    %select_n3A_47 = arith.select %and3A_44, %sub3A_46, %div3A_25 : i32
    %sub3A_48 = arith.constant 1 : i32
    %sub3A_49 = arith.subi %add3A_23, %sub3A_48 : i32
    %jit3A_50 = arith.constant 6 : i32
    %div3A_51 = arith.divsi %sub3A_49, %jit3A_50 : i32
    %sign3A_52 = arith.constant 0 : i32
    %sign3A_53 = arith.cmpi sgt, %sub3A_49, %sign3A_52 : i32
    %sign3A_54 = arith.extui %sign3A_53 : i1 to i32
    %sign3A_55 = arith.constant 0 : i32
    %sign3A_56 = arith.cmpi slt, %sub3A_49, %sign3A_55 : i32
    %sign3A_57 = arith.extui %sign3A_56 : i1 to i32
    %sign3A_58 = arith.subi %sign3A_54, %sign3A_57 : i32
    %sign3A_59 = arith.constant 0 : i32
    %sign3A_60 = arith.cmpi sgt, %jit3A_50, %sign3A_59 : i32
    %sign3A_61 = arith.extui %sign3A_60 : i1 to i32
    %sign3A_62 = arith.constant 0 : i32
    %sign3A_63 = arith.cmpi slt, %jit3A_50, %sign3A_62 : i32
    %sign3A_64 = arith.extui %sign3A_63 : i1 to i32
    %sign3A_65 = arith.subi %sign3A_61, %sign3A_64 : i32
    %ne3A_66 = arith.cmpi ne, %sign3A_58, %sign3A_65 : i32
    %rem3A_67 = arith.remsi %sub3A_49, %jit3A_50 : i32
    %ne3A_68 = arith.constant 0 : i32
    %ne3A_69 = arith.cmpi ne, %rem3A_67, %ne3A_68 : i32
    %and3A_70 = arith.andi %ne3A_66, %ne3A_69 : i1
    %sub3A_71 = arith.constant 1 : i32
    %sub3A_72 = arith.subi %div3A_51, %sub3A_71 : i32
    %select_n3A_73 = arith.select %and3A_70, %sub3A_72, %div3A_51 : i32
    %dma_start3A = arith.constant 8 : i32
    %dma_start3A_74 = arith.constant 8 : i32
    %dma_start3A_75 = arith.constant 0 : i32
    %dma_start3A_76 = arith.constant 0 : i32
    %dma_start3A_77 = arith.constant 0 : i32
    %dma_start3A_78 = tpu.memref_slice %arg4[%dma_start3A_74, %dma_start3A_75, %dma_start3A_76, %dma_start3A_77] : memref<14x6x8x128xf32, #tpu.memory_space<vmem>> -> memref<1x6x8x128xf32, #tpu.memory_space<vmem>>
    %dma_start3A_79 = tpu.memref_squeeze %dma_start3A_78 : memref<1x6x8x128xf32, #tpu.memory_space<vmem>> -> memref<6x8x128xf32, #tpu.memory_space<vmem>>
    %dma_start3A_80 = arith.constant 0 : i32
    %dma_start3A_81 = arith.constant 0 : i32
    %dma_start3A_82 = tpu.memref_slice %arg2[%dma_start3A, %mul3A_2, %dma_start3A_80, %dma_start3A_81] : memref<14x196x8x128xf32, #tpu.memory_space<hbm>> -> memref<1x6x8x128xf32, #tpu.memory_space<hbm>>
    %dma_start3A_83 = tpu.memref_squeeze %dma_start3A_82 : memref<1x6x8x128xf32, #tpu.memory_space<hbm>> -> memref<6x8x128xf32, #tpu.memory_space<hbm>>
    %dma_start3A_84 = arith.constant 0 : i32
    %dma_start3A_85 = arith.constant 0 : i32
    %dma_start3A_86 = arith.constant 0 : i32
    %dma_start3A_87 = tpu.memref_slice %arg4[%dma_start3A_74, %dma_start3A_84, %dma_start3A_85, %dma_start3A_86] : memref<14x6x8x128xf32, #tpu.memory_space<vmem>> -> memref<1x6x8x128xf32, #tpu.memory_space<vmem>>
    %dma_start3A_88 = tpu.memref_squeeze %dma_start3A_87 : memref<1x6x8x128xf32, #tpu.memory_space<vmem>> -> memref<6x8x128xf32, #tpu.memory_space<vmem>>
    %dma_start3A_89 = arith.constant 0 : i32
    %dma_start3A_90 = arith.constant 0 : i32
    %dma_start3A_91 = tpu.memref_slice %arg2[%dma_start3A, %mul3A_2, %dma_start3A_89, %dma_start3A_90] : memref<14x196x8x128xf32, #tpu.memory_space<hbm>> -> memref<1x6x8x128xf32, #tpu.memory_space<hbm>>
    %dma_start3A_92 = tpu.memref_squeeze %dma_start3A_91 : memref<1x6x8x128xf32, #tpu.memory_space<hbm>> -> memref<6x8x128xf32, #tpu.memory_space<hbm>>
    tpu.enqueue_dma source(%dma_start3A_92 : memref<6x8x128xf32, #tpu.memory_space<hbm>>) target(%dma_start3A_88 : memref<6x8x128xf32, #tpu.memory_space<vmem>>) target_semaphore(%arg6 : memref<!tpu.dma_semaphore, #tpu.memory_space<semaphore_mem>>)
    %dma_start3A_93 = arith.constant 9 : i32
    %dma_start3A_94 = arith.constant 9 : i32
    %dma_start3A_95 = arith.constant 0 : i32
    %dma_start3A_96 = arith.constant 0 : i32
    %dma_start3A_97 = arith.constant 0 : i32
    %dma_start3A_98 = tpu.memref_slice %arg4[%dma_start3A_94, %dma_start3A_95, %dma_start3A_96, %dma_start3A_97] : memref<14x6x8x128xf32, #tpu.memory_space<vmem>> -> memref<1x6x8x128xf32, #tpu.memory_space<vmem>>
    %dma_start3A_99 = tpu.memref_squeeze %dma_start3A_98 : memref<1x6x8x128xf32, #tpu.memory_space<vmem>> -> memref<6x8x128xf32, #tpu.memory_space<vmem>>
    %dma_start3A_100 = arith.constant 0 : i32
    %dma_start3A_101 = arith.constant 0 : i32
    %dma_start3A_102 = tpu.memref_slice %arg2[%dma_start3A_93, %mul3A_2, %dma_start3A_100, %dma_start3A_101] : memref<14x196x8x128xf32, #tpu.memory_space<hbm>> -> memref<1x6x8x128xf32, #tpu.memory_space<hbm>>
    %dma_start3A_103 = tpu.memref_squeeze %dma_start3A_102 : memref<1x6x8x128xf32, #tpu.memory_space<hbm>> -> memref<6x8x128xf32, #tpu.memory_space<hbm>>
    %dma_start3A_104 = arith.constant 0 : i32
    %dma_start3A_105 = arith.constant 0 : i32
    %dma_start3A_106 = arith.constant 0 : i32
    %dma_start3A_107 = tpu.memref_slice %arg4[%dma_start3A_94, %dma_start3A_104, %dma_start3A_105, %dma_start3A_106] : memref<14x6x8x128xf32, #tpu.memory_space<vmem>> -> memref<1x6x8x128xf32, #tpu.memory_space<vmem>>
    %dma_start3A_108 = tpu.memref_squeeze %dma_start3A_107 : memref<1x6x8x128xf32, #tpu.memory_space<vmem>> -> memref<6x8x128xf32, #tpu.memory_space<vmem>>
    %dma_start3A_109 = arith.constant 0 : i32
    %dma_start3A_110 = arith.constant 0 : i32
    %dma_start3A_111 = tpu.memref_slice %arg2[%dma_start3A_93, %mul3A_2, %dma_start3A_109, %dma_start3A_110] : memref<14x196x8x128xf32, #tpu.memory_space<hbm>> -> memref<1x6x8x128xf32, #tpu.memory_space<hbm>>
    %dma_start3A_112 = tpu.memref_squeeze %dma_start3A_111 : memref<1x6x8x128xf32, #tpu.memory_space<hbm>> -> memref<6x8x128xf32, #tpu.memory_space<hbm>>
    tpu.enqueue_dma source(%dma_start3A_112 : memref<6x8x128xf32, #tpu.memory_space<hbm>>) target(%dma_start3A_108 : memref<6x8x128xf32, #tpu.memory_space<vmem>>) target_semaphore(%arg6 : memref<!tpu.dma_semaphore, #tpu.memory_space<semaphore_mem>>)
    %dma_start3A_113 = arith.constant 10 : i32
    %dma_start3A_114 = arith.constant 10 : i32
    %dma_start3A_115 = arith.constant 0 : i32
    %dma_start3A_116 = arith.constant 0 : i32
    %dma_start3A_117 = arith.constant 0 : i32
    %dma_start3A_118 = tpu.memref_slice %arg4[%dma_start3A_114, %dma_start3A_115, %dma_start3A_116, %dma_start3A_117] : memref<14x6x8x128xf32, #tpu.memory_space<vmem>> -> memref<1x6x8x128xf32, #tpu.memory_space<vmem>>
    %dma_start3A_119 = tpu.memref_squeeze %dma_start3A_118 : memref<1x6x8x128xf32, #tpu.memory_space<vmem>> -> memref<6x8x128xf32, #tpu.memory_space<vmem>>
    %dma_start3A_120 = arith.constant 0 : i32
    %dma_start3A_121 = arith.constant 0 : i32
    %dma_start3A_122 = tpu.memref_slice %arg2[%dma_start3A_113, %mul3A_2, %dma_start3A_120, %dma_start3A_121] : memref<14x196x8x128xf32, #tpu.memory_space<hbm>> -> memref<1x6x8x128xf32, #tpu.memory_space<hbm>>
    %dma_start3A_123 = tpu.memref_squeeze %dma_start3A_122 : memref<1x6x8x128xf32, #tpu.memory_space<hbm>> -> memref<6x8x128xf32, #tpu.memory_space<hbm>>
    %dma_start3A_124 = arith.constant 0 : i32
    %dma_start3A_125 = arith.constant 0 : i32
    %dma_start3A_126 = arith.constant 0 : i32
    %dma_start3A_127 = tpu.memref_slice %arg4[%dma_start3A_114, %dma_start3A_124, %dma_start3A_125, %dma_start3A_126] : memref<14x6x8x128xf32, #tpu.memory_space<vmem>> -> memref<1x6x8x128xf32, #tpu.memory_space<vmem>>
    %dma_start3A_128 = tpu.memref_squeeze %dma_start3A_127 : memref<1x6x8x128xf32, #tpu.memory_space<vmem>> -> memref<6x8x128xf32, #tpu.memory_space<vmem>>
    %dma_start3A_129 = arith.constant 0 : i32
    %dma_start3A_130 = arith.constant 0 : i32
    %dma_start3A_131 = tpu.memref_slice %arg2[%dma_start3A_113, %mul3A_2, %dma_start3A_129, %dma_start3A_130] : memref<14x196x8x128xf32, #tpu.memory_space<hbm>> -> memref<1x6x8x128xf32, #tpu.memory_space<hbm>>
    %dma_start3A_132 = tpu.memref_squeeze %dma_start3A_131 : memref<1x6x8x128xf32, #tpu.memory_space<hbm>> -> memref<6x8x128xf32, #tpu.memory_space<hbm>>
    tpu.enqueue_dma source(%dma_start3A_132 : memref<6x8x128xf32, #tpu.memory_space<hbm>>) target(%dma_start3A_128 : memref<6x8x128xf32, #tpu.memory_space<vmem>>) target_semaphore(%arg6 : memref<!tpu.dma_semaphore, #tpu.memory_space<semaphore_mem>>)
    %dma_start3A_133 = arith.constant 11 : i32
    %dma_start3A_134 = arith.constant 11 : i32
    %dma_start3A_135 = arith.constant 0 : i32
    %dma_start3A_136 = arith.constant 0 : i32
    %dma_start3A_137 = arith.constant 0 : i32
    %dma_start3A_138 = tpu.memref_slice %arg4[%dma_start3A_134, %dma_start3A_135, %dma_start3A_136, %dma_start3A_137] : memref<14x6x8x128xf32, #tpu.memory_space<vmem>> -> memref<1x6x8x128xf32, #tpu.memory_space<vmem>>
    %dma_start3A_139 = tpu.memref_squeeze %dma_start3A_138 : memref<1x6x8x128xf32, #tpu.memory_space<vmem>> -> memref<6x8x128xf32, #tpu.memory_space<vmem>>
    %dma_start3A_140 = arith.constant 0 : i32
    %dma_start3A_141 = arith.constant 0 : i32
    %dma_start3A_142 = tpu.memref_slice %arg2[%dma_start3A_133, %mul3A_2, %dma_start3A_140, %dma_start3A_141] : memref<14x196x8x128xf32, #tpu.memory_space<hbm>> -> memref<1x6x8x128xf32, #tpu.memory_space<hbm>>
    %dma_start3A_143 = tpu.memref_squeeze %dma_start3A_142 : memref<1x6x8x128xf32, #tpu.memory_space<hbm>> -> memref<6x8x128xf32, #tpu.memory_space<hbm>>
    %dma_start3A_144 = arith.constant 0 : i32
    %dma_start3A_145 = arith.constant 0 : i32
    %dma_start3A_146 = arith.constant 0 : i32
    %dma_start3A_147 = tpu.memref_slice %arg4[%dma_start3A_134, %dma_start3A_144, %dma_start3A_145, %dma_start3A_146] : memref<14x6x8x128xf32, #tpu.memory_space<vmem>> -> memref<1x6x8x128xf32, #tpu.memory_space<vmem>>
    %dma_start3A_148 = tpu.memref_squeeze %dma_start3A_147 : memref<1x6x8x128xf32, #tpu.memory_space<vmem>> -> memref<6x8x128xf32, #tpu.memory_space<vmem>>
    %dma_start3A_149 = arith.constant 0 : i32
    %dma_start3A_150 = arith.constant 0 : i32
    %dma_start3A_151 = tpu.memref_slice %arg2[%dma_start3A_133, %mul3A_2, %dma_start3A_149, %dma_start3A_150] : memref<14x196x8x128xf32, #tpu.memory_space<hbm>> -> memref<1x6x8x128xf32, #tpu.memory_space<hbm>>
    %dma_start3A_152 = tpu.memref_squeeze %dma_start3A_151 : memref<1x6x8x128xf32, #tpu.memory_space<hbm>> -> memref<6x8x128xf32, #tpu.memory_space<hbm>>
    tpu.enqueue_dma source(%dma_start3A_152 : memref<6x8x128xf32, #tpu.memory_space<hbm>>) target(%dma_start3A_148 : memref<6x8x128xf32, #tpu.memory_space<vmem>>) target_semaphore(%arg6 : memref<!tpu.dma_semaphore, #tpu.memory_space<semaphore_mem>>)
    %dma_start3A_153 = arith.constant 12 : i32
    %dma_start3A_154 = arith.constant 12 : i32
    %dma_start3A_155 = arith.constant 0 : i32
    %dma_start3A_156 = arith.constant 0 : i32
    %dma_start3A_157 = arith.constant 0 : i32
    %dma_start3A_158 = tpu.memref_slice %arg4[%dma_start3A_154, %dma_start3A_155, %dma_start3A_156, %dma_start3A_157] : memref<14x6x8x128xf32, #tpu.memory_space<vmem>> -> memref<1x6x8x128xf32, #tpu.memory_space<vmem>>
    %dma_start3A_159 = tpu.memref_squeeze %dma_start3A_158 : memref<1x6x8x128xf32, #tpu.memory_space<vmem>> -> memref<6x8x128xf32, #tpu.memory_space<vmem>>
    %dma_start3A_160 = arith.constant 0 : i32
    %dma_start3A_161 = arith.constant 0 : i32
    %dma_start3A_162 = tpu.memref_slice %arg2[%dma_start3A_153, %mul3A_2, %dma_start3A_160, %dma_start3A_161] : memref<14x196x8x128xf32, #tpu.memory_space<hbm>> -> memref<1x6x8x128xf32, #tpu.memory_space<hbm>>
    %dma_start3A_163 = tpu.memref_squeeze %dma_start3A_162 : memref<1x6x8x128xf32, #tpu.memory_space<hbm>> -> memref<6x8x128xf32, #tpu.memory_space<hbm>>
    %dma_start3A_164 = arith.constant 0 : i32
    %dma_start3A_165 = arith.constant 0 : i32
    %dma_start3A_166 = arith.constant 0 : i32
    %dma_start3A_167 = tpu.memref_slice %arg4[%dma_start3A_154, %dma_start3A_164, %dma_start3A_165, %dma_start3A_166] : memref<14x6x8x128xf32, #tpu.memory_space<vmem>> -> memref<1x6x8x128xf32, #tpu.memory_space<vmem>>
    %dma_start3A_168 = tpu.memref_squeeze %dma_start3A_167 : memref<1x6x8x128xf32, #tpu.memory_space<vmem>> -> memref<6x8x128xf32, #tpu.memory_space<vmem>>
    %dma_start3A_169 = arith.constant 0 : i32
    %dma_start3A_170 = arith.constant 0 : i32
    %dma_start3A_171 = tpu.memref_slice %arg2[%dma_start3A_153, %mul3A_2, %dma_start3A_169, %dma_start3A_170] : memref<14x196x8x128xf32, #tpu.memory_space<hbm>> -> memref<1x6x8x128xf32, #tpu.memory_space<hbm>>
    %dma_start3A_172 = tpu.memref_squeeze %dma_start3A_171 : memref<1x6x8x128xf32, #tpu.memory_space<hbm>> -> memref<6x8x128xf32, #tpu.memory_space<hbm>>
    tpu.enqueue_dma source(%dma_start3A_172 : memref<6x8x128xf32, #tpu.memory_space<hbm>>) target(%dma_start3A_168 : memref<6x8x128xf32, #tpu.memory_space<vmem>>) target_semaphore(%arg6 : memref<!tpu.dma_semaphore, #tpu.memory_space<semaphore_mem>>)
    %dma_start3A_173 = arith.constant 13 : i32
    %dma_start3A_174 = arith.constant 13 : i32
    %dma_start3A_175 = arith.constant 0 : i32
    %dma_start3A_176 = arith.constant 0 : i32
    %dma_start3A_177 = arith.constant 0 : i32
    %dma_start3A_178 = tpu.memref_slice %arg4[%dma_start3A_174, %dma_start3A_175, %dma_start3A_176, %dma_start3A_177] : memref<14x6x8x128xf32, #tpu.memory_space<vmem>> -> memref<1x6x8x128xf32, #tpu.memory_space<vmem>>
    %dma_start3A_179 = tpu.memref_squeeze %dma_start3A_178 : memref<1x6x8x128xf32, #tpu.memory_space<vmem>> -> memref<6x8x128xf32, #tpu.memory_space<vmem>>
    %dma_start3A_180 = arith.constant 0 : i32
    %dma_start3A_181 = arith.constant 0 : i32
    %dma_start3A_182 = tpu.memref_slice %arg2[%dma_start3A_173, %mul3A_2, %dma_start3A_180, %dma_start3A_181] : memref<14x196x8x128xf32, #tpu.memory_space<hbm>> -> memref<1x6x8x128xf32, #tpu.memory_space<hbm>>
    %dma_start3A_183 = tpu.memref_squeeze %dma_start3A_182 : memref<1x6x8x128xf32, #tpu.memory_space<hbm>> -> memref<6x8x128xf32, #tpu.memory_space<hbm>>
    %dma_start3A_184 = arith.constant 0 : i32
    %dma_start3A_185 = arith.constant 0 : i32
    %dma_start3A_186 = arith.constant 0 : i32
    %dma_start3A_187 = tpu.memref_slice %arg4[%dma_start3A_174, %dma_start3A_184, %dma_start3A_185, %dma_start3A_186] : memref<14x6x8x128xf32, #tpu.memory_space<vmem>> -> memref<1x6x8x128xf32, #tpu.memory_space<vmem>>
    %dma_start3A_188 = tpu.memref_squeeze %dma_start3A_187 : memref<1x6x8x128xf32, #tpu.memory_space<vmem>> -> memref<6x8x128xf32, #tpu.memory_space<vmem>>
    %dma_start3A_189 = arith.constant 0 : i32
    %dma_start3A_190 = arith.constant 0 : i32
    %dma_start3A_191 = tpu.memref_slice %arg2[%dma_start3A_173, %mul3A_2, %dma_start3A_189, %dma_start3A_190] : memref<14x196x8x128xf32, #tpu.memory_space<hbm>> -> memref<1x6x8x128xf32, #tpu.memory_space<hbm>>
    %dma_start3A_192 = tpu.memref_squeeze %dma_start3A_191 : memref<1x6x8x128xf32, #tpu.memory_space<hbm>> -> memref<6x8x128xf32, #tpu.memory_space<hbm>>
    tpu.enqueue_dma source(%dma_start3A_192 : memref<6x8x128xf32, #tpu.memory_space<hbm>>) target(%dma_start3A_188 : memref<6x8x128xf32, #tpu.memory_space<vmem>>) target_semaphore(%arg6 : memref<!tpu.dma_semaphore, #tpu.memory_space<semaphore_mem>>)
    %dma_start3A_193 = arith.constant 0 : i32
    %dma_start3A_194 = arith.constant 0 : i32
    %dma_start3A_195 = arith.constant 0 : i32
    %dma_start3A_196 = arith.constant 0 : i32
    %dma_start3A_197 = arith.constant 0 : i32
    %dma_start3A_198 = tpu.memref_slice %arg4[%dma_start3A_194, %dma_start3A_195, %dma_start3A_196, %dma_start3A_197] : memref<14x6x8x128xf32, #tpu.memory_space<vmem>> -> memref<1x6x8x128xf32, #tpu.memory_space<vmem>>
    %dma_start3A_199 = tpu.memref_squeeze %dma_start3A_198 : memref<1x6x8x128xf32, #tpu.memory_space<vmem>> -> memref<6x8x128xf32, #tpu.memory_space<vmem>>
    %dma_start3A_200 = arith.constant 0 : i32
    %dma_start3A_201 = arith.constant 0 : i32
    %dma_start3A_202 = tpu.memref_slice %arg2[%dma_start3A_193, %mul3A_2, %dma_start3A_200, %dma_start3A_201] : memref<14x196x8x128xf32, #tpu.memory_space<hbm>> -> memref<1x6x8x128xf32, #tpu.memory_space<hbm>>
    %dma_start3A_203 = tpu.memref_squeeze %dma_start3A_202 : memref<1x6x8x128xf32, #tpu.memory_space<hbm>> -> memref<6x8x128xf32, #tpu.memory_space<hbm>>
    %dma_start3A_204 = arith.constant 0 : i32
    %dma_start3A_205 = arith.constant 0 : i32
    %dma_start3A_206 = arith.constant 0 : i32
    %dma_start3A_207 = tpu.memref_slice %arg4[%dma_start3A_194, %dma_start3A_204, %dma_start3A_205, %dma_start3A_206] : memref<14x6x8x128xf32, #tpu.memory_space<vmem>> -> memref<1x6x8x128xf32, #tpu.memory_space<vmem>>
    %dma_start3A_208 = tpu.memref_squeeze %dma_start3A_207 : memref<1x6x8x128xf32, #tpu.memory_space<vmem>> -> memref<6x8x128xf32, #tpu.memory_space<vmem>>
    %dma_start3A_209 = arith.constant 0 : i32
    %dma_start3A_210 = arith.constant 0 : i32
    %dma_start3A_211 = tpu.memref_slice %arg2[%dma_start3A_193, %mul3A_2, %dma_start3A_209, %dma_start3A_210] : memref<14x196x8x128xf32, #tpu.memory_space<hbm>> -> memref<1x6x8x128xf32, #tpu.memory_space<hbm>>
    %dma_start3A_212 = tpu.memref_squeeze %dma_start3A_211 : memref<1x6x8x128xf32, #tpu.memory_space<hbm>> -> memref<6x8x128xf32, #tpu.memory_space<hbm>>
    tpu.enqueue_dma source(%dma_start3A_212 : memref<6x8x128xf32, #tpu.memory_space<hbm>>) target(%dma_start3A_208 : memref<6x8x128xf32, #tpu.memory_space<vmem>>) target_semaphore(%arg7 : memref<!tpu.dma_semaphore, #tpu.memory_space<semaphore_mem>>)
    %dma_start3A_213 = arith.constant 1 : i32
    %dma_start3A_214 = arith.constant 1 : i32
    %dma_start3A_215 = arith.constant 0 : i32
    %dma_start3A_216 = arith.constant 0 : i32
    %dma_start3A_217 = arith.constant 0 : i32
    %dma_start3A_218 = tpu.memref_slice %arg4[%dma_start3A_214, %dma_start3A_215, %dma_start3A_216, %dma_start3A_217] : memref<14x6x8x128xf32, #tpu.memory_space<vmem>> -> memref<1x6x8x128xf32, #tpu.memory_space<vmem>>
    %dma_start3A_219 = tpu.memref_squeeze %dma_start3A_218 : memref<1x6x8x128xf32, #tpu.memory_space<vmem>> -> memref<6x8x128xf32, #tpu.memory_space<vmem>>
    %dma_start3A_220 = arith.constant 0 : i32
    %dma_start3A_221 = arith.constant 0 : i32
    %dma_start3A_222 = tpu.memref_slice %arg2[%dma_start3A_213, %mul3A_2, %dma_start3A_220, %dma_start3A_221] : memref<14x196x8x128xf32, #tpu.memory_space<hbm>> -> memref<1x6x8x128xf32, #tpu.memory_space<hbm>>
    %dma_start3A_223 = tpu.memref_squeeze %dma_start3A_222 : memref<1x6x8x128xf32, #tpu.memory_space<hbm>> -> memref<6x8x128xf32, #tpu.memory_space<hbm>>
    %dma_start3A_224 = arith.constant 0 : i32
    %dma_start3A_225 = arith.constant 0 : i32
    %dma_start3A_226 = arith.constant 0 : i32
    %dma_start3A_227 = tpu.memref_slice %arg4[%dma_start3A_214, %dma_start3A_224, %dma_start3A_225, %dma_start3A_226] : memref<14x6x8x128xf32, #tpu.memory_space<vmem>> -> memref<1x6x8x128xf32, #tpu.memory_space<vmem>>
    %dma_start3A_228 = tpu.memref_squeeze %dma_start3A_227 : memref<1x6x8x128xf32, #tpu.memory_space<vmem>> -> memref<6x8x128xf32, #tpu.memory_space<vmem>>
    %dma_start3A_229 = arith.constant 0 : i32
    %dma_start3A_230 = arith.constant 0 : i32
    %dma_start3A_231 = tpu.memref_slice %arg2[%dma_start3A_213, %mul3A_2, %dma_start3A_229, %dma_start3A_230] : memref<14x196x8x128xf32, #tpu.memory_space<hbm>> -> memref<1x6x8x128xf32, #tpu.memory_space<hbm>>
    %dma_start3A_232 = tpu.memref_squeeze %dma_start3A_231 : memref<1x6x8x128xf32, #tpu.memory_space<hbm>> -> memref<6x8x128xf32, #tpu.memory_space<hbm>>
    tpu.enqueue_dma source(%dma_start3A_232 : memref<6x8x128xf32, #tpu.memory_space<hbm>>) target(%dma_start3A_228 : memref<6x8x128xf32, #tpu.memory_space<vmem>>) target_semaphore(%arg7 : memref<!tpu.dma_semaphore, #tpu.memory_space<semaphore_mem>>)
    %dma_start3A_233 = arith.constant 2 : i32
    %dma_start3A_234 = arith.constant 2 : i32
    %dma_start3A_235 = arith.constant 0 : i32
    %dma_start3A_236 = arith.constant 0 : i32
    %dma_start3A_237 = arith.constant 0 : i32
    %dma_start3A_238 = tpu.memref_slice %arg4[%dma_start3A_234, %dma_start3A_235, %dma_start3A_236, %dma_start3A_237] : memref<14x6x8x128xf32, #tpu.memory_space<vmem>> -> memref<1x6x8x128xf32, #tpu.memory_space<vmem>>
    %dma_start3A_239 = tpu.memref_squeeze %dma_start3A_238 : memref<1x6x8x128xf32, #tpu.memory_space<vmem>> -> memref<6x8x128xf32, #tpu.memory_space<vmem>>
    %dma_start3A_240 = arith.constant 0 : i32
    %dma_start3A_241 = arith.constant 0 : i32
    %dma_start3A_242 = tpu.memref_slice %arg2[%dma_start3A_233, %mul3A_2, %dma_start3A_240, %dma_start3A_241] : memref<14x196x8x128xf32, #tpu.memory_space<hbm>> -> memref<1x6x8x128xf32, #tpu.memory_space<hbm>>
    %dma_start3A_243 = tpu.memref_squeeze %dma_start3A_242 : memref<1x6x8x128xf32, #tpu.memory_space<hbm>> -> memref<6x8x128xf32, #tpu.memory_space<hbm>>
    %dma_start3A_244 = arith.constant 0 : i32
    %dma_start3A_245 = arith.constant 0 : i32
    %dma_start3A_246 = arith.constant 0 : i32
    %dma_start3A_247 = tpu.memref_slice %arg4[%dma_start3A_234, %dma_start3A_244, %dma_start3A_245, %dma_start3A_246] : memref<14x6x8x128xf32, #tpu.memory_space<vmem>> -> memref<1x6x8x128xf32, #tpu.memory_space<vmem>>
    %dma_start3A_248 = tpu.memref_squeeze %dma_start3A_247 : memref<1x6x8x128xf32, #tpu.memory_space<vmem>> -> memref<6x8x128xf32, #tpu.memory_space<vmem>>
    %dma_start3A_249 = arith.constant 0 : i32
    %dma_start3A_250 = arith.constant 0 : i32
    %dma_start3A_251 = tpu.memref_slice %arg2[%dma_start3A_233, %mul3A_2, %dma_start3A_249, %dma_start3A_250] : memref<14x196x8x128xf32, #tpu.memory_space<hbm>> -> memref<1x6x8x128xf32, #tpu.memory_space<hbm>>
    %dma_start3A_252 = tpu.memref_squeeze %dma_start3A_251 : memref<1x6x8x128xf32, #tpu.memory_space<hbm>> -> memref<6x8x128xf32, #tpu.memory_space<hbm>>
    tpu.enqueue_dma source(%dma_start3A_252 : memref<6x8x128xf32, #tpu.memory_space<hbm>>) target(%dma_start3A_248 : memref<6x8x128xf32, #tpu.memory_space<vmem>>) target_semaphore(%arg7 : memref<!tpu.dma_semaphore, #tpu.memory_space<semaphore_mem>>)
    %dma_start3A_253 = arith.constant 3 : i32
    %dma_start3A_254 = arith.constant 3 : i32
    %dma_start3A_255 = arith.constant 0 : i32
    %dma_start3A_256 = arith.constant 0 : i32
    %dma_start3A_257 = arith.constant 0 : i32
    %dma_start3A_258 = tpu.memref_slice %arg4[%dma_start3A_254, %dma_start3A_255, %dma_start3A_256, %dma_start3A_257] : memref<14x6x8x128xf32, #tpu.memory_space<vmem>> -> memref<1x6x8x128xf32, #tpu.memory_space<vmem>>
    %dma_start3A_259 = tpu.memref_squeeze %dma_start3A_258 : memref<1x6x8x128xf32, #tpu.memory_space<vmem>> -> memref<6x8x128xf32, #tpu.memory_space<vmem>>
    %dma_start3A_260 = arith.constant 0 : i32
    %dma_start3A_261 = arith.constant 0 : i32
    %dma_start3A_262 = tpu.memref_slice %arg2[%dma_start3A_253, %mul3A_2, %dma_start3A_260, %dma_start3A_261] : memref<14x196x8x128xf32, #tpu.memory_space<hbm>> -> memref<1x6x8x128xf32, #tpu.memory_space<hbm>>
    %dma_start3A_263 = tpu.memref_squeeze %dma_start3A_262 : memref<1x6x8x128xf32, #tpu.memory_space<hbm>> -> memref<6x8x128xf32, #tpu.memory_space<hbm>>
    %dma_start3A_264 = arith.constant 0 : i32
    %dma_start3A_265 = arith.constant 0 : i32
    %dma_start3A_266 = arith.constant 0 : i32
    %dma_start3A_267 = tpu.memref_slice %arg4[%dma_start3A_254, %dma_start3A_264, %dma_start3A_265, %dma_start3A_266] : memref<14x6x8x128xf32, #tpu.memory_space<vmem>> -> memref<1x6x8x128xf32, #tpu.memory_space<vmem>>
    %dma_start3A_268 = tpu.memref_squeeze %dma_start3A_267 : memref<1x6x8x128xf32, #tpu.memory_space<vmem>> -> memref<6x8x128xf32, #tpu.memory_space<vmem>>
    %dma_start3A_269 = arith.constant 0 : i32
    %dma_start3A_270 = arith.constant 0 : i32
    %dma_start3A_271 = tpu.memref_slice %arg2[%dma_start3A_253, %mul3A_2, %dma_start3A_269, %dma_start3A_270] : memref<14x196x8x128xf32, #tpu.memory_space<hbm>> -> memref<1x6x8x128xf32, #tpu.memory_space<hbm>>
    %dma_start3A_272 = tpu.memref_squeeze %dma_start3A_271 : memref<1x6x8x128xf32, #tpu.memory_space<hbm>> -> memref<6x8x128xf32, #tpu.memory_space<hbm>>
    tpu.enqueue_dma source(%dma_start3A_272 : memref<6x8x128xf32, #tpu.memory_space<hbm>>) target(%dma_start3A_268 : memref<6x8x128xf32, #tpu.memory_space<vmem>>) target_semaphore(%arg7 : memref<!tpu.dma_semaphore, #tpu.memory_space<semaphore_mem>>)
    %dma_start3A_273 = arith.constant 4 : i32
    %dma_start3A_274 = arith.constant 4 : i32
    %dma_start3A_275 = arith.constant 0 : i32
    %dma_start3A_276 = arith.constant 0 : i32
    %dma_start3A_277 = arith.constant 0 : i32
    %dma_start3A_278 = tpu.memref_slice %arg4[%dma_start3A_274, %dma_start3A_275, %dma_start3A_276, %dma_start3A_277] : memref<14x6x8x128xf32, #tpu.memory_space<vmem>> -> memref<1x6x8x128xf32, #tpu.memory_space<vmem>>
    %dma_start3A_279 = tpu.memref_squeeze %dma_start3A_278 : memref<1x6x8x128xf32, #tpu.memory_space<vmem>> -> memref<6x8x128xf32, #tpu.memory_space<vmem>>
    %dma_start3A_280 = arith.constant 0 : i32
    %dma_start3A_281 = arith.constant 0 : i32
    %dma_start3A_282 = tpu.memref_slice %arg2[%dma_start3A_273, %mul3A_2, %dma_start3A_280, %dma_start3A_281] : memref<14x196x8x128xf32, #tpu.memory_space<hbm>> -> memref<1x6x8x128xf32, #tpu.memory_space<hbm>>
    %dma_start3A_283 = tpu.memref_squeeze %dma_start3A_282 : memref<1x6x8x128xf32, #tpu.memory_space<hbm>> -> memref<6x8x128xf32, #tpu.memory_space<hbm>>
    %dma_start3A_284 = arith.constant 0 : i32
    %dma_start3A_285 = arith.constant 0 : i32
    %dma_start3A_286 = arith.constant 0 : i32
    %dma_start3A_287 = tpu.memref_slice %arg4[%dma_start3A_274, %dma_start3A_284, %dma_start3A_285, %dma_start3A_286] : memref<14x6x8x128xf32, #tpu.memory_space<vmem>> -> memref<1x6x8x128xf32, #tpu.memory_space<vmem>>
    %dma_start3A_288 = tpu.memref_squeeze %dma_start3A_287 : memref<1x6x8x128xf32, #tpu.memory_space<vmem>> -> memref<6x8x128xf32, #tpu.memory_space<vmem>>
    %dma_start3A_289 = arith.constant 0 : i32
    %dma_start3A_290 = arith.constant 0 : i32
    %dma_start3A_291 = tpu.memref_slice %arg2[%dma_start3A_273, %mul3A_2, %dma_start3A_289, %dma_start3A_290] : memref<14x196x8x128xf32, #tpu.memory_space<hbm>> -> memref<1x6x8x128xf32, #tpu.memory_space<hbm>>
    %dma_start3A_292 = tpu.memref_squeeze %dma_start3A_291 : memref<1x6x8x128xf32, #tpu.memory_space<hbm>> -> memref<6x8x128xf32, #tpu.memory_space<hbm>>
    tpu.enqueue_dma source(%dma_start3A_292 : memref<6x8x128xf32, #tpu.memory_space<hbm>>) target(%dma_start3A_288 : memref<6x8x128xf32, #tpu.memory_space<vmem>>) target_semaphore(%arg7 : memref<!tpu.dma_semaphore, #tpu.memory_space<semaphore_mem>>)
    %dma_start3A_293 = arith.constant 5 : i32
    %dma_start3A_294 = arith.constant 5 : i32
    %dma_start3A_295 = arith.constant 0 : i32
    %dma_start3A_296 = arith.constant 0 : i32
    %dma_start3A_297 = arith.constant 0 : i32
    %dma_start3A_298 = tpu.memref_slice %arg4[%dma_start3A_294, %dma_start3A_295, %dma_start3A_296, %dma_start3A_297] : memref<14x6x8x128xf32, #tpu.memory_space<vmem>> -> memref<1x6x8x128xf32, #tpu.memory_space<vmem>>
    %dma_start3A_299 = tpu.memref_squeeze %dma_start3A_298 : memref<1x6x8x128xf32, #tpu.memory_space<vmem>> -> memref<6x8x128xf32, #tpu.memory_space<vmem>>
    %dma_start3A_300 = arith.constant 0 : i32
    %dma_start3A_301 = arith.constant 0 : i32
    %dma_start3A_302 = tpu.memref_slice %arg2[%dma_start3A_293, %mul3A_2, %dma_start3A_300, %dma_start3A_301] : memref<14x196x8x128xf32, #tpu.memory_space<hbm>> -> memref<1x6x8x128xf32, #tpu.memory_space<hbm>>
    %dma_start3A_303 = tpu.memref_squeeze %dma_start3A_302 : memref<1x6x8x128xf32, #tpu.memory_space<hbm>> -> memref<6x8x128xf32, #tpu.memory_space<hbm>>
    %dma_start3A_304 = arith.constant 0 : i32
    %dma_start3A_305 = arith.constant 0 : i32
    %dma_start3A_306 = arith.constant 0 : i32
    %dma_start3A_307 = tpu.memref_slice %arg4[%dma_start3A_294, %dma_start3A_304, %dma_start3A_305, %dma_start3A_306] : memref<14x6x8x128xf32, #tpu.memory_space<vmem>> -> memref<1x6x8x128xf32, #tpu.memory_space<vmem>>
    %dma_start3A_308 = tpu.memref_squeeze %dma_start3A_307 : memref<1x6x8x128xf32, #tpu.memory_space<vmem>> -> memref<6x8x128xf32, #tpu.memory_space<vmem>>
    %dma_start3A_309 = arith.constant 0 : i32
    %dma_start3A_310 = arith.constant 0 : i32
    %dma_start3A_311 = tpu.memref_slice %arg2[%dma_start3A_293, %mul3A_2, %dma_start3A_309, %dma_start3A_310] : memref<14x196x8x128xf32, #tpu.memory_space<hbm>> -> memref<1x6x8x128xf32, #tpu.memory_space<hbm>>
    %dma_start3A_312 = tpu.memref_squeeze %dma_start3A_311 : memref<1x6x8x128xf32, #tpu.memory_space<hbm>> -> memref<6x8x128xf32, #tpu.memory_space<hbm>>
    tpu.enqueue_dma source(%dma_start3A_312 : memref<6x8x128xf32, #tpu.memory_space<hbm>>) target(%dma_start3A_308 : memref<6x8x128xf32, #tpu.memory_space<vmem>>) target_semaphore(%arg7 : memref<!tpu.dma_semaphore, #tpu.memory_space<semaphore_mem>>)
    %dma_start3A_313 = arith.constant 6 : i32
    %dma_start3A_314 = arith.constant 6 : i32
    %dma_start3A_315 = arith.constant 0 : i32
    %dma_start3A_316 = arith.constant 0 : i32
    %dma_start3A_317 = arith.constant 0 : i32
    %dma_start3A_318 = tpu.memref_slice %arg4[%dma_start3A_314, %dma_start3A_315, %dma_start3A_316, %dma_start3A_317] : memref<14x6x8x128xf32, #tpu.memory_space<vmem>> -> memref<1x6x8x128xf32, #tpu.memory_space<vmem>>
    %dma_start3A_319 = tpu.memref_squeeze %dma_start3A_318 : memref<1x6x8x128xf32, #tpu.memory_space<vmem>> -> memref<6x8x128xf32, #tpu.memory_space<vmem>>
    %dma_start3A_320 = arith.constant 0 : i32
    %dma_start3A_321 = arith.constant 0 : i32
    %dma_start3A_322 = tpu.memref_slice %arg2[%dma_start3A_313, %mul3A_2, %dma_start3A_320, %dma_start3A_321] : memref<14x196x8x128xf32, #tpu.memory_space<hbm>> -> memref<1x6x8x128xf32, #tpu.memory_space<hbm>>
    %dma_start3A_323 = tpu.memref_squeeze %dma_start3A_322 : memref<1x6x8x128xf32, #tpu.memory_space<hbm>> -> memref<6x8x128xf32, #tpu.memory_space<hbm>>
    %dma_start3A_324 = arith.constant 0 : i32
    %dma_start3A_325 = arith.constant 0 : i32
    %dma_start3A_326 = arith.constant 0 : i32
    %dma_start3A_327 = tpu.memref_slice %arg4[%dma_start3A_314, %dma_start3A_324, %dma_start3A_325, %dma_start3A_326] : memref<14x6x8x128xf32, #tpu.memory_space<vmem>> -> memref<1x6x8x128xf32, #tpu.memory_space<vmem>>
    %dma_start3A_328 = tpu.memref_squeeze %dma_start3A_327 : memref<1x6x8x128xf32, #tpu.memory_space<vmem>> -> memref<6x8x128xf32, #tpu.memory_space<vmem>>
    %dma_start3A_329 = arith.constant 0 : i32
    %dma_start3A_330 = arith.constant 0 : i32
    %dma_start3A_331 = tpu.memref_slice %arg2[%dma_start3A_313, %mul3A_2, %dma_start3A_329, %dma_start3A_330] : memref<14x196x8x128xf32, #tpu.memory_space<hbm>> -> memref<1x6x8x128xf32, #tpu.memory_space<hbm>>
    %dma_start3A_332 = tpu.memref_squeeze %dma_start3A_331 : memref<1x6x8x128xf32, #tpu.memory_space<hbm>> -> memref<6x8x128xf32, #tpu.memory_space<hbm>>
    tpu.enqueue_dma source(%dma_start3A_332 : memref<6x8x128xf32, #tpu.memory_space<hbm>>) target(%dma_start3A_328 : memref<6x8x128xf32, #tpu.memory_space<vmem>>) target_semaphore(%arg7 : memref<!tpu.dma_semaphore, #tpu.memory_space<semaphore_mem>>)
    %dma_start3A_333 = arith.constant 7 : i32
    %dma_start3A_334 = arith.constant 7 : i32
    %dma_start3A_335 = arith.constant 0 : i32
    %dma_start3A_336 = arith.constant 0 : i32
    %dma_start3A_337 = arith.constant 0 : i32
    %dma_start3A_338 = tpu.memref_slice %arg4[%dma_start3A_334, %dma_start3A_335, %dma_start3A_336, %dma_start3A_337] : memref<14x6x8x128xf32, #tpu.memory_space<vmem>> -> memref<1x6x8x128xf32, #tpu.memory_space<vmem>>
    %dma_start3A_339 = tpu.memref_squeeze %dma_start3A_338 : memref<1x6x8x128xf32, #tpu.memory_space<vmem>> -> memref<6x8x128xf32, #tpu.memory_space<vmem>>
    %dma_start3A_340 = arith.constant 0 : i32
    %dma_start3A_341 = arith.constant 0 : i32
    %dma_start3A_342 = tpu.memref_slice %arg2[%dma_start3A_333, %mul3A_2, %dma_start3A_340, %dma_start3A_341] : memref<14x196x8x128xf32, #tpu.memory_space<hbm>> -> memref<1x6x8x128xf32, #tpu.memory_space<hbm>>
    %dma_start3A_343 = tpu.memref_squeeze %dma_start3A_342 : memref<1x6x8x128xf32, #tpu.memory_space<hbm>> -> memref<6x8x128xf32, #tpu.memory_space<hbm>>
    %dma_start3A_344 = arith.constant 0 : i32
    %dma_start3A_345 = arith.constant 0 : i32
    %dma_start3A_346 = arith.constant 0 : i32
    %dma_start3A_347 = tpu.memref_slice %arg4[%dma_start3A_334, %dma_start3A_344, %dma_start3A_345, %dma_start3A_346] : memref<14x6x8x128xf32, #tpu.memory_space<vmem>> -> memref<1x6x8x128xf32, #tpu.memory_space<vmem>>
    %dma_start3A_348 = tpu.memref_squeeze %dma_start3A_347 : memref<1x6x8x128xf32, #tpu.memory_space<vmem>> -> memref<6x8x128xf32, #tpu.memory_space<vmem>>
    %dma_start3A_349 = arith.constant 0 : i32
    %dma_start3A_350 = arith.constant 0 : i32
    %dma_start3A_351 = tpu.memref_slice %arg2[%dma_start3A_333, %mul3A_2, %dma_start3A_349, %dma_start3A_350] : memref<14x196x8x128xf32, #tpu.memory_space<hbm>> -> memref<1x6x8x128xf32, #tpu.memory_space<hbm>>
    %dma_start3A_352 = tpu.memref_squeeze %dma_start3A_351 : memref<1x6x8x128xf32, #tpu.memory_space<hbm>> -> memref<6x8x128xf32, #tpu.memory_space<hbm>>
    tpu.enqueue_dma source(%dma_start3A_352 : memref<6x8x128xf32, #tpu.memory_space<hbm>>) target(%dma_start3A_348 : memref<6x8x128xf32, #tpu.memory_space<vmem>>) target_semaphore(%arg7 : memref<!tpu.dma_semaphore, #tpu.memory_space<semaphore_mem>>)
    %dma_start3A_353 = arith.constant 8 : i32
    %dma_start3A_354 = arith.constant 0 : i32
    %dma_start3A_355 = arith.constant 0 : i32
    %dma_start3A_356 = arith.constant 0 : i32
    %dma_start3A_357 = arith.constant 0 : i32
    %dma_start3A_358 = tpu.memref_slice %arg5[%dma_start3A_354, %dma_start3A_355, %dma_start3A_356, %dma_start3A_357] : memref<9x4x8x128xf32, #tpu.memory_space<vmem>> -> memref<1x4x8x128xf32, #tpu.memory_space<vmem>>
    %dma_start3A_359 = tpu.memref_squeeze %dma_start3A_358 : memref<1x4x8x128xf32, #tpu.memory_space<vmem>> -> memref<4x8x128xf32, #tpu.memory_space<vmem>>
    %dma_start3A_360 = arith.constant 192 : i32
    %dma_start3A_361 = arith.constant 0 : i32
    %dma_start3A_362 = arith.constant 0 : i32
    %dma_start3A_363 = tpu.memref_slice %arg2[%dma_start3A_353, %dma_start3A_360, %dma_start3A_361, %dma_start3A_362] : memref<14x196x8x128xf32, #tpu.memory_space<hbm>> -> memref<1x4x8x128xf32, #tpu.memory_space<hbm>>
    %dma_start3A_364 = tpu.memref_squeeze %dma_start3A_363 : memref<1x4x8x128xf32, #tpu.memory_space<hbm>> -> memref<4x8x128xf32, #tpu.memory_space<hbm>>
    %dma_start3A_365 = arith.constant 0 : i32
    %dma_start3A_366 = arith.constant 0 : i32
    %dma_start3A_367 = arith.constant 0 : i32
    %dma_start3A_368 = tpu.memref_slice %arg5[%dma_start3A_354, %dma_start3A_365, %dma_start3A_366, %dma_start3A_367] : memref<9x4x8x128xf32, #tpu.memory_space<vmem>> -> memref<1x4x8x128xf32, #tpu.memory_space<vmem>>
    %dma_start3A_369 = tpu.memref_squeeze %dma_start3A_368 : memref<1x4x8x128xf32, #tpu.memory_space<vmem>> -> memref<4x8x128xf32, #tpu.memory_space<vmem>>
    %dma_start3A_370 = arith.constant 192 : i32
    %dma_start3A_371 = arith.constant 0 : i32
    %dma_start3A_372 = arith.constant 0 : i32
    %dma_start3A_373 = tpu.memref_slice %arg2[%dma_start3A_353, %dma_start3A_370, %dma_start3A_371, %dma_start3A_372] : memref<14x196x8x128xf32, #tpu.memory_space<hbm>> -> memref<1x4x8x128xf32, #tpu.memory_space<hbm>>
    %dma_start3A_374 = tpu.memref_squeeze %dma_start3A_373 : memref<1x4x8x128xf32, #tpu.memory_space<hbm>> -> memref<4x8x128xf32, #tpu.memory_space<hbm>>
    tpu.enqueue_dma source(%dma_start3A_374 : memref<4x8x128xf32, #tpu.memory_space<hbm>>) target(%dma_start3A_369 : memref<4x8x128xf32, #tpu.memory_space<vmem>>) target_semaphore(%arg8 : memref<!tpu.dma_semaphore, #tpu.memory_space<semaphore_mem>>)
    %dma_start3A_375 = arith.constant 9 : i32
    %dma_start3A_376 = arith.constant 1 : i32
    %dma_start3A_377 = arith.constant 0 : i32
    %dma_start3A_378 = arith.constant 0 : i32
    %dma_start3A_379 = arith.constant 0 : i32
    %dma_start3A_380 = tpu.memref_slice %arg5[%dma_start3A_376, %dma_start3A_377, %dma_start3A_378, %dma_start3A_379] : memref<9x4x8x128xf32, #tpu.memory_space<vmem>> -> memref<1x4x8x128xf32, #tpu.memory_space<vmem>>
    %dma_start3A_381 = tpu.memref_squeeze %dma_start3A_380 : memref<1x4x8x128xf32, #tpu.memory_space<vmem>> -> memref<4x8x128xf32, #tpu.memory_space<vmem>>
    %dma_start3A_382 = arith.constant 192 : i32
    %dma_start3A_383 = arith.constant 0 : i32
    %dma_start3A_384 = arith.constant 0 : i32
    %dma_start3A_385 = tpu.memref_slice %arg2[%dma_start3A_375, %dma_start3A_382, %dma_start3A_383, %dma_start3A_384] : memref<14x196x8x128xf32, #tpu.memory_space<hbm>> -> memref<1x4x8x128xf32, #tpu.memory_space<hbm>>
    %dma_start3A_386 = tpu.memref_squeeze %dma_start3A_385 : memref<1x4x8x128xf32, #tpu.memory_space<hbm>> -> memref<4x8x128xf32, #tpu.memory_space<hbm>>
    %dma_start3A_387 = arith.constant 0 : i32
    %dma_start3A_388 = arith.constant 0 : i32
    %dma_start3A_389 = arith.constant 0 : i32
    %dma_start3A_390 = tpu.memref_slice %arg5[%dma_start3A_376, %dma_start3A_387, %dma_start3A_388, %dma_start3A_389] : memref<9x4x8x128xf32, #tpu.memory_space<vmem>> -> memref<1x4x8x128xf32, #tpu.memory_space<vmem>>
    %dma_start3A_391 = tpu.memref_squeeze %dma_start3A_390 : memref<1x4x8x128xf32, #tpu.memory_space<vmem>> -> memref<4x8x128xf32, #tpu.memory_space<vmem>>
    %dma_start3A_392 = arith.constant 192 : i32
    %dma_start3A_393 = arith.constant 0 : i32
    %dma_start3A_394 = arith.constant 0 : i32
    %dma_start3A_395 = tpu.memref_slice %arg2[%dma_start3A_375, %dma_start3A_392, %dma_start3A_393, %dma_start3A_394] : memref<14x196x8x128xf32, #tpu.memory_space<hbm>> -> memref<1x4x8x128xf32, #tpu.memory_space<hbm>>
    %dma_start3A_396 = tpu.memref_squeeze %dma_start3A_395 : memref<1x4x8x128xf32, #tpu.memory_space<hbm>> -> memref<4x8x128xf32, #tpu.memory_space<hbm>>
    tpu.enqueue_dma source(%dma_start3A_396 : memref<4x8x128xf32, #tpu.memory_space<hbm>>) target(%dma_start3A_391 : memref<4x8x128xf32, #tpu.memory_space<vmem>>) target_semaphore(%arg8 : memref<!tpu.dma_semaphore, #tpu.memory_space<semaphore_mem>>)
    %dma_start3A_397 = arith.constant 10 : i32
    %dma_start3A_398 = arith.constant 2 : i32
    %dma_start3A_399 = arith.constant 0 : i32
    %dma_start3A_400 = arith.constant 0 : i32
    %dma_start3A_401 = arith.constant 0 : i32
    %dma_start3A_402 = tpu.memref_slice %arg5[%dma_start3A_398, %dma_start3A_399, %dma_start3A_400, %dma_start3A_401] : memref<9x4x8x128xf32, #tpu.memory_space<vmem>> -> memref<1x4x8x128xf32, #tpu.memory_space<vmem>>
    %dma_start3A_403 = tpu.memref_squeeze %dma_start3A_402 : memref<1x4x8x128xf32, #tpu.memory_space<vmem>> -> memref<4x8x128xf32, #tpu.memory_space<vmem>>
    %dma_start3A_404 = arith.constant 192 : i32
    %dma_start3A_405 = arith.constant 0 : i32
    %dma_start3A_406 = arith.constant 0 : i32
    %dma_start3A_407 = tpu.memref_slice %arg2[%dma_start3A_397, %dma_start3A_404, %dma_start3A_405, %dma_start3A_406] : memref<14x196x8x128xf32, #tpu.memory_space<hbm>> -> memref<1x4x8x128xf32, #tpu.memory_space<hbm>>
    %dma_start3A_408 = tpu.memref_squeeze %dma_start3A_407 : memref<1x4x8x128xf32, #tpu.memory_space<hbm>> -> memref<4x8x128xf32, #tpu.memory_space<hbm>>
    %dma_start3A_409 = arith.constant 0 : i32
    %dma_start3A_410 = arith.constant 0 : i32
    %dma_start3A_411 = arith.constant 0 : i32
    %dma_start3A_412 = tpu.memref_slice %arg5[%dma_start3A_398, %dma_start3A_409, %dma_start3A_410, %dma_start3A_411] : memref<9x4x8x128xf32, #tpu.memory_space<vmem>> -> memref<1x4x8x128xf32, #tpu.memory_space<vmem>>
    %dma_start3A_413 = tpu.memref_squeeze %dma_start3A_412 : memref<1x4x8x128xf32, #tpu.memory_space<vmem>> -> memref<4x8x128xf32, #tpu.memory_space<vmem>>
    %dma_start3A_414 = arith.constant 192 : i32
    %dma_start3A_415 = arith.constant 0 : i32
    %dma_start3A_416 = arith.constant 0 : i32
    %dma_start3A_417 = tpu.memref_slice %arg2[%dma_start3A_397, %dma_start3A_414, %dma_start3A_415, %dma_start3A_416] : memref<14x196x8x128xf32, #tpu.memory_space<hbm>> -> memref<1x4x8x128xf32, #tpu.memory_space<hbm>>
    %dma_start3A_418 = tpu.memref_squeeze %dma_start3A_417 : memref<1x4x8x128xf32, #tpu.memory_space<hbm>> -> memref<4x8x128xf32, #tpu.memory_space<hbm>>
    tpu.enqueue_dma source(%dma_start3A_418 : memref<4x8x128xf32, #tpu.memory_space<hbm>>) target(%dma_start3A_413 : memref<4x8x128xf32, #tpu.memory_space<vmem>>) target_semaphore(%arg8 : memref<!tpu.dma_semaphore, #tpu.memory_space<semaphore_mem>>)
    %dma_start3A_419 = arith.constant 11 : i32
    %dma_start3A_420 = arith.constant 3 : i32
    %dma_start3A_421 = arith.constant 0 : i32
    %dma_start3A_422 = arith.constant 0 : i32
    %dma_start3A_423 = arith.constant 0 : i32
    %dma_start3A_424 = tpu.memref_slice %arg5[%dma_start3A_420, %dma_start3A_421, %dma_start3A_422, %dma_start3A_423] : memref<9x4x8x128xf32, #tpu.memory_space<vmem>> -> memref<1x4x8x128xf32, #tpu.memory_space<vmem>>
    %dma_start3A_425 = tpu.memref_squeeze %dma_start3A_424 : memref<1x4x8x128xf32, #tpu.memory_space<vmem>> -> memref<4x8x128xf32, #tpu.memory_space<vmem>>
    %dma_start3A_426 = arith.constant 192 : i32
    %dma_start3A_427 = arith.constant 0 : i32
    %dma_start3A_428 = arith.constant 0 : i32
    %dma_start3A_429 = tpu.memref_slice %arg2[%dma_start3A_419, %dma_start3A_426, %dma_start3A_427, %dma_start3A_428] : memref<14x196x8x128xf32, #tpu.memory_space<hbm>> -> memref<1x4x8x128xf32, #tpu.memory_space<hbm>>
    %dma_start3A_430 = tpu.memref_squeeze %dma_start3A_429 : memref<1x4x8x128xf32, #tpu.memory_space<hbm>> -> memref<4x8x128xf32, #tpu.memory_space<hbm>>
    %dma_start3A_431 = arith.constant 0 : i32
    %dma_start3A_432 = arith.constant 0 : i32
    %dma_start3A_433 = arith.constant 0 : i32
    %dma_start3A_434 = tpu.memref_slice %arg5[%dma_start3A_420, %dma_start3A_431, %dma_start3A_432, %dma_start3A_433] : memref<9x4x8x128xf32, #tpu.memory_space<vmem>> -> memref<1x4x8x128xf32, #tpu.memory_space<vmem>>
    %dma_start3A_435 = tpu.memref_squeeze %dma_start3A_434 : memref<1x4x8x128xf32, #tpu.memory_space<vmem>> -> memref<4x8x128xf32, #tpu.memory_space<vmem>>
    %dma_start3A_436 = arith.constant 192 : i32
    %dma_start3A_437 = arith.constant 0 : i32
    %dma_start3A_438 = arith.constant 0 : i32
    %dma_start3A_439 = tpu.memref_slice %arg2[%dma_start3A_419, %dma_start3A_436, %dma_start3A_437, %dma_start3A_438] : memref<14x196x8x128xf32, #tpu.memory_space<hbm>> -> memref<1x4x8x128xf32, #tpu.memory_space<hbm>>
    %dma_start3A_440 = tpu.memref_squeeze %dma_start3A_439 : memref<1x4x8x128xf32, #tpu.memory_space<hbm>> -> memref<4x8x128xf32, #tpu.memory_space<hbm>>
    tpu.enqueue_dma source(%dma_start3A_440 : memref<4x8x128xf32, #tpu.memory_space<hbm>>) target(%dma_start3A_435 : memref<4x8x128xf32, #tpu.memory_space<vmem>>) target_semaphore(%arg8 : memref<!tpu.dma_semaphore, #tpu.memory_space<semaphore_mem>>)
    %dma_start3A_441 = arith.constant 12 : i32
    %dma_start3A_442 = arith.constant 4 : i32
    %dma_start3A_443 = arith.constant 0 : i32
    %dma_start3A_444 = arith.constant 0 : i32
    %dma_start3A_445 = arith.constant 0 : i32
    %dma_start3A_446 = tpu.memref_slice %arg5[%dma_start3A_442, %dma_start3A_443, %dma_start3A_444, %dma_start3A_445] : memref<9x4x8x128xf32, #tpu.memory_space<vmem>> -> memref<1x4x8x128xf32, #tpu.memory_space<vmem>>
    %dma_start3A_447 = tpu.memref_squeeze %dma_start3A_446 : memref<1x4x8x128xf32, #tpu.memory_space<vmem>> -> memref<4x8x128xf32, #tpu.memory_space<vmem>>
    %dma_start3A_448 = arith.constant 192 : i32
    %dma_start3A_449 = arith.constant 0 : i32
    %dma_start3A_450 = arith.constant 0 : i32
    %dma_start3A_451 = tpu.memref_slice %arg2[%dma_start3A_441, %dma_start3A_448, %dma_start3A_449, %dma_start3A_450] : memref<14x196x8x128xf32, #tpu.memory_space<hbm>> -> memref<1x4x8x128xf32, #tpu.memory_space<hbm>>
    %dma_start3A_452 = tpu.memref_squeeze %dma_start3A_451 : memref<1x4x8x128xf32, #tpu.memory_space<hbm>> -> memref<4x8x128xf32, #tpu.memory_space<hbm>>
    %dma_start3A_453 = arith.constant 0 : i32
    %dma_start3A_454 = arith.constant 0 : i32
    %dma_start3A_455 = arith.constant 0 : i32
    %dma_start3A_456 = tpu.memref_slice %arg5[%dma_start3A_442, %dma_start3A_453, %dma_start3A_454, %dma_start3A_455] : memref<9x4x8x128xf32, #tpu.memory_space<vmem>> -> memref<1x4x8x128xf32, #tpu.memory_space<vmem>>
    %dma_start3A_457 = tpu.memref_squeeze %dma_start3A_456 : memref<1x4x8x128xf32, #tpu.memory_space<vmem>> -> memref<4x8x128xf32, #tpu.memory_space<vmem>>
    %dma_start3A_458 = arith.constant 192 : i32
    %dma_start3A_459 = arith.constant 0 : i32
    %dma_start3A_460 = arith.constant 0 : i32
    %dma_start3A_461 = tpu.memref_slice %arg2[%dma_start3A_441, %dma_start3A_458, %dma_start3A_459, %dma_start3A_460] : memref<14x196x8x128xf32, #tpu.memory_space<hbm>> -> memref<1x4x8x128xf32, #tpu.memory_space<hbm>>
    %dma_start3A_462 = tpu.memref_squeeze %dma_start3A_461 : memref<1x4x8x128xf32, #tpu.memory_space<hbm>> -> memref<4x8x128xf32, #tpu.memory_space<hbm>>
    tpu.enqueue_dma source(%dma_start3A_462 : memref<4x8x128xf32, #tpu.memory_space<hbm>>) target(%dma_start3A_457 : memref<4x8x128xf32, #tpu.memory_space<vmem>>) target_semaphore(%arg8 : memref<!tpu.dma_semaphore, #tpu.memory_space<semaphore_mem>>)
    %dma_start3A_463 = arith.constant 13 : i32
    %dma_start3A_464 = arith.constant 5 : i32
    %dma_start3A_465 = arith.constant 0 : i32
    %dma_start3A_466 = arith.constant 0 : i32
    %dma_start3A_467 = arith.constant 0 : i32
    %dma_start3A_468 = tpu.memref_slice %arg5[%dma_start3A_464, %dma_start3A_465, %dma_start3A_466, %dma_start3A_467] : memref<9x4x8x128xf32, #tpu.memory_space<vmem>> -> memref<1x4x8x128xf32, #tpu.memory_space<vmem>>
    %dma_start3A_469 = tpu.memref_squeeze %dma_start3A_468 : memref<1x4x8x128xf32, #tpu.memory_space<vmem>> -> memref<4x8x128xf32, #tpu.memory_space<vmem>>
    %dma_start3A_470 = arith.constant 192 : i32
    %dma_start3A_471 = arith.constant 0 : i32
    %dma_start3A_472 = arith.constant 0 : i32
    %dma_start3A_473 = tpu.memref_slice %arg2[%dma_start3A_463, %dma_start3A_470, %dma_start3A_471, %dma_start3A_472] : memref<14x196x8x128xf32, #tpu.memory_space<hbm>> -> memref<1x4x8x128xf32, #tpu.memory_space<hbm>>
    %dma_start3A_474 = tpu.memref_squeeze %dma_start3A_473 : memref<1x4x8x128xf32, #tpu.memory_space<hbm>> -> memref<4x8x128xf32, #tpu.memory_space<hbm>>
    %dma_start3A_475 = arith.constant 0 : i32
    %dma_start3A_476 = arith.constant 0 : i32
    %dma_start3A_477 = arith.constant 0 : i32
    %dma_start3A_478 = tpu.memref_slice %arg5[%dma_start3A_464, %dma_start3A_475, %dma_start3A_476, %dma_start3A_477] : memref<9x4x8x128xf32, #tpu.memory_space<vmem>> -> memref<1x4x8x128xf32, #tpu.memory_space<vmem>>
    %dma_start3A_479 = tpu.memref_squeeze %dma_start3A_478 : memref<1x4x8x128xf32, #tpu.memory_space<vmem>> -> memref<4x8x128xf32, #tpu.memory_space<vmem>>
    %dma_start3A_480 = arith.constant 192 : i32
    %dma_start3A_481 = arith.constant 0 : i32
    %dma_start3A_482 = arith.constant 0 : i32
    %dma_start3A_483 = tpu.memref_slice %arg2[%dma_start3A_463, %dma_start3A_480, %dma_start3A_481, %dma_start3A_482] : memref<14x196x8x128xf32, #tpu.memory_space<hbm>> -> memref<1x4x8x128xf32, #tpu.memory_space<hbm>>
    %dma_start3A_484 = tpu.memref_squeeze %dma_start3A_483 : memref<1x4x8x128xf32, #tpu.memory_space<hbm>> -> memref<4x8x128xf32, #tpu.memory_space<hbm>>
    tpu.enqueue_dma source(%dma_start3A_484 : memref<4x8x128xf32, #tpu.memory_space<hbm>>) target(%dma_start3A_479 : memref<4x8x128xf32, #tpu.memory_space<vmem>>) target_semaphore(%arg8 : memref<!tpu.dma_semaphore, #tpu.memory_space<semaphore_mem>>)
    %add3A_485 = arith.constant 0 : i32
    %add3A_486 = arith.addi %select_n3A_47, %add3A_485 : i32
    %ge3A = arith.constant 1 : i32
    %ge3A_487 = arith.cmpi sge, %add3A_486, %ge3A : i32
    %le3A = arith.cmpi sle, %add3A_486, %select_n3A_73 : i32
    %and3A_488 = arith.andi %ge3A_487, %le3A : i1
    %convert_element_type3A = arith.extui %and3A_488 : i1 to i32
    %cond3A = arith.constant 0 : i32
    %cond3A_489 = arith.cmpi ne, %convert_element_type3A, %cond3A : i32
    scf.if %cond3A_489 {
      %sub3A_981 = arith.constant 1 : i32
      %sub3A_982 = arith.subi %add3A_486, %sub3A_981 : i32
      %div3A_983 = arith.constant 6 : i32
      %div3A_984 = arith.divsi %sub3A_982, %div3A_983 : i32
      %dma_start3A_985 = arith.constant 6 : i32
      %dma_start3A_986 = arith.constant 0 : i32
      %dma_start3A_987 = arith.constant 0 : i32
      %dma_start3A_988 = arith.constant 0 : i32
      %dma_start3A_989 = tpu.memref_slice %arg5[%dma_start3A_985, %dma_start3A_986, %dma_start3A_987, %dma_start3A_988] : memref<9x4x8x128xf32, #tpu.memory_space<vmem>> -> memref<1x4x8x128xf32, #tpu.memory_space<vmem>>
      %dma_start3A_990 = tpu.memref_squeeze %dma_start3A_989 : memref<1x4x8x128xf32, #tpu.memory_space<vmem>> -> memref<4x8x128xf32, #tpu.memory_space<vmem>>
      %dma_start3A_991 = arith.constant 192 : i32
      %dma_start3A_992 = arith.constant 0 : i32
      %dma_start3A_993 = arith.constant 0 : i32
      %dma_start3A_994 = tpu.memref_slice %arg2[%div3A_984, %dma_start3A_991, %dma_start3A_992, %dma_start3A_993] : memref<14x196x8x128xf32, #tpu.memory_space<hbm>> -> memref<1x4x8x128xf32, #tpu.memory_space<hbm>>
      %dma_start3A_995 = tpu.memref_squeeze %dma_start3A_994 : memref<1x4x8x128xf32, #tpu.memory_space<hbm>> -> memref<4x8x128xf32, #tpu.memory_space<hbm>>
      %dma_start3A_996 = arith.constant 0 : i32
      %dma_start3A_997 = arith.constant 0 : i32
      %dma_start3A_998 = arith.constant 0 : i32
      %dma_start3A_999 = tpu.memref_slice %arg5[%dma_start3A_985, %dma_start3A_996, %dma_start3A_997, %dma_start3A_998] : memref<9x4x8x128xf32, #tpu.memory_space<vmem>> -> memref<1x4x8x128xf32, #tpu.memory_space<vmem>>
      %dma_start3A_1000 = tpu.memref_squeeze %dma_start3A_999 : memref<1x4x8x128xf32, #tpu.memory_space<vmem>> -> memref<4x8x128xf32, #tpu.memory_space<vmem>>
      %dma_start3A_1001 = arith.constant 192 : i32
      %dma_start3A_1002 = arith.constant 0 : i32
      %dma_start3A_1003 = arith.constant 0 : i32
      %dma_start3A_1004 = tpu.memref_slice %arg2[%div3A_984, %dma_start3A_1001, %dma_start3A_1002, %dma_start3A_1003] : memref<14x196x8x128xf32, #tpu.memory_space<hbm>> -> memref<1x4x8x128xf32, #tpu.memory_space<hbm>>
      %dma_start3A_1005 = tpu.memref_squeeze %dma_start3A_1004 : memref<1x4x8x128xf32, #tpu.memory_space<hbm>> -> memref<4x8x128xf32, #tpu.memory_space<hbm>>
      tpu.enqueue_dma source(%dma_start3A_1005 : memref<4x8x128xf32, #tpu.memory_space<hbm>>) target(%dma_start3A_1000 : memref<4x8x128xf32, #tpu.memory_space<vmem>>) target_semaphore(%arg8 : memref<!tpu.dma_semaphore, #tpu.memory_space<semaphore_mem>>)
    } else {
    }
    %add3A_490 = arith.constant 1 : i32
    %add3A_491 = arith.addi %select_n3A_47, %add3A_490 : i32
    %ge3A_492 = arith.constant 1 : i32
    %ge3A_493 = arith.cmpi sge, %add3A_491, %ge3A_492 : i32
    %le3A_494 = arith.cmpi sle, %add3A_491, %select_n3A_73 : i32
    %and3A_495 = arith.andi %ge3A_493, %le3A_494 : i1
    %convert_element_type3A_496 = arith.extui %and3A_495 : i1 to i32
    %cond3A_497 = arith.constant 0 : i32
    %cond3A_498 = arith.cmpi ne, %convert_element_type3A_496, %cond3A_497 : i32
    scf.if %cond3A_498 {
      %sub3A_981 = arith.constant 1 : i32
      %sub3A_982 = arith.subi %add3A_491, %sub3A_981 : i32
      %div3A_983 = arith.constant 6 : i32
      %div3A_984 = arith.divsi %sub3A_982, %div3A_983 : i32
      %dma_start3A_985 = arith.constant 7 : i32
      %dma_start3A_986 = arith.constant 0 : i32
      %dma_start3A_987 = arith.constant 0 : i32
      %dma_start3A_988 = arith.constant 0 : i32
      %dma_start3A_989 = tpu.memref_slice %arg5[%dma_start3A_985, %dma_start3A_986, %dma_start3A_987, %dma_start3A_988] : memref<9x4x8x128xf32, #tpu.memory_space<vmem>> -> memref<1x4x8x128xf32, #tpu.memory_space<vmem>>
      %dma_start3A_990 = tpu.memref_squeeze %dma_start3A_989 : memref<1x4x8x128xf32, #tpu.memory_space<vmem>> -> memref<4x8x128xf32, #tpu.memory_space<vmem>>
      %dma_start3A_991 = arith.constant 192 : i32
      %dma_start3A_992 = arith.constant 0 : i32
      %dma_start3A_993 = arith.constant 0 : i32
      %dma_start3A_994 = tpu.memref_slice %arg2[%div3A_984, %dma_start3A_991, %dma_start3A_992, %dma_start3A_993] : memref<14x196x8x128xf32, #tpu.memory_space<hbm>> -> memref<1x4x8x128xf32, #tpu.memory_space<hbm>>
      %dma_start3A_995 = tpu.memref_squeeze %dma_start3A_994 : memref<1x4x8x128xf32, #tpu.memory_space<hbm>> -> memref<4x8x128xf32, #tpu.memory_space<hbm>>
      %dma_start3A_996 = arith.constant 0 : i32
      %dma_start3A_997 = arith.constant 0 : i32
      %dma_start3A_998 = arith.constant 0 : i32
      %dma_start3A_999 = tpu.memref_slice %arg5[%dma_start3A_985, %dma_start3A_996, %dma_start3A_997, %dma_start3A_998] : memref<9x4x8x128xf32, #tpu.memory_space<vmem>> -> memref<1x4x8x128xf32, #tpu.memory_space<vmem>>
      %dma_start3A_1000 = tpu.memref_squeeze %dma_start3A_999 : memref<1x4x8x128xf32, #tpu.memory_space<vmem>> -> memref<4x8x128xf32, #tpu.memory_space<vmem>>
      %dma_start3A_1001 = arith.constant 192 : i32
      %dma_start3A_1002 = arith.constant 0 : i32
      %dma_start3A_1003 = arith.constant 0 : i32
      %dma_start3A_1004 = tpu.memref_slice %arg2[%div3A_984, %dma_start3A_1001, %dma_start3A_1002, %dma_start3A_1003] : memref<14x196x8x128xf32, #tpu.memory_space<hbm>> -> memref<1x4x8x128xf32, #tpu.memory_space<hbm>>
      %dma_start3A_1005 = tpu.memref_squeeze %dma_start3A_1004 : memref<1x4x8x128xf32, #tpu.memory_space<hbm>> -> memref<4x8x128xf32, #tpu.memory_space<hbm>>
      tpu.enqueue_dma source(%dma_start3A_1005 : memref<4x8x128xf32, #tpu.memory_space<hbm>>) target(%dma_start3A_1000 : memref<4x8x128xf32, #tpu.memory_space<vmem>>) target_semaphore(%arg8 : memref<!tpu.dma_semaphore, #tpu.memory_space<semaphore_mem>>)
    } else {
    }
    %add3A_499 = arith.constant 2 : i32
    %add3A_500 = arith.addi %select_n3A_47, %add3A_499 : i32
    %ge3A_501 = arith.constant 1 : i32
    %ge3A_502 = arith.cmpi sge, %add3A_500, %ge3A_501 : i32
    %le3A_503 = arith.cmpi sle, %add3A_500, %select_n3A_73 : i32
    %and3A_504 = arith.andi %ge3A_502, %le3A_503 : i1
    %convert_element_type3A_505 = arith.extui %and3A_504 : i1 to i32
    %cond3A_506 = arith.constant 0 : i32
    %cond3A_507 = arith.cmpi ne, %convert_element_type3A_505, %cond3A_506 : i32
    scf.if %cond3A_507 {
      %sub3A_981 = arith.constant 1 : i32
      %sub3A_982 = arith.subi %add3A_500, %sub3A_981 : i32
      %div3A_983 = arith.constant 6 : i32
      %div3A_984 = arith.divsi %sub3A_982, %div3A_983 : i32
      %dma_start3A_985 = arith.constant 8 : i32
      %dma_start3A_986 = arith.constant 0 : i32
      %dma_start3A_987 = arith.constant 0 : i32
      %dma_start3A_988 = arith.constant 0 : i32
      %dma_start3A_989 = tpu.memref_slice %arg5[%dma_start3A_985, %dma_start3A_986, %dma_start3A_987, %dma_start3A_988] : memref<9x4x8x128xf32, #tpu.memory_space<vmem>> -> memref<1x4x8x128xf32, #tpu.memory_space<vmem>>
      %dma_start3A_990 = tpu.memref_squeeze %dma_start3A_989 : memref<1x4x8x128xf32, #tpu.memory_space<vmem>> -> memref<4x8x128xf32, #tpu.memory_space<vmem>>
      %dma_start3A_991 = arith.constant 192 : i32
      %dma_start3A_992 = arith.constant 0 : i32
      %dma_start3A_993 = arith.constant 0 : i32
      %dma_start3A_994 = tpu.memref_slice %arg2[%div3A_984, %dma_start3A_991, %dma_start3A_992, %dma_start3A_993] : memref<14x196x8x128xf32, #tpu.memory_space<hbm>> -> memref<1x4x8x128xf32, #tpu.memory_space<hbm>>
      %dma_start3A_995 = tpu.memref_squeeze %dma_start3A_994 : memref<1x4x8x128xf32, #tpu.memory_space<hbm>> -> memref<4x8x128xf32, #tpu.memory_space<hbm>>
      %dma_start3A_996 = arith.constant 0 : i32
      %dma_start3A_997 = arith.constant 0 : i32
      %dma_start3A_998 = arith.constant 0 : i32
      %dma_start3A_999 = tpu.memref_slice %arg5[%dma_start3A_985, %dma_start3A_996, %dma_start3A_997, %dma_start3A_998] : memref<9x4x8x128xf32, #tpu.memory_space<vmem>> -> memref<1x4x8x128xf32, #tpu.memory_space<vmem>>
      %dma_start3A_1000 = tpu.memref_squeeze %dma_start3A_999 : memref<1x4x8x128xf32, #tpu.memory_space<vmem>> -> memref<4x8x128xf32, #tpu.memory_space<vmem>>
      %dma_start3A_1001 = arith.constant 192 : i32
      %dma_start3A_1002 = arith.constant 0 : i32
      %dma_start3A_1003 = arith.constant 0 : i32
      %dma_start3A_1004 = tpu.memref_slice %arg2[%div3A_984, %dma_start3A_1001, %dma_start3A_1002, %dma_start3A_1003] : memref<14x196x8x128xf32, #tpu.memory_space<hbm>> -> memref<1x4x8x128xf32, #tpu.memory_space<hbm>>
      %dma_start3A_1005 = tpu.memref_squeeze %dma_start3A_1004 : memref<1x4x8x128xf32, #tpu.memory_space<hbm>> -> memref<4x8x128xf32, #tpu.memory_space<hbm>>
      tpu.enqueue_dma source(%dma_start3A_1005 : memref<4x8x128xf32, #tpu.memory_space<hbm>>) target(%dma_start3A_1000 : memref<4x8x128xf32, #tpu.memory_space<vmem>>) target_semaphore(%arg8 : memref<!tpu.dma_semaphore, #tpu.memory_space<semaphore_mem>>)
    } else {
    }
    %dma_wait3A = arith.constant 8 : i32
    %dma_wait3A_508 = arith.constant 8 : i32
    %dma_wait3A_509 = arith.constant 0 : i32
    %dma_wait3A_510 = arith.constant 0 : i32
    %dma_wait3A_511 = arith.constant 0 : i32
    %dma_wait3A_512 = tpu.memref_slice %arg4[%dma_wait3A_508, %dma_wait3A_509, %dma_wait3A_510, %dma_wait3A_511] : memref<14x6x8x128xf32, #tpu.memory_space<vmem>> -> memref<1x6x8x128xf32, #tpu.memory_space<vmem>>
    %dma_wait3A_513 = tpu.memref_squeeze %dma_wait3A_512 : memref<1x6x8x128xf32, #tpu.memory_space<vmem>> -> memref<6x8x128xf32, #tpu.memory_space<vmem>>
    %dma_wait3A_514 = arith.constant 0 : i32
    %dma_wait3A_515 = arith.constant 0 : i32
    %dma_wait3A_516 = tpu.memref_slice %arg2[%dma_wait3A, %mul3A_2, %dma_wait3A_514, %dma_wait3A_515] : memref<14x196x8x128xf32, #tpu.memory_space<hbm>> -> memref<1x6x8x128xf32, #tpu.memory_space<hbm>>
    %dma_wait3A_517 = tpu.memref_squeeze %dma_wait3A_516 : memref<1x6x8x128xf32, #tpu.memory_space<hbm>> -> memref<6x8x128xf32, #tpu.memory_space<hbm>>
    %dma_wait3A_518 = arith.constant 0 : i32
    %dma_wait3A_519 = arith.constant 0 : i32
    %dma_wait3A_520 = arith.constant 0 : i32
    %dma_wait3A_521 = tpu.memref_slice %arg4[%dma_wait3A_508, %dma_wait3A_518, %dma_wait3A_519, %dma_wait3A_520] : memref<14x6x8x128xf32, #tpu.memory_space<vmem>> -> memref<1x6x8x128xf32, #tpu.memory_space<vmem>>
    %dma_wait3A_522 = tpu.memref_squeeze %dma_wait3A_521 : memref<1x6x8x128xf32, #tpu.memory_space<vmem>> -> memref<6x8x128xf32, #tpu.memory_space<vmem>>
    %dma_wait3A_523 = arith.constant 0 : i32
    %dma_wait3A_524 = arith.constant 0 : i32
    %dma_wait3A_525 = tpu.memref_slice %arg2[%dma_wait3A, %mul3A_2, %dma_wait3A_523, %dma_wait3A_524] : memref<14x196x8x128xf32, #tpu.memory_space<hbm>> -> memref<1x6x8x128xf32, #tpu.memory_space<hbm>>
    %dma_wait3A_526 = tpu.memref_squeeze %dma_wait3A_525 : memref<1x6x8x128xf32, #tpu.memory_space<hbm>> -> memref<6x8x128xf32, #tpu.memory_space<hbm>>
    tpu.wait_dma2 semaphore(%arg6 : memref<!tpu.dma_semaphore, #tpu.memory_space<semaphore_mem>>) src(%dma_wait3A_526 : memref<6x8x128xf32, #tpu.memory_space<hbm>>) dst(%dma_wait3A_522 : memref<6x8x128xf32, #tpu.memory_space<vmem>>)
    %dma_wait3A_527 = arith.constant 9 : i32
    %dma_wait3A_528 = arith.constant 9 : i32
    %dma_wait3A_529 = arith.constant 0 : i32
    %dma_wait3A_530 = arith.constant 0 : i32
    %dma_wait3A_531 = arith.constant 0 : i32
    %dma_wait3A_532 = tpu.memref_slice %arg4[%dma_wait3A_528, %dma_wait3A_529, %dma_wait3A_530, %dma_wait3A_531] : memref<14x6x8x128xf32, #tpu.memory_space<vmem>> -> memref<1x6x8x128xf32, #tpu.memory_space<vmem>>
    %dma_wait3A_533 = tpu.memref_squeeze %dma_wait3A_532 : memref<1x6x8x128xf32, #tpu.memory_space<vmem>> -> memref<6x8x128xf32, #tpu.memory_space<vmem>>
    %dma_wait3A_534 = arith.constant 0 : i32
    %dma_wait3A_535 = arith.constant 0 : i32
    %dma_wait3A_536 = tpu.memref_slice %arg2[%dma_wait3A_527, %mul3A_2, %dma_wait3A_534, %dma_wait3A_535] : memref<14x196x8x128xf32, #tpu.memory_space<hbm>> -> memref<1x6x8x128xf32, #tpu.memory_space<hbm>>
    %dma_wait3A_537 = tpu.memref_squeeze %dma_wait3A_536 : memref<1x6x8x128xf32, #tpu.memory_space<hbm>> -> memref<6x8x128xf32, #tpu.memory_space<hbm>>
    %dma_wait3A_538 = arith.constant 0 : i32
    %dma_wait3A_539 = arith.constant 0 : i32
    %dma_wait3A_540 = arith.constant 0 : i32
    %dma_wait3A_541 = tpu.memref_slice %arg4[%dma_wait3A_528, %dma_wait3A_538, %dma_wait3A_539, %dma_wait3A_540] : memref<14x6x8x128xf32, #tpu.memory_space<vmem>> -> memref<1x6x8x128xf32, #tpu.memory_space<vmem>>
    %dma_wait3A_542 = tpu.memref_squeeze %dma_wait3A_541 : memref<1x6x8x128xf32, #tpu.memory_space<vmem>> -> memref<6x8x128xf32, #tpu.memory_space<vmem>>
    %dma_wait3A_543 = arith.constant 0 : i32
    %dma_wait3A_544 = arith.constant 0 : i32
    %dma_wait3A_545 = tpu.memref_slice %arg2[%dma_wait3A_527, %mul3A_2, %dma_wait3A_543, %dma_wait3A_544] : memref<14x196x8x128xf32, #tpu.memory_space<hbm>> -> memref<1x6x8x128xf32, #tpu.memory_space<hbm>>
    %dma_wait3A_546 = tpu.memref_squeeze %dma_wait3A_545 : memref<1x6x8x128xf32, #tpu.memory_space<hbm>> -> memref<6x8x128xf32, #tpu.memory_space<hbm>>
    tpu.wait_dma2 semaphore(%arg6 : memref<!tpu.dma_semaphore, #tpu.memory_space<semaphore_mem>>) src(%dma_wait3A_546 : memref<6x8x128xf32, #tpu.memory_space<hbm>>) dst(%dma_wait3A_542 : memref<6x8x128xf32, #tpu.memory_space<vmem>>)
    %dma_wait3A_547 = arith.constant 10 : i32
    %dma_wait3A_548 = arith.constant 10 : i32
    %dma_wait3A_549 = arith.constant 0 : i32
    %dma_wait3A_550 = arith.constant 0 : i32
    %dma_wait3A_551 = arith.constant 0 : i32
    %dma_wait3A_552 = tpu.memref_slice %arg4[%dma_wait3A_548, %dma_wait3A_549, %dma_wait3A_550, %dma_wait3A_551] : memref<14x6x8x128xf32, #tpu.memory_space<vmem>> -> memref<1x6x8x128xf32, #tpu.memory_space<vmem>>
    %dma_wait3A_553 = tpu.memref_squeeze %dma_wait3A_552 : memref<1x6x8x128xf32, #tpu.memory_space<vmem>> -> memref<6x8x128xf32, #tpu.memory_space<vmem>>
    %dma_wait3A_554 = arith.constant 0 : i32
    %dma_wait3A_555 = arith.constant 0 : i32
    %dma_wait3A_556 = tpu.memref_slice %arg2[%dma_wait3A_547, %mul3A_2, %dma_wait3A_554, %dma_wait3A_555] : memref<14x196x8x128xf32, #tpu.memory_space<hbm>> -> memref<1x6x8x128xf32, #tpu.memory_space<hbm>>
    %dma_wait3A_557 = tpu.memref_squeeze %dma_wait3A_556 : memref<1x6x8x128xf32, #tpu.memory_space<hbm>> -> memref<6x8x128xf32, #tpu.memory_space<hbm>>
    %dma_wait3A_558 = arith.constant 0 : i32
    %dma_wait3A_559 = arith.constant 0 : i32
    %dma_wait3A_560 = arith.constant 0 : i32
    %dma_wait3A_561 = tpu.memref_slice %arg4[%dma_wait3A_548, %dma_wait3A_558, %dma_wait3A_559, %dma_wait3A_560] : memref<14x6x8x128xf32, #tpu.memory_space<vmem>> -> memref<1x6x8x128xf32, #tpu.memory_space<vmem>>
    %dma_wait3A_562 = tpu.memref_squeeze %dma_wait3A_561 : memref<1x6x8x128xf32, #tpu.memory_space<vmem>> -> memref<6x8x128xf32, #tpu.memory_space<vmem>>
    %dma_wait3A_563 = arith.constant 0 : i32
    %dma_wait3A_564 = arith.constant 0 : i32
    %dma_wait3A_565 = tpu.memref_slice %arg2[%dma_wait3A_547, %mul3A_2, %dma_wait3A_563, %dma_wait3A_564] : memref<14x196x8x128xf32, #tpu.memory_space<hbm>> -> memref<1x6x8x128xf32, #tpu.memory_space<hbm>>
    %dma_wait3A_566 = tpu.memref_squeeze %dma_wait3A_565 : memref<1x6x8x128xf32, #tpu.memory_space<hbm>> -> memref<6x8x128xf32, #tpu.memory_space<hbm>>
    tpu.wait_dma2 semaphore(%arg6 : memref<!tpu.dma_semaphore, #tpu.memory_space<semaphore_mem>>) src(%dma_wait3A_566 : memref<6x8x128xf32, #tpu.memory_space<hbm>>) dst(%dma_wait3A_562 : memref<6x8x128xf32, #tpu.memory_space<vmem>>)
    %dma_wait3A_567 = arith.constant 11 : i32
    %dma_wait3A_568 = arith.constant 11 : i32
    %dma_wait3A_569 = arith.constant 0 : i32
    %dma_wait3A_570 = arith.constant 0 : i32
    %dma_wait3A_571 = arith.constant 0 : i32
    %dma_wait3A_572 = tpu.memref_slice %arg4[%dma_wait3A_568, %dma_wait3A_569, %dma_wait3A_570, %dma_wait3A_571] : memref<14x6x8x128xf32, #tpu.memory_space<vmem>> -> memref<1x6x8x128xf32, #tpu.memory_space<vmem>>
    %dma_wait3A_573 = tpu.memref_squeeze %dma_wait3A_572 : memref<1x6x8x128xf32, #tpu.memory_space<vmem>> -> memref<6x8x128xf32, #tpu.memory_space<vmem>>
    %dma_wait3A_574 = arith.constant 0 : i32
    %dma_wait3A_575 = arith.constant 0 : i32
    %dma_wait3A_576 = tpu.memref_slice %arg2[%dma_wait3A_567, %mul3A_2, %dma_wait3A_574, %dma_wait3A_575] : memref<14x196x8x128xf32, #tpu.memory_space<hbm>> -> memref<1x6x8x128xf32, #tpu.memory_space<hbm>>
    %dma_wait3A_577 = tpu.memref_squeeze %dma_wait3A_576 : memref<1x6x8x128xf32, #tpu.memory_space<hbm>> -> memref<6x8x128xf32, #tpu.memory_space<hbm>>
    %dma_wait3A_578 = arith.constant 0 : i32
    %dma_wait3A_579 = arith.constant 0 : i32
    %dma_wait3A_580 = arith.constant 0 : i32
    %dma_wait3A_581 = tpu.memref_slice %arg4[%dma_wait3A_568, %dma_wait3A_578, %dma_wait3A_579, %dma_wait3A_580] : memref<14x6x8x128xf32, #tpu.memory_space<vmem>> -> memref<1x6x8x128xf32, #tpu.memory_space<vmem>>
    %dma_wait3A_582 = tpu.memref_squeeze %dma_wait3A_581 : memref<1x6x8x128xf32, #tpu.memory_space<vmem>> -> memref<6x8x128xf32, #tpu.memory_space<vmem>>
    %dma_wait3A_583 = arith.constant 0 : i32
    %dma_wait3A_584 = arith.constant 0 : i32
    %dma_wait3A_585 = tpu.memref_slice %arg2[%dma_wait3A_567, %mul3A_2, %dma_wait3A_583, %dma_wait3A_584] : memref<14x196x8x128xf32, #tpu.memory_space<hbm>> -> memref<1x6x8x128xf32, #tpu.memory_space<hbm>>
    %dma_wait3A_586 = tpu.memref_squeeze %dma_wait3A_585 : memref<1x6x8x128xf32, #tpu.memory_space<hbm>> -> memref<6x8x128xf32, #tpu.memory_space<hbm>>
    tpu.wait_dma2 semaphore(%arg6 : memref<!tpu.dma_semaphore, #tpu.memory_space<semaphore_mem>>) src(%dma_wait3A_586 : memref<6x8x128xf32, #tpu.memory_space<hbm>>) dst(%dma_wait3A_582 : memref<6x8x128xf32, #tpu.memory_space<vmem>>)
    %dma_wait3A_587 = arith.constant 12 : i32
    %dma_wait3A_588 = arith.constant 12 : i32
    %dma_wait3A_589 = arith.constant 0 : i32
    %dma_wait3A_590 = arith.constant 0 : i32
    %dma_wait3A_591 = arith.constant 0 : i32
    %dma_wait3A_592 = tpu.memref_slice %arg4[%dma_wait3A_588, %dma_wait3A_589, %dma_wait3A_590, %dma_wait3A_591] : memref<14x6x8x128xf32, #tpu.memory_space<vmem>> -> memref<1x6x8x128xf32, #tpu.memory_space<vmem>>
    %dma_wait3A_593 = tpu.memref_squeeze %dma_wait3A_592 : memref<1x6x8x128xf32, #tpu.memory_space<vmem>> -> memref<6x8x128xf32, #tpu.memory_space<vmem>>
    %dma_wait3A_594 = arith.constant 0 : i32
    %dma_wait3A_595 = arith.constant 0 : i32
    %dma_wait3A_596 = tpu.memref_slice %arg2[%dma_wait3A_587, %mul3A_2, %dma_wait3A_594, %dma_wait3A_595] : memref<14x196x8x128xf32, #tpu.memory_space<hbm>> -> memref<1x6x8x128xf32, #tpu.memory_space<hbm>>
    %dma_wait3A_597 = tpu.memref_squeeze %dma_wait3A_596 : memref<1x6x8x128xf32, #tpu.memory_space<hbm>> -> memref<6x8x128xf32, #tpu.memory_space<hbm>>
    %dma_wait3A_598 = arith.constant 0 : i32
    %dma_wait3A_599 = arith.constant 0 : i32
    %dma_wait3A_600 = arith.constant 0 : i32
    %dma_wait3A_601 = tpu.memref_slice %arg4[%dma_wait3A_588, %dma_wait3A_598, %dma_wait3A_599, %dma_wait3A_600] : memref<14x6x8x128xf32, #tpu.memory_space<vmem>> -> memref<1x6x8x128xf32, #tpu.memory_space<vmem>>
    %dma_wait3A_602 = tpu.memref_squeeze %dma_wait3A_601 : memref<1x6x8x128xf32, #tpu.memory_space<vmem>> -> memref<6x8x128xf32, #tpu.memory_space<vmem>>
    %dma_wait3A_603 = arith.constant 0 : i32
    %dma_wait3A_604 = arith.constant 0 : i32
    %dma_wait3A_605 = tpu.memref_slice %arg2[%dma_wait3A_587, %mul3A_2, %dma_wait3A_603, %dma_wait3A_604] : memref<14x196x8x128xf32, #tpu.memory_space<hbm>> -> memref<1x6x8x128xf32, #tpu.memory_space<hbm>>
    %dma_wait3A_606 = tpu.memref_squeeze %dma_wait3A_605 : memref<1x6x8x128xf32, #tpu.memory_space<hbm>> -> memref<6x8x128xf32, #tpu.memory_space<hbm>>
    tpu.wait_dma2 semaphore(%arg6 : memref<!tpu.dma_semaphore, #tpu.memory_space<semaphore_mem>>) src(%dma_wait3A_606 : memref<6x8x128xf32, #tpu.memory_space<hbm>>) dst(%dma_wait3A_602 : memref<6x8x128xf32, #tpu.memory_space<vmem>>)
    %dma_wait3A_607 = arith.constant 13 : i32
    %dma_wait3A_608 = arith.constant 13 : i32
    %dma_wait3A_609 = arith.constant 0 : i32
    %dma_wait3A_610 = arith.constant 0 : i32
    %dma_wait3A_611 = arith.constant 0 : i32
    %dma_wait3A_612 = tpu.memref_slice %arg4[%dma_wait3A_608, %dma_wait3A_609, %dma_wait3A_610, %dma_wait3A_611] : memref<14x6x8x128xf32, #tpu.memory_space<vmem>> -> memref<1x6x8x128xf32, #tpu.memory_space<vmem>>
    %dma_wait3A_613 = tpu.memref_squeeze %dma_wait3A_612 : memref<1x6x8x128xf32, #tpu.memory_space<vmem>> -> memref<6x8x128xf32, #tpu.memory_space<vmem>>
    %dma_wait3A_614 = arith.constant 0 : i32
    %dma_wait3A_615 = arith.constant 0 : i32
    %dma_wait3A_616 = tpu.memref_slice %arg2[%dma_wait3A_607, %mul3A_2, %dma_wait3A_614, %dma_wait3A_615] : memref<14x196x8x128xf32, #tpu.memory_space<hbm>> -> memref<1x6x8x128xf32, #tpu.memory_space<hbm>>
    %dma_wait3A_617 = tpu.memref_squeeze %dma_wait3A_616 : memref<1x6x8x128xf32, #tpu.memory_space<hbm>> -> memref<6x8x128xf32, #tpu.memory_space<hbm>>
    %dma_wait3A_618 = arith.constant 0 : i32
    %dma_wait3A_619 = arith.constant 0 : i32
    %dma_wait3A_620 = arith.constant 0 : i32
    %dma_wait3A_621 = tpu.memref_slice %arg4[%dma_wait3A_608, %dma_wait3A_618, %dma_wait3A_619, %dma_wait3A_620] : memref<14x6x8x128xf32, #tpu.memory_space<vmem>> -> memref<1x6x8x128xf32, #tpu.memory_space<vmem>>
    %dma_wait3A_622 = tpu.memref_squeeze %dma_wait3A_621 : memref<1x6x8x128xf32, #tpu.memory_space<vmem>> -> memref<6x8x128xf32, #tpu.memory_space<vmem>>
    %dma_wait3A_623 = arith.constant 0 : i32
    %dma_wait3A_624 = arith.constant 0 : i32
    %dma_wait3A_625 = tpu.memref_slice %arg2[%dma_wait3A_607, %mul3A_2, %dma_wait3A_623, %dma_wait3A_624] : memref<14x196x8x128xf32, #tpu.memory_space<hbm>> -> memref<1x6x8x128xf32, #tpu.memory_space<hbm>>
    %dma_wait3A_626 = tpu.memref_squeeze %dma_wait3A_625 : memref<1x6x8x128xf32, #tpu.memory_space<hbm>> -> memref<6x8x128xf32, #tpu.memory_space<hbm>>
    tpu.wait_dma2 semaphore(%arg6 : memref<!tpu.dma_semaphore, #tpu.memory_space<semaphore_mem>>) src(%dma_wait3A_626 : memref<6x8x128xf32, #tpu.memory_space<hbm>>) dst(%dma_wait3A_622 : memref<6x8x128xf32, #tpu.memory_space<vmem>>)
    %scan3A = arith.constant 0 : i32
    %scan3A_627 = arith.constant 0 : i32
    %scan3A_628 = arith.constant 49 : i32
    %scan3A_629 = arith.addi %scan3A_627, %scan3A_628 : i32
    %scan3A_630 = arith.constant 1 : i32
    scf.for %scan3A_981 = %scan3A_627 to %scan3A_629 step %scan3A_630  : i32 {
      %eq3A = arith.constant 0 : i32
      %eq3A_982 = arith.cmpi eq, %scan3A_981, %eq3A : i32
      %sub3A_983 = arith.constant 1 : i32
      %sub3A_984 = arith.subi %scan3A_981, %sub3A_983 : i32
      %rem3A_985 = arith.constant 6 : i32
      %rem3A_986 = arith.remsi %sub3A_984, %rem3A_985 : i32
      %ne3A_987 = arith.constant 0 : i32
      %ne3A_988 = arith.cmpi ne, %rem3A_986, %ne3A_987 : i32
      %or3A = arith.ori %eq3A_982, %ne3A_988 : i1
      %convert_element_type3A_989 = arith.extui %or3A : i1 to i32
      %cond3A_990 = arith.constant 0 : i32
      %cond3A_991 = arith.cmpi ne, %convert_element_type3A_989, %cond3A_990 : i32
      scf.if %cond3A_991 {
        %mul3A_1052 = arith.constant 6 : i32
        %mul3A_1053 = arith.muli %scan3A_981, %mul3A_1052 : i32
        %add3A_1054 = arith.constant 0 : i32
        %add3A_1055 = arith.addi %mul3A_1053, %add3A_1054 : i32
        %jit3A_1056 = arith.constant 49 : i32
        %div3A_1057 = arith.divsi %add3A_1055, %jit3A_1056 : i32
        %sign3A_1058 = arith.constant 0 : i32
        %sign3A_1059 = arith.cmpi sgt, %add3A_1055, %sign3A_1058 : i32
        %sign3A_1060 = arith.extui %sign3A_1059 : i1 to i32
        %sign3A_1061 = arith.constant 0 : i32
        %sign3A_1062 = arith.cmpi slt, %add3A_1055, %sign3A_1061 : i32
        %sign3A_1063 = arith.extui %sign3A_1062 : i1 to i32
        %sign3A_1064 = arith.subi %sign3A_1060, %sign3A_1063 : i32
        %sign3A_1065 = arith.constant 0 : i32
        %sign3A_1066 = arith.cmpi sgt, %jit3A_1056, %sign3A_1065 : i32
        %sign3A_1067 = arith.extui %sign3A_1066 : i1 to i32
        %sign3A_1068 = arith.constant 0 : i32
        %sign3A_1069 = arith.cmpi slt, %jit3A_1056, %sign3A_1068 : i32
        %sign3A_1070 = arith.extui %sign3A_1069 : i1 to i32
        %sign3A_1071 = arith.subi %sign3A_1067, %sign3A_1070 : i32
        %ne3A_1072 = arith.cmpi ne, %sign3A_1064, %sign3A_1071 : i32
        %rem3A_1073 = arith.remsi %add3A_1055, %jit3A_1056 : i32
        %ne3A_1074 = arith.constant 0 : i32
        %ne3A_1075 = arith.cmpi ne, %rem3A_1073, %ne3A_1074 : i32
        %and3A_1076 = arith.andi %ne3A_1072, %ne3A_1075 : i1
        %sub3A_1077 = arith.constant 1 : i32
        %sub3A_1078 = arith.subi %div3A_1057, %sub3A_1077 : i32
        %select_n3A_1079 = arith.select %and3A_1076, %sub3A_1078, %div3A_1057 : i32
        %rem3A_1080 = arith.constant 49 : i32
        %rem3A_1081 = arith.remsi %add3A_1055, %rem3A_1080 : i32
        %dma_start3A_1082 = arith.constant 8 : i32
        %dma_start3A_1083 = arith.constant 0 : i32
        %dma_start3A_1084 = arith.constant 0 : i32
        %dma_start3A_1085 = arith.constant 0 : i32
        %dma_start3A_1086 = tpu.memref_slice %arg4[%dma_start3A_1082, %dma_start3A_1083, %dma_start3A_1084, %dma_start3A_1085] : memref<14x6x8x128xf32, #tpu.memory_space<vmem>> -> memref<1x6x8x128xf32, #tpu.memory_space<vmem>>
        %dma_start3A_1087 = tpu.memref_squeeze %dma_start3A_1086 : memref<1x6x8x128xf32, #tpu.memory_space<vmem>> -> memref<6x8x128xf32, #tpu.memory_space<vmem>>
        %dma_start3A_1088 = arith.constant 0 : i32
        %dma_start3A_1089 = arith.constant 0 : i32
        %dma_start3A_1090 = tpu.memref_slice %arg3[%select_n3A_1079, %rem3A_1081, %mul3A_2, %dma_start3A_1088, %dma_start3A_1089] : memref<6x49x196x8x128xf32, #tpu.memory_space<hbm>> -> memref<1x1x6x8x128xf32, #tpu.memory_space<hbm>>
        %dma_start3A_1091 = tpu.memref_squeeze %dma_start3A_1090 : memref<1x1x6x8x128xf32, #tpu.memory_space<hbm>> -> memref<6x8x128xf32, #tpu.memory_space<hbm>>
        %dma_start3A_1092 = arith.constant 0 : i32
        %dma_start3A_1093 = arith.constant 0 : i32
        %dma_start3A_1094 = tpu.memref_slice %arg3[%select_n3A_1079, %rem3A_1081, %mul3A_2, %dma_start3A_1092, %dma_start3A_1093] : memref<6x49x196x8x128xf32, #tpu.memory_space<hbm>> -> memref<1x1x6x8x128xf32, #tpu.memory_space<hbm>>
        %dma_start3A_1095 = tpu.memref_squeeze %dma_start3A_1094 : memref<1x1x6x8x128xf32, #tpu.memory_space<hbm>> -> memref<6x8x128xf32, #tpu.memory_space<hbm>>
        %dma_start3A_1096 = arith.constant 0 : i32
        %dma_start3A_1097 = arith.constant 0 : i32
        %dma_start3A_1098 = arith.constant 0 : i32
        %dma_start3A_1099 = tpu.memref_slice %arg4[%dma_start3A_1082, %dma_start3A_1096, %dma_start3A_1097, %dma_start3A_1098] : memref<14x6x8x128xf32, #tpu.memory_space<vmem>> -> memref<1x6x8x128xf32, #tpu.memory_space<vmem>>
        %dma_start3A_1100 = tpu.memref_squeeze %dma_start3A_1099 : memref<1x6x8x128xf32, #tpu.memory_space<vmem>> -> memref<6x8x128xf32, #tpu.memory_space<vmem>>
        tpu.enqueue_dma source(%dma_start3A_1100 : memref<6x8x128xf32, #tpu.memory_space<vmem>>) target(%dma_start3A_1095 : memref<6x8x128xf32, #tpu.memory_space<hbm>>) target_semaphore(%arg9 : memref<!tpu.dma_semaphore, #tpu.memory_space<semaphore_mem>>)
      } else {
      }
      %eq3A_992 = arith.constant 0 : i32
      %eq3A_993 = arith.cmpi eq, %scan3A_981, %eq3A_992 : i32
      %sub3A_994 = arith.constant 1 : i32
      %sub3A_995 = arith.subi %scan3A_981, %sub3A_994 : i32
      %rem3A_996 = arith.constant 6 : i32
      %rem3A_997 = arith.remsi %sub3A_995, %rem3A_996 : i32
      %ne3A_998 = arith.constant 1 : i32
      %ne3A_999 = arith.cmpi ne, %rem3A_997, %ne3A_998 : i32
      %or3A_1000 = arith.ori %eq3A_993, %ne3A_999 : i1
      %convert_element_type3A_1001 = arith.extui %or3A_1000 : i1 to i32
      %cond3A_1002 = arith.constant 0 : i32
      %cond3A_1003 = arith.cmpi ne, %convert_element_type3A_1001, %cond3A_1002 : i32
      scf.if %cond3A_1003 {
        %mul3A_1052 = arith.constant 6 : i32
        %mul3A_1053 = arith.muli %scan3A_981, %mul3A_1052 : i32
        %add3A_1054 = arith.constant 1 : i32
        %add3A_1055 = arith.addi %mul3A_1053, %add3A_1054 : i32
        %jit3A_1056 = arith.constant 49 : i32
        %div3A_1057 = arith.divsi %add3A_1055, %jit3A_1056 : i32
        %sign3A_1058 = arith.constant 0 : i32
        %sign3A_1059 = arith.cmpi sgt, %add3A_1055, %sign3A_1058 : i32
        %sign3A_1060 = arith.extui %sign3A_1059 : i1 to i32
        %sign3A_1061 = arith.constant 0 : i32
        %sign3A_1062 = arith.cmpi slt, %add3A_1055, %sign3A_1061 : i32
        %sign3A_1063 = arith.extui %sign3A_1062 : i1 to i32
        %sign3A_1064 = arith.subi %sign3A_1060, %sign3A_1063 : i32
        %sign3A_1065 = arith.constant 0 : i32
        %sign3A_1066 = arith.cmpi sgt, %jit3A_1056, %sign3A_1065 : i32
        %sign3A_1067 = arith.extui %sign3A_1066 : i1 to i32
        %sign3A_1068 = arith.constant 0 : i32
        %sign3A_1069 = arith.cmpi slt, %jit3A_1056, %sign3A_1068 : i32
        %sign3A_1070 = arith.extui %sign3A_1069 : i1 to i32
        %sign3A_1071 = arith.subi %sign3A_1067, %sign3A_1070 : i32
        %ne3A_1072 = arith.cmpi ne, %sign3A_1064, %sign3A_1071 : i32
        %rem3A_1073 = arith.remsi %add3A_1055, %jit3A_1056 : i32
        %ne3A_1074 = arith.constant 0 : i32
        %ne3A_1075 = arith.cmpi ne, %rem3A_1073, %ne3A_1074 : i32
        %and3A_1076 = arith.andi %ne3A_1072, %ne3A_1075 : i1
        %sub3A_1077 = arith.constant 1 : i32
        %sub3A_1078 = arith.subi %div3A_1057, %sub3A_1077 : i32
        %select_n3A_1079 = arith.select %and3A_1076, %sub3A_1078, %div3A_1057 : i32
        %rem3A_1080 = arith.constant 49 : i32
        %rem3A_1081 = arith.remsi %add3A_1055, %rem3A_1080 : i32
        %dma_start3A_1082 = arith.constant 9 : i32
        %dma_start3A_1083 = arith.constant 0 : i32
        %dma_start3A_1084 = arith.constant 0 : i32
        %dma_start3A_1085 = arith.constant 0 : i32
        %dma_start3A_1086 = tpu.memref_slice %arg4[%dma_start3A_1082, %dma_start3A_1083, %dma_start3A_1084, %dma_start3A_1085] : memref<14x6x8x128xf32, #tpu.memory_space<vmem>> -> memref<1x6x8x128xf32, #tpu.memory_space<vmem>>
        %dma_start3A_1087 = tpu.memref_squeeze %dma_start3A_1086 : memref<1x6x8x128xf32, #tpu.memory_space<vmem>> -> memref<6x8x128xf32, #tpu.memory_space<vmem>>
        %dma_start3A_1088 = arith.constant 0 : i32
        %dma_start3A_1089 = arith.constant 0 : i32
        %dma_start3A_1090 = tpu.memref_slice %arg3[%select_n3A_1079, %rem3A_1081, %mul3A_2, %dma_start3A_1088, %dma_start3A_1089] : memref<6x49x196x8x128xf32, #tpu.memory_space<hbm>> -> memref<1x1x6x8x128xf32, #tpu.memory_space<hbm>>
        %dma_start3A_1091 = tpu.memref_squeeze %dma_start3A_1090 : memref<1x1x6x8x128xf32, #tpu.memory_space<hbm>> -> memref<6x8x128xf32, #tpu.memory_space<hbm>>
        %dma_start3A_1092 = arith.constant 0 : i32
        %dma_start3A_1093 = arith.constant 0 : i32
        %dma_start3A_1094 = tpu.memref_slice %arg3[%select_n3A_1079, %rem3A_1081, %mul3A_2, %dma_start3A_1092, %dma_start3A_1093] : memref<6x49x196x8x128xf32, #tpu.memory_space<hbm>> -> memref<1x1x6x8x128xf32, #tpu.memory_space<hbm>>
        %dma_start3A_1095 = tpu.memref_squeeze %dma_start3A_1094 : memref<1x1x6x8x128xf32, #tpu.memory_space<hbm>> -> memref<6x8x128xf32, #tpu.memory_space<hbm>>
        %dma_start3A_1096 = arith.constant 0 : i32
        %dma_start3A_1097 = arith.constant 0 : i32
        %dma_start3A_1098 = arith.constant 0 : i32
        %dma_start3A_1099 = tpu.memref_slice %arg4[%dma_start3A_1082, %dma_start3A_1096, %dma_start3A_1097, %dma_start3A_1098] : memref<14x6x8x128xf32, #tpu.memory_space<vmem>> -> memref<1x6x8x128xf32, #tpu.memory_space<vmem>>
        %dma_start3A_1100 = tpu.memref_squeeze %dma_start3A_1099 : memref<1x6x8x128xf32, #tpu.memory_space<vmem>> -> memref<6x8x128xf32, #tpu.memory_space<vmem>>
        tpu.enqueue_dma source(%dma_start3A_1100 : memref<6x8x128xf32, #tpu.memory_space<vmem>>) target(%dma_start3A_1095 : memref<6x8x128xf32, #tpu.memory_space<hbm>>) target_semaphore(%arg9 : memref<!tpu.dma_semaphore, #tpu.memory_space<semaphore_mem>>)
      } else {
      }
      %eq3A_1004 = arith.constant 0 : i32
      %eq3A_1005 = arith.cmpi eq, %scan3A_981, %eq3A_1004 : i32
      %sub3A_1006 = arith.constant 1 : i32
      %sub3A_1007 = arith.subi %scan3A_981, %sub3A_1006 : i32
      %rem3A_1008 = arith.constant 6 : i32
      %rem3A_1009 = arith.remsi %sub3A_1007, %rem3A_1008 : i32
      %ne3A_1010 = arith.constant 2 : i32
      %ne3A_1011 = arith.cmpi ne, %rem3A_1009, %ne3A_1010 : i32
      %or3A_1012 = arith.ori %eq3A_1005, %ne3A_1011 : i1
      %convert_element_type3A_1013 = arith.extui %or3A_1012 : i1 to i32
      %cond3A_1014 = arith.constant 0 : i32
      %cond3A_1015 = arith.cmpi ne, %convert_element_type3A_1013, %cond3A_1014 : i32
      scf.if %cond3A_1015 {
        %mul3A_1052 = arith.constant 6 : i32
        %mul3A_1053 = arith.muli %scan3A_981, %mul3A_1052 : i32
        %add3A_1054 = arith.constant 2 : i32
        %add3A_1055 = arith.addi %mul3A_1053, %add3A_1054 : i32
        %jit3A_1056 = arith.constant 49 : i32
        %div3A_1057 = arith.divsi %add3A_1055, %jit3A_1056 : i32
        %sign3A_1058 = arith.constant 0 : i32
        %sign3A_1059 = arith.cmpi sgt, %add3A_1055, %sign3A_1058 : i32
        %sign3A_1060 = arith.extui %sign3A_1059 : i1 to i32
        %sign3A_1061 = arith.constant 0 : i32
        %sign3A_1062 = arith.cmpi slt, %add3A_1055, %sign3A_1061 : i32
        %sign3A_1063 = arith.extui %sign3A_1062 : i1 to i32
        %sign3A_1064 = arith.subi %sign3A_1060, %sign3A_1063 : i32
        %sign3A_1065 = arith.constant 0 : i32
        %sign3A_1066 = arith.cmpi sgt, %jit3A_1056, %sign3A_1065 : i32
        %sign3A_1067 = arith.extui %sign3A_1066 : i1 to i32
        %sign3A_1068 = arith.constant 0 : i32
        %sign3A_1069 = arith.cmpi slt, %jit3A_1056, %sign3A_1068 : i32
        %sign3A_1070 = arith.extui %sign3A_1069 : i1 to i32
        %sign3A_1071 = arith.subi %sign3A_1067, %sign3A_1070 : i32
        %ne3A_1072 = arith.cmpi ne, %sign3A_1064, %sign3A_1071 : i32
        %rem3A_1073 = arith.remsi %add3A_1055, %jit3A_1056 : i32
        %ne3A_1074 = arith.constant 0 : i32
        %ne3A_1075 = arith.cmpi ne, %rem3A_1073, %ne3A_1074 : i32
        %and3A_1076 = arith.andi %ne3A_1072, %ne3A_1075 : i1
        %sub3A_1077 = arith.constant 1 : i32
        %sub3A_1078 = arith.subi %div3A_1057, %sub3A_1077 : i32
        %select_n3A_1079 = arith.select %and3A_1076, %sub3A_1078, %div3A_1057 : i32
        %rem3A_1080 = arith.constant 49 : i32
        %rem3A_1081 = arith.remsi %add3A_1055, %rem3A_1080 : i32
        %dma_start3A_1082 = arith.constant 10 : i32
        %dma_start3A_1083 = arith.constant 0 : i32
        %dma_start3A_1084 = arith.constant 0 : i32
        %dma_start3A_1085 = arith.constant 0 : i32
        %dma_start3A_1086 = tpu.memref_slice %arg4[%dma_start3A_1082, %dma_start3A_1083, %dma_start3A_1084, %dma_start3A_1085] : memref<14x6x8x128xf32, #tpu.memory_space<vmem>> -> memref<1x6x8x128xf32, #tpu.memory_space<vmem>>
        %dma_start3A_1087 = tpu.memref_squeeze %dma_start3A_1086 : memref<1x6x8x128xf32, #tpu.memory_space<vmem>> -> memref<6x8x128xf32, #tpu.memory_space<vmem>>
        %dma_start3A_1088 = arith.constant 0 : i32
        %dma_start3A_1089 = arith.constant 0 : i32
        %dma_start3A_1090 = tpu.memref_slice %arg3[%select_n3A_1079, %rem3A_1081, %mul3A_2, %dma_start3A_1088, %dma_start3A_1089] : memref<6x49x196x8x128xf32, #tpu.memory_space<hbm>> -> memref<1x1x6x8x128xf32, #tpu.memory_space<hbm>>
        %dma_start3A_1091 = tpu.memref_squeeze %dma_start3A_1090 : memref<1x1x6x8x128xf32, #tpu.memory_space<hbm>> -> memref<6x8x128xf32, #tpu.memory_space<hbm>>
        %dma_start3A_1092 = arith.constant 0 : i32
        %dma_start3A_1093 = arith.constant 0 : i32
        %dma_start3A_1094 = tpu.memref_slice %arg3[%select_n3A_1079, %rem3A_1081, %mul3A_2, %dma_start3A_1092, %dma_start3A_1093] : memref<6x49x196x8x128xf32, #tpu.memory_space<hbm>> -> memref<1x1x6x8x128xf32, #tpu.memory_space<hbm>>
        %dma_start3A_1095 = tpu.memref_squeeze %dma_start3A_1094 : memref<1x1x6x8x128xf32, #tpu.memory_space<hbm>> -> memref<6x8x128xf32, #tpu.memory_space<hbm>>
        %dma_start3A_1096 = arith.constant 0 : i32
        %dma_start3A_1097 = arith.constant 0 : i32
        %dma_start3A_1098 = arith.constant 0 : i32
        %dma_start3A_1099 = tpu.memref_slice %arg4[%dma_start3A_1082, %dma_start3A_1096, %dma_start3A_1097, %dma_start3A_1098] : memref<14x6x8x128xf32, #tpu.memory_space<vmem>> -> memref<1x6x8x128xf32, #tpu.memory_space<vmem>>
        %dma_start3A_1100 = tpu.memref_squeeze %dma_start3A_1099 : memref<1x6x8x128xf32, #tpu.memory_space<vmem>> -> memref<6x8x128xf32, #tpu.memory_space<vmem>>
        tpu.enqueue_dma source(%dma_start3A_1100 : memref<6x8x128xf32, #tpu.memory_space<vmem>>) target(%dma_start3A_1095 : memref<6x8x128xf32, #tpu.memory_space<hbm>>) target_semaphore(%arg9 : memref<!tpu.dma_semaphore, #tpu.memory_space<semaphore_mem>>)
      } else {
      }
      %eq3A_1016 = arith.constant 0 : i32
      %eq3A_1017 = arith.cmpi eq, %scan3A_981, %eq3A_1016 : i32
      %sub3A_1018 = arith.constant 1 : i32
      %sub3A_1019 = arith.subi %scan3A_981, %sub3A_1018 : i32
      %rem3A_1020 = arith.constant 6 : i32
      %rem3A_1021 = arith.remsi %sub3A_1019, %rem3A_1020 : i32
      %ne3A_1022 = arith.constant 3 : i32
      %ne3A_1023 = arith.cmpi ne, %rem3A_1021, %ne3A_1022 : i32
      %or3A_1024 = arith.ori %eq3A_1017, %ne3A_1023 : i1
      %convert_element_type3A_1025 = arith.extui %or3A_1024 : i1 to i32
      %cond3A_1026 = arith.constant 0 : i32
      %cond3A_1027 = arith.cmpi ne, %convert_element_type3A_1025, %cond3A_1026 : i32
      scf.if %cond3A_1027 {
        %mul3A_1052 = arith.constant 6 : i32
        %mul3A_1053 = arith.muli %scan3A_981, %mul3A_1052 : i32
        %add3A_1054 = arith.constant 3 : i32
        %add3A_1055 = arith.addi %mul3A_1053, %add3A_1054 : i32
        %jit3A_1056 = arith.constant 49 : i32
        %div3A_1057 = arith.divsi %add3A_1055, %jit3A_1056 : i32
        %sign3A_1058 = arith.constant 0 : i32
        %sign3A_1059 = arith.cmpi sgt, %add3A_1055, %sign3A_1058 : i32
        %sign3A_1060 = arith.extui %sign3A_1059 : i1 to i32
        %sign3A_1061 = arith.constant 0 : i32
        %sign3A_1062 = arith.cmpi slt, %add3A_1055, %sign3A_1061 : i32
        %sign3A_1063 = arith.extui %sign3A_1062 : i1 to i32
        %sign3A_1064 = arith.subi %sign3A_1060, %sign3A_1063 : i32
        %sign3A_1065 = arith.constant 0 : i32
        %sign3A_1066 = arith.cmpi sgt, %jit3A_1056, %sign3A_1065 : i32
        %sign3A_1067 = arith.extui %sign3A_1066 : i1 to i32
        %sign3A_1068 = arith.constant 0 : i32
        %sign3A_1069 = arith.cmpi slt, %jit3A_1056, %sign3A_1068 : i32
        %sign3A_1070 = arith.extui %sign3A_1069 : i1 to i32
        %sign3A_1071 = arith.subi %sign3A_1067, %sign3A_1070 : i32
        %ne3A_1072 = arith.cmpi ne, %sign3A_1064, %sign3A_1071 : i32
        %rem3A_1073 = arith.remsi %add3A_1055, %jit3A_1056 : i32
        %ne3A_1074 = arith.constant 0 : i32
        %ne3A_1075 = arith.cmpi ne, %rem3A_1073, %ne3A_1074 : i32
        %and3A_1076 = arith.andi %ne3A_1072, %ne3A_1075 : i1
        %sub3A_1077 = arith.constant 1 : i32
        %sub3A_1078 = arith.subi %div3A_1057, %sub3A_1077 : i32
        %select_n3A_1079 = arith.select %and3A_1076, %sub3A_1078, %div3A_1057 : i32
        %rem3A_1080 = arith.constant 49 : i32
        %rem3A_1081 = arith.remsi %add3A_1055, %rem3A_1080 : i32
        %dma_start3A_1082 = arith.constant 11 : i32
        %dma_start3A_1083 = arith.constant 0 : i32
        %dma_start3A_1084 = arith.constant 0 : i32
        %dma_start3A_1085 = arith.constant 0 : i32
        %dma_start3A_1086 = tpu.memref_slice %arg4[%dma_start3A_1082, %dma_start3A_1083, %dma_start3A_1084, %dma_start3A_1085] : memref<14x6x8x128xf32, #tpu.memory_space<vmem>> -> memref<1x6x8x128xf32, #tpu.memory_space<vmem>>
        %dma_start3A_1087 = tpu.memref_squeeze %dma_start3A_1086 : memref<1x6x8x128xf32, #tpu.memory_space<vmem>> -> memref<6x8x128xf32, #tpu.memory_space<vmem>>
        %dma_start3A_1088 = arith.constant 0 : i32
        %dma_start3A_1089 = arith.constant 0 : i32
        %dma_start3A_1090 = tpu.memref_slice %arg3[%select_n3A_1079, %rem3A_1081, %mul3A_2, %dma_start3A_1088, %dma_start3A_1089] : memref<6x49x196x8x128xf32, #tpu.memory_space<hbm>> -> memref<1x1x6x8x128xf32, #tpu.memory_space<hbm>>
        %dma_start3A_1091 = tpu.memref_squeeze %dma_start3A_1090 : memref<1x1x6x8x128xf32, #tpu.memory_space<hbm>> -> memref<6x8x128xf32, #tpu.memory_space<hbm>>
        %dma_start3A_1092 = arith.constant 0 : i32
        %dma_start3A_1093 = arith.constant 0 : i32
        %dma_start3A_1094 = tpu.memref_slice %arg3[%select_n3A_1079, %rem3A_1081, %mul3A_2, %dma_start3A_1092, %dma_start3A_1093] : memref<6x49x196x8x128xf32, #tpu.memory_space<hbm>> -> memref<1x1x6x8x128xf32, #tpu.memory_space<hbm>>
        %dma_start3A_1095 = tpu.memref_squeeze %dma_start3A_1094 : memref<1x1x6x8x128xf32, #tpu.memory_space<hbm>> -> memref<6x8x128xf32, #tpu.memory_space<hbm>>
        %dma_start3A_1096 = arith.constant 0 : i32
        %dma_start3A_1097 = arith.constant 0 : i32
        %dma_start3A_1098 = arith.constant 0 : i32
        %dma_start3A_1099 = tpu.memref_slice %arg4[%dma_start3A_1082, %dma_start3A_1096, %dma_start3A_1097, %dma_start3A_1098] : memref<14x6x8x128xf32, #tpu.memory_space<vmem>> -> memref<1x6x8x128xf32, #tpu.memory_space<vmem>>
        %dma_start3A_1100 = tpu.memref_squeeze %dma_start3A_1099 : memref<1x6x8x128xf32, #tpu.memory_space<vmem>> -> memref<6x8x128xf32, #tpu.memory_space<vmem>>
        tpu.enqueue_dma source(%dma_start3A_1100 : memref<6x8x128xf32, #tpu.memory_space<vmem>>) target(%dma_start3A_1095 : memref<6x8x128xf32, #tpu.memory_space<hbm>>) target_semaphore(%arg9 : memref<!tpu.dma_semaphore, #tpu.memory_space<semaphore_mem>>)
      } else {
      }
      %eq3A_1028 = arith.constant 0 : i32
      %eq3A_1029 = arith.cmpi eq, %scan3A_981, %eq3A_1028 : i32
      %sub3A_1030 = arith.constant 1 : i32
      %sub3A_1031 = arith.subi %scan3A_981, %sub3A_1030 : i32
      %rem3A_1032 = arith.constant 6 : i32
      %rem3A_1033 = arith.remsi %sub3A_1031, %rem3A_1032 : i32
      %ne3A_1034 = arith.constant 4 : i32
      %ne3A_1035 = arith.cmpi ne, %rem3A_1033, %ne3A_1034 : i32
      %or3A_1036 = arith.ori %eq3A_1029, %ne3A_1035 : i1
      %convert_element_type3A_1037 = arith.extui %or3A_1036 : i1 to i32
      %cond3A_1038 = arith.constant 0 : i32
      %cond3A_1039 = arith.cmpi ne, %convert_element_type3A_1037, %cond3A_1038 : i32
      scf.if %cond3A_1039 {
        %mul3A_1052 = arith.constant 6 : i32
        %mul3A_1053 = arith.muli %scan3A_981, %mul3A_1052 : i32
        %add3A_1054 = arith.constant 4 : i32
        %add3A_1055 = arith.addi %mul3A_1053, %add3A_1054 : i32
        %jit3A_1056 = arith.constant 49 : i32
        %div3A_1057 = arith.divsi %add3A_1055, %jit3A_1056 : i32
        %sign3A_1058 = arith.constant 0 : i32
        %sign3A_1059 = arith.cmpi sgt, %add3A_1055, %sign3A_1058 : i32
        %sign3A_1060 = arith.extui %sign3A_1059 : i1 to i32
        %sign3A_1061 = arith.constant 0 : i32
        %sign3A_1062 = arith.cmpi slt, %add3A_1055, %sign3A_1061 : i32
        %sign3A_1063 = arith.extui %sign3A_1062 : i1 to i32
        %sign3A_1064 = arith.subi %sign3A_1060, %sign3A_1063 : i32
        %sign3A_1065 = arith.constant 0 : i32
        %sign3A_1066 = arith.cmpi sgt, %jit3A_1056, %sign3A_1065 : i32
        %sign3A_1067 = arith.extui %sign3A_1066 : i1 to i32
        %sign3A_1068 = arith.constant 0 : i32
        %sign3A_1069 = arith.cmpi slt, %jit3A_1056, %sign3A_1068 : i32
        %sign3A_1070 = arith.extui %sign3A_1069 : i1 to i32
        %sign3A_1071 = arith.subi %sign3A_1067, %sign3A_1070 : i32
        %ne3A_1072 = arith.cmpi ne, %sign3A_1064, %sign3A_1071 : i32
        %rem3A_1073 = arith.remsi %add3A_1055, %jit3A_1056 : i32
        %ne3A_1074 = arith.constant 0 : i32
        %ne3A_1075 = arith.cmpi ne, %rem3A_1073, %ne3A_1074 : i32
        %and3A_1076 = arith.andi %ne3A_1072, %ne3A_1075 : i1
        %sub3A_1077 = arith.constant 1 : i32
        %sub3A_1078 = arith.subi %div3A_1057, %sub3A_1077 : i32
        %select_n3A_1079 = arith.select %and3A_1076, %sub3A_1078, %div3A_1057 : i32
        %rem3A_1080 = arith.constant 49 : i32
        %rem3A_1081 = arith.remsi %add3A_1055, %rem3A_1080 : i32
        %dma_start3A_1082 = arith.constant 12 : i32
        %dma_start3A_1083 = arith.constant 0 : i32
        %dma_start3A_1084 = arith.constant 0 : i32
        %dma_start3A_1085 = arith.constant 0 : i32
        %dma_start3A_1086 = tpu.memref_slice %arg4[%dma_start3A_1082, %dma_start3A_1083, %dma_start3A_1084, %dma_start3A_1085] : memref<14x6x8x128xf32, #tpu.memory_space<vmem>> -> memref<1x6x8x128xf32, #tpu.memory_space<vmem>>
        %dma_start3A_1087 = tpu.memref_squeeze %dma_start3A_1086 : memref<1x6x8x128xf32, #tpu.memory_space<vmem>> -> memref<6x8x128xf32, #tpu.memory_space<vmem>>
        %dma_start3A_1088 = arith.constant 0 : i32
        %dma_start3A_1089 = arith.constant 0 : i32
        %dma_start3A_1090 = tpu.memref_slice %arg3[%select_n3A_1079, %rem3A_1081, %mul3A_2, %dma_start3A_1088, %dma_start3A_1089] : memref<6x49x196x8x128xf32, #tpu.memory_space<hbm>> -> memref<1x1x6x8x128xf32, #tpu.memory_space<hbm>>
        %dma_start3A_1091 = tpu.memref_squeeze %dma_start3A_1090 : memref<1x1x6x8x128xf32, #tpu.memory_space<hbm>> -> memref<6x8x128xf32, #tpu.memory_space<hbm>>
        %dma_start3A_1092 = arith.constant 0 : i32
        %dma_start3A_1093 = arith.constant 0 : i32
        %dma_start3A_1094 = tpu.memref_slice %arg3[%select_n3A_1079, %rem3A_1081, %mul3A_2, %dma_start3A_1092, %dma_start3A_1093] : memref<6x49x196x8x128xf32, #tpu.memory_space<hbm>> -> memref<1x1x6x8x128xf32, #tpu.memory_space<hbm>>
        %dma_start3A_1095 = tpu.memref_squeeze %dma_start3A_1094 : memref<1x1x6x8x128xf32, #tpu.memory_space<hbm>> -> memref<6x8x128xf32, #tpu.memory_space<hbm>>
        %dma_start3A_1096 = arith.constant 0 : i32
        %dma_start3A_1097 = arith.constant 0 : i32
        %dma_start3A_1098 = arith.constant 0 : i32
        %dma_start3A_1099 = tpu.memref_slice %arg4[%dma_start3A_1082, %dma_start3A_1096, %dma_start3A_1097, %dma_start3A_1098] : memref<14x6x8x128xf32, #tpu.memory_space<vmem>> -> memref<1x6x8x128xf32, #tpu.memory_space<vmem>>
        %dma_start3A_1100 = tpu.memref_squeeze %dma_start3A_1099 : memref<1x6x8x128xf32, #tpu.memory_space<vmem>> -> memref<6x8x128xf32, #tpu.memory_space<vmem>>
        tpu.enqueue_dma source(%dma_start3A_1100 : memref<6x8x128xf32, #tpu.memory_space<vmem>>) target(%dma_start3A_1095 : memref<6x8x128xf32, #tpu.memory_space<hbm>>) target_semaphore(%arg9 : memref<!tpu.dma_semaphore, #tpu.memory_space<semaphore_mem>>)
      } else {
      }
      %eq3A_1040 = arith.constant 0 : i32
      %eq3A_1041 = arith.cmpi eq, %scan3A_981, %eq3A_1040 : i32
      %sub3A_1042 = arith.constant 1 : i32
      %sub3A_1043 = arith.subi %scan3A_981, %sub3A_1042 : i32
      %rem3A_1044 = arith.constant 6 : i32
      %rem3A_1045 = arith.remsi %sub3A_1043, %rem3A_1044 : i32
      %ne3A_1046 = arith.constant 5 : i32
      %ne3A_1047 = arith.cmpi ne, %rem3A_1045, %ne3A_1046 : i32
      %or3A_1048 = arith.ori %eq3A_1041, %ne3A_1047 : i1
      %convert_element_type3A_1049 = arith.extui %or3A_1048 : i1 to i32
      %cond3A_1050 = arith.constant 0 : i32
      %cond3A_1051 = arith.cmpi ne, %convert_element_type3A_1049, %cond3A_1050 : i32
      scf.if %cond3A_1051 {
        %mul3A_1052 = arith.constant 6 : i32
        %mul3A_1053 = arith.muli %scan3A_981, %mul3A_1052 : i32
        %add3A_1054 = arith.constant 5 : i32
        %add3A_1055 = arith.addi %mul3A_1053, %add3A_1054 : i32
        %jit3A_1056 = arith.constant 49 : i32
        %div3A_1057 = arith.divsi %add3A_1055, %jit3A_1056 : i32
        %sign3A_1058 = arith.constant 0 : i32
        %sign3A_1059 = arith.cmpi sgt, %add3A_1055, %sign3A_1058 : i32
        %sign3A_1060 = arith.extui %sign3A_1059 : i1 to i32
        %sign3A_1061 = arith.constant 0 : i32
        %sign3A_1062 = arith.cmpi slt, %add3A_1055, %sign3A_1061 : i32
        %sign3A_1063 = arith.extui %sign3A_1062 : i1 to i32
        %sign3A_1064 = arith.subi %sign3A_1060, %sign3A_1063 : i32
        %sign3A_1065 = arith.constant 0 : i32
        %sign3A_1066 = arith.cmpi sgt, %jit3A_1056, %sign3A_1065 : i32
        %sign3A_1067 = arith.extui %sign3A_1066 : i1 to i32
        %sign3A_1068 = arith.constant 0 : i32
        %sign3A_1069 = arith.cmpi slt, %jit3A_1056, %sign3A_1068 : i32
        %sign3A_1070 = arith.extui %sign3A_1069 : i1 to i32
        %sign3A_1071 = arith.subi %sign3A_1067, %sign3A_1070 : i32
        %ne3A_1072 = arith.cmpi ne, %sign3A_1064, %sign3A_1071 : i32
        %rem3A_1073 = arith.remsi %add3A_1055, %jit3A_1056 : i32
        %ne3A_1074 = arith.constant 0 : i32
        %ne3A_1075 = arith.cmpi ne, %rem3A_1073, %ne3A_1074 : i32
        %and3A_1076 = arith.andi %ne3A_1072, %ne3A_1075 : i1
        %sub3A_1077 = arith.constant 1 : i32
        %sub3A_1078 = arith.subi %div3A_1057, %sub3A_1077 : i32
        %select_n3A_1079 = arith.select %and3A_1076, %sub3A_1078, %div3A_1057 : i32
        %rem3A_1080 = arith.constant 49 : i32
        %rem3A_1081 = arith.remsi %add3A_1055, %rem3A_1080 : i32
        %dma_start3A_1082 = arith.constant 13 : i32
        %dma_start3A_1083 = arith.constant 0 : i32
        %dma_start3A_1084 = arith.constant 0 : i32
        %dma_start3A_1085 = arith.constant 0 : i32
        %dma_start3A_1086 = tpu.memref_slice %arg4[%dma_start3A_1082, %dma_start3A_1083, %dma_start3A_1084, %dma_start3A_1085] : memref<14x6x8x128xf32, #tpu.memory_space<vmem>> -> memref<1x6x8x128xf32, #tpu.memory_space<vmem>>
        %dma_start3A_1087 = tpu.memref_squeeze %dma_start3A_1086 : memref<1x6x8x128xf32, #tpu.memory_space<vmem>> -> memref<6x8x128xf32, #tpu.memory_space<vmem>>
        %dma_start3A_1088 = arith.constant 0 : i32
        %dma_start3A_1089 = arith.constant 0 : i32
        %dma_start3A_1090 = tpu.memref_slice %arg3[%select_n3A_1079, %rem3A_1081, %mul3A_2, %dma_start3A_1088, %dma_start3A_1089] : memref<6x49x196x8x128xf32, #tpu.memory_space<hbm>> -> memref<1x1x6x8x128xf32, #tpu.memory_space<hbm>>
        %dma_start3A_1091 = tpu.memref_squeeze %dma_start3A_1090 : memref<1x1x6x8x128xf32, #tpu.memory_space<hbm>> -> memref<6x8x128xf32, #tpu.memory_space<hbm>>
        %dma_start3A_1092 = arith.constant 0 : i32
        %dma_start3A_1093 = arith.constant 0 : i32
        %dma_start3A_1094 = tpu.memref_slice %arg3[%select_n3A_1079, %rem3A_1081, %mul3A_2, %dma_start3A_1092, %dma_start3A_1093] : memref<6x49x196x8x128xf32, #tpu.memory_space<hbm>> -> memref<1x1x6x8x128xf32, #tpu.memory_space<hbm>>
        %dma_start3A_1095 = tpu.memref_squeeze %dma_start3A_1094 : memref<1x1x6x8x128xf32, #tpu.memory_space<hbm>> -> memref<6x8x128xf32, #tpu.memory_space<hbm>>
        %dma_start3A_1096 = arith.constant 0 : i32
        %dma_start3A_1097 = arith.constant 0 : i32
        %dma_start3A_1098 = arith.constant 0 : i32
        %dma_start3A_1099 = tpu.memref_slice %arg4[%dma_start3A_1082, %dma_start3A_1096, %dma_start3A_1097, %dma_start3A_1098] : memref<14x6x8x128xf32, #tpu.memory_space<vmem>> -> memref<1x6x8x128xf32, #tpu.memory_space<vmem>>
        %dma_start3A_1100 = tpu.memref_squeeze %dma_start3A_1099 : memref<1x6x8x128xf32, #tpu.memory_space<vmem>> -> memref<6x8x128xf32, #tpu.memory_space<vmem>>
        tpu.enqueue_dma source(%dma_start3A_1100 : memref<6x8x128xf32, #tpu.memory_space<vmem>>) target(%dma_start3A_1095 : memref<6x8x128xf32, #tpu.memory_space<hbm>>) target_semaphore(%arg9 : memref<!tpu.dma_semaphore, #tpu.memory_space<semaphore_mem>>)
      } else {
      }
    }
    %scan3A_631 = arith.constant 49 : i32
    %dma_wait3A_632 = arith.constant 8 : i32
    %dma_wait3A_633 = arith.constant 0 : i32
    %dma_wait3A_634 = arith.constant 0 : i32
    %dma_wait3A_635 = arith.constant 0 : i32
    %dma_wait3A_636 = arith.constant 0 : i32
    %dma_wait3A_637 = tpu.memref_slice %arg5[%dma_wait3A_633, %dma_wait3A_634, %dma_wait3A_635, %dma_wait3A_636] : memref<9x4x8x128xf32, #tpu.memory_space<vmem>> -> memref<1x4x8x128xf32, #tpu.memory_space<vmem>>
    %dma_wait3A_638 = tpu.memref_squeeze %dma_wait3A_637 : memref<1x4x8x128xf32, #tpu.memory_space<vmem>> -> memref<4x8x128xf32, #tpu.memory_space<vmem>>
    %dma_wait3A_639 = arith.constant 192 : i32
    %dma_wait3A_640 = arith.constant 0 : i32
    %dma_wait3A_641 = arith.constant 0 : i32
    %dma_wait3A_642 = tpu.memref_slice %arg2[%dma_wait3A_632, %dma_wait3A_639, %dma_wait3A_640, %dma_wait3A_641] : memref<14x196x8x128xf32, #tpu.memory_space<hbm>> -> memref<1x4x8x128xf32, #tpu.memory_space<hbm>>
    %dma_wait3A_643 = tpu.memref_squeeze %dma_wait3A_642 : memref<1x4x8x128xf32, #tpu.memory_space<hbm>> -> memref<4x8x128xf32, #tpu.memory_space<hbm>>
    %dma_wait3A_644 = arith.constant 0 : i32
    %dma_wait3A_645 = arith.constant 0 : i32
    %dma_wait3A_646 = arith.constant 0 : i32
    %dma_wait3A_647 = tpu.memref_slice %arg5[%dma_wait3A_633, %dma_wait3A_644, %dma_wait3A_645, %dma_wait3A_646] : memref<9x4x8x128xf32, #tpu.memory_space<vmem>> -> memref<1x4x8x128xf32, #tpu.memory_space<vmem>>
    %dma_wait3A_648 = tpu.memref_squeeze %dma_wait3A_647 : memref<1x4x8x128xf32, #tpu.memory_space<vmem>> -> memref<4x8x128xf32, #tpu.memory_space<vmem>>
    %dma_wait3A_649 = arith.constant 192 : i32
    %dma_wait3A_650 = arith.constant 0 : i32
    %dma_wait3A_651 = arith.constant 0 : i32
    %dma_wait3A_652 = tpu.memref_slice %arg2[%dma_wait3A_632, %dma_wait3A_649, %dma_wait3A_650, %dma_wait3A_651] : memref<14x196x8x128xf32, #tpu.memory_space<hbm>> -> memref<1x4x8x128xf32, #tpu.memory_space<hbm>>
    %dma_wait3A_653 = tpu.memref_squeeze %dma_wait3A_652 : memref<1x4x8x128xf32, #tpu.memory_space<hbm>> -> memref<4x8x128xf32, #tpu.memory_space<hbm>>
    tpu.wait_dma2 semaphore(%arg8 : memref<!tpu.dma_semaphore, #tpu.memory_space<semaphore_mem>>) src(%dma_wait3A_653 : memref<4x8x128xf32, #tpu.memory_space<hbm>>) dst(%dma_wait3A_648 : memref<4x8x128xf32, #tpu.memory_space<vmem>>)
    %dma_wait3A_654 = arith.constant 9 : i32
    %dma_wait3A_655 = arith.constant 1 : i32
    %dma_wait3A_656 = arith.constant 0 : i32
    %dma_wait3A_657 = arith.constant 0 : i32
    %dma_wait3A_658 = arith.constant 0 : i32
    %dma_wait3A_659 = tpu.memref_slice %arg5[%dma_wait3A_655, %dma_wait3A_656, %dma_wait3A_657, %dma_wait3A_658] : memref<9x4x8x128xf32, #tpu.memory_space<vmem>> -> memref<1x4x8x128xf32, #tpu.memory_space<vmem>>
    %dma_wait3A_660 = tpu.memref_squeeze %dma_wait3A_659 : memref<1x4x8x128xf32, #tpu.memory_space<vmem>> -> memref<4x8x128xf32, #tpu.memory_space<vmem>>
    %dma_wait3A_661 = arith.constant 192 : i32
    %dma_wait3A_662 = arith.constant 0 : i32
    %dma_wait3A_663 = arith.constant 0 : i32
    %dma_wait3A_664 = tpu.memref_slice %arg2[%dma_wait3A_654, %dma_wait3A_661, %dma_wait3A_662, %dma_wait3A_663] : memref<14x196x8x128xf32, #tpu.memory_space<hbm>> -> memref<1x4x8x128xf32, #tpu.memory_space<hbm>>
    %dma_wait3A_665 = tpu.memref_squeeze %dma_wait3A_664 : memref<1x4x8x128xf32, #tpu.memory_space<hbm>> -> memref<4x8x128xf32, #tpu.memory_space<hbm>>
    %dma_wait3A_666 = arith.constant 0 : i32
    %dma_wait3A_667 = arith.constant 0 : i32
    %dma_wait3A_668 = arith.constant 0 : i32
    %dma_wait3A_669 = tpu.memref_slice %arg5[%dma_wait3A_655, %dma_wait3A_666, %dma_wait3A_667, %dma_wait3A_668] : memref<9x4x8x128xf32, #tpu.memory_space<vmem>> -> memref<1x4x8x128xf32, #tpu.memory_space<vmem>>
    %dma_wait3A_670 = tpu.memref_squeeze %dma_wait3A_669 : memref<1x4x8x128xf32, #tpu.memory_space<vmem>> -> memref<4x8x128xf32, #tpu.memory_space<vmem>>
    %dma_wait3A_671 = arith.constant 192 : i32
    %dma_wait3A_672 = arith.constant 0 : i32
    %dma_wait3A_673 = arith.constant 0 : i32
    %dma_wait3A_674 = tpu.memref_slice %arg2[%dma_wait3A_654, %dma_wait3A_671, %dma_wait3A_672, %dma_wait3A_673] : memref<14x196x8x128xf32, #tpu.memory_space<hbm>> -> memref<1x4x8x128xf32, #tpu.memory_space<hbm>>
    %dma_wait3A_675 = tpu.memref_squeeze %dma_wait3A_674 : memref<1x4x8x128xf32, #tpu.memory_space<hbm>> -> memref<4x8x128xf32, #tpu.memory_space<hbm>>
    tpu.wait_dma2 semaphore(%arg8 : memref<!tpu.dma_semaphore, #tpu.memory_space<semaphore_mem>>) src(%dma_wait3A_675 : memref<4x8x128xf32, #tpu.memory_space<hbm>>) dst(%dma_wait3A_670 : memref<4x8x128xf32, #tpu.memory_space<vmem>>)
    %dma_wait3A_676 = arith.constant 10 : i32
    %dma_wait3A_677 = arith.constant 2 : i32
    %dma_wait3A_678 = arith.constant 0 : i32
    %dma_wait3A_679 = arith.constant 0 : i32
    %dma_wait3A_680 = arith.constant 0 : i32
    %dma_wait3A_681 = tpu.memref_slice %arg5[%dma_wait3A_677, %dma_wait3A_678, %dma_wait3A_679, %dma_wait3A_680] : memref<9x4x8x128xf32, #tpu.memory_space<vmem>> -> memref<1x4x8x128xf32, #tpu.memory_space<vmem>>
    %dma_wait3A_682 = tpu.memref_squeeze %dma_wait3A_681 : memref<1x4x8x128xf32, #tpu.memory_space<vmem>> -> memref<4x8x128xf32, #tpu.memory_space<vmem>>
    %dma_wait3A_683 = arith.constant 192 : i32
    %dma_wait3A_684 = arith.constant 0 : i32
    %dma_wait3A_685 = arith.constant 0 : i32
    %dma_wait3A_686 = tpu.memref_slice %arg2[%dma_wait3A_676, %dma_wait3A_683, %dma_wait3A_684, %dma_wait3A_685] : memref<14x196x8x128xf32, #tpu.memory_space<hbm>> -> memref<1x4x8x128xf32, #tpu.memory_space<hbm>>
    %dma_wait3A_687 = tpu.memref_squeeze %dma_wait3A_686 : memref<1x4x8x128xf32, #tpu.memory_space<hbm>> -> memref<4x8x128xf32, #tpu.memory_space<hbm>>
    %dma_wait3A_688 = arith.constant 0 : i32
    %dma_wait3A_689 = arith.constant 0 : i32
    %dma_wait3A_690 = arith.constant 0 : i32
    %dma_wait3A_691 = tpu.memref_slice %arg5[%dma_wait3A_677, %dma_wait3A_688, %dma_wait3A_689, %dma_wait3A_690] : memref<9x4x8x128xf32, #tpu.memory_space<vmem>> -> memref<1x4x8x128xf32, #tpu.memory_space<vmem>>
    %dma_wait3A_692 = tpu.memref_squeeze %dma_wait3A_691 : memref<1x4x8x128xf32, #tpu.memory_space<vmem>> -> memref<4x8x128xf32, #tpu.memory_space<vmem>>
    %dma_wait3A_693 = arith.constant 192 : i32
    %dma_wait3A_694 = arith.constant 0 : i32
    %dma_wait3A_695 = arith.constant 0 : i32
    %dma_wait3A_696 = tpu.memref_slice %arg2[%dma_wait3A_676, %dma_wait3A_693, %dma_wait3A_694, %dma_wait3A_695] : memref<14x196x8x128xf32, #tpu.memory_space<hbm>> -> memref<1x4x8x128xf32, #tpu.memory_space<hbm>>
    %dma_wait3A_697 = tpu.memref_squeeze %dma_wait3A_696 : memref<1x4x8x128xf32, #tpu.memory_space<hbm>> -> memref<4x8x128xf32, #tpu.memory_space<hbm>>
    tpu.wait_dma2 semaphore(%arg8 : memref<!tpu.dma_semaphore, #tpu.memory_space<semaphore_mem>>) src(%dma_wait3A_697 : memref<4x8x128xf32, #tpu.memory_space<hbm>>) dst(%dma_wait3A_692 : memref<4x8x128xf32, #tpu.memory_space<vmem>>)
    %dma_wait3A_698 = arith.constant 11 : i32
    %dma_wait3A_699 = arith.constant 3 : i32
    %dma_wait3A_700 = arith.constant 0 : i32
    %dma_wait3A_701 = arith.constant 0 : i32
    %dma_wait3A_702 = arith.constant 0 : i32
    %dma_wait3A_703 = tpu.memref_slice %arg5[%dma_wait3A_699, %dma_wait3A_700, %dma_wait3A_701, %dma_wait3A_702] : memref<9x4x8x128xf32, #tpu.memory_space<vmem>> -> memref<1x4x8x128xf32, #tpu.memory_space<vmem>>
    %dma_wait3A_704 = tpu.memref_squeeze %dma_wait3A_703 : memref<1x4x8x128xf32, #tpu.memory_space<vmem>> -> memref<4x8x128xf32, #tpu.memory_space<vmem>>
    %dma_wait3A_705 = arith.constant 192 : i32
    %dma_wait3A_706 = arith.constant 0 : i32
    %dma_wait3A_707 = arith.constant 0 : i32
    %dma_wait3A_708 = tpu.memref_slice %arg2[%dma_wait3A_698, %dma_wait3A_705, %dma_wait3A_706, %dma_wait3A_707] : memref<14x196x8x128xf32, #tpu.memory_space<hbm>> -> memref<1x4x8x128xf32, #tpu.memory_space<hbm>>
    %dma_wait3A_709 = tpu.memref_squeeze %dma_wait3A_708 : memref<1x4x8x128xf32, #tpu.memory_space<hbm>> -> memref<4x8x128xf32, #tpu.memory_space<hbm>>
    %dma_wait3A_710 = arith.constant 0 : i32
    %dma_wait3A_711 = arith.constant 0 : i32
    %dma_wait3A_712 = arith.constant 0 : i32
    %dma_wait3A_713 = tpu.memref_slice %arg5[%dma_wait3A_699, %dma_wait3A_710, %dma_wait3A_711, %dma_wait3A_712] : memref<9x4x8x128xf32, #tpu.memory_space<vmem>> -> memref<1x4x8x128xf32, #tpu.memory_space<vmem>>
    %dma_wait3A_714 = tpu.memref_squeeze %dma_wait3A_713 : memref<1x4x8x128xf32, #tpu.memory_space<vmem>> -> memref<4x8x128xf32, #tpu.memory_space<vmem>>
    %dma_wait3A_715 = arith.constant 192 : i32
    %dma_wait3A_716 = arith.constant 0 : i32
    %dma_wait3A_717 = arith.constant 0 : i32
    %dma_wait3A_718 = tpu.memref_slice %arg2[%dma_wait3A_698, %dma_wait3A_715, %dma_wait3A_716, %dma_wait3A_717] : memref<14x196x8x128xf32, #tpu.memory_space<hbm>> -> memref<1x4x8x128xf32, #tpu.memory_space<hbm>>
    %dma_wait3A_719 = tpu.memref_squeeze %dma_wait3A_718 : memref<1x4x8x128xf32, #tpu.memory_space<hbm>> -> memref<4x8x128xf32, #tpu.memory_space<hbm>>
    tpu.wait_dma2 semaphore(%arg8 : memref<!tpu.dma_semaphore, #tpu.memory_space<semaphore_mem>>) src(%dma_wait3A_719 : memref<4x8x128xf32, #tpu.memory_space<hbm>>) dst(%dma_wait3A_714 : memref<4x8x128xf32, #tpu.memory_space<vmem>>)
    %dma_wait3A_720 = arith.constant 12 : i32
    %dma_wait3A_721 = arith.constant 4 : i32
    %dma_wait3A_722 = arith.constant 0 : i32
    %dma_wait3A_723 = arith.constant 0 : i32
    %dma_wait3A_724 = arith.constant 0 : i32
    %dma_wait3A_725 = tpu.memref_slice %arg5[%dma_wait3A_721, %dma_wait3A_722, %dma_wait3A_723, %dma_wait3A_724] : memref<9x4x8x128xf32, #tpu.memory_space<vmem>> -> memref<1x4x8x128xf32, #tpu.memory_space<vmem>>
    %dma_wait3A_726 = tpu.memref_squeeze %dma_wait3A_725 : memref<1x4x8x128xf32, #tpu.memory_space<vmem>> -> memref<4x8x128xf32, #tpu.memory_space<vmem>>
    %dma_wait3A_727 = arith.constant 192 : i32
    %dma_wait3A_728 = arith.constant 0 : i32
    %dma_wait3A_729 = arith.constant 0 : i32
    %dma_wait3A_730 = tpu.memref_slice %arg2[%dma_wait3A_720, %dma_wait3A_727, %dma_wait3A_728, %dma_wait3A_729] : memref<14x196x8x128xf32, #tpu.memory_space<hbm>> -> memref<1x4x8x128xf32, #tpu.memory_space<hbm>>
    %dma_wait3A_731 = tpu.memref_squeeze %dma_wait3A_730 : memref<1x4x8x128xf32, #tpu.memory_space<hbm>> -> memref<4x8x128xf32, #tpu.memory_space<hbm>>
    %dma_wait3A_732 = arith.constant 0 : i32
    %dma_wait3A_733 = arith.constant 0 : i32
    %dma_wait3A_734 = arith.constant 0 : i32
    %dma_wait3A_735 = tpu.memref_slice %arg5[%dma_wait3A_721, %dma_wait3A_732, %dma_wait3A_733, %dma_wait3A_734] : memref<9x4x8x128xf32, #tpu.memory_space<vmem>> -> memref<1x4x8x128xf32, #tpu.memory_space<vmem>>
    %dma_wait3A_736 = tpu.memref_squeeze %dma_wait3A_735 : memref<1x4x8x128xf32, #tpu.memory_space<vmem>> -> memref<4x8x128xf32, #tpu.memory_space<vmem>>
    %dma_wait3A_737 = arith.constant 192 : i32
    %dma_wait3A_738 = arith.constant 0 : i32
    %dma_wait3A_739 = arith.constant 0 : i32
    %dma_wait3A_740 = tpu.memref_slice %arg2[%dma_wait3A_720, %dma_wait3A_737, %dma_wait3A_738, %dma_wait3A_739] : memref<14x196x8x128xf32, #tpu.memory_space<hbm>> -> memref<1x4x8x128xf32, #tpu.memory_space<hbm>>
    %dma_wait3A_741 = tpu.memref_squeeze %dma_wait3A_740 : memref<1x4x8x128xf32, #tpu.memory_space<hbm>> -> memref<4x8x128xf32, #tpu.memory_space<hbm>>
    tpu.wait_dma2 semaphore(%arg8 : memref<!tpu.dma_semaphore, #tpu.memory_space<semaphore_mem>>) src(%dma_wait3A_741 : memref<4x8x128xf32, #tpu.memory_space<hbm>>) dst(%dma_wait3A_736 : memref<4x8x128xf32, #tpu.memory_space<vmem>>)
    %dma_wait3A_742 = arith.constant 13 : i32
    %dma_wait3A_743 = arith.constant 5 : i32
    %dma_wait3A_744 = arith.constant 0 : i32
    %dma_wait3A_745 = arith.constant 0 : i32
    %dma_wait3A_746 = arith.constant 0 : i32
    %dma_wait3A_747 = tpu.memref_slice %arg5[%dma_wait3A_743, %dma_wait3A_744, %dma_wait3A_745, %dma_wait3A_746] : memref<9x4x8x128xf32, #tpu.memory_space<vmem>> -> memref<1x4x8x128xf32, #tpu.memory_space<vmem>>
    %dma_wait3A_748 = tpu.memref_squeeze %dma_wait3A_747 : memref<1x4x8x128xf32, #tpu.memory_space<vmem>> -> memref<4x8x128xf32, #tpu.memory_space<vmem>>
    %dma_wait3A_749 = arith.constant 192 : i32
    %dma_wait3A_750 = arith.constant 0 : i32
    %dma_wait3A_751 = arith.constant 0 : i32
    %dma_wait3A_752 = tpu.memref_slice %arg2[%dma_wait3A_742, %dma_wait3A_749, %dma_wait3A_750, %dma_wait3A_751] : memref<14x196x8x128xf32, #tpu.memory_space<hbm>> -> memref<1x4x8x128xf32, #tpu.memory_space<hbm>>
    %dma_wait3A_753 = tpu.memref_squeeze %dma_wait3A_752 : memref<1x4x8x128xf32, #tpu.memory_space<hbm>> -> memref<4x8x128xf32, #tpu.memory_space<hbm>>
    %dma_wait3A_754 = arith.constant 0 : i32
    %dma_wait3A_755 = arith.constant 0 : i32
    %dma_wait3A_756 = arith.constant 0 : i32
    %dma_wait3A_757 = tpu.memref_slice %arg5[%dma_wait3A_743, %dma_wait3A_754, %dma_wait3A_755, %dma_wait3A_756] : memref<9x4x8x128xf32, #tpu.memory_space<vmem>> -> memref<1x4x8x128xf32, #tpu.memory_space<vmem>>
    %dma_wait3A_758 = tpu.memref_squeeze %dma_wait3A_757 : memref<1x4x8x128xf32, #tpu.memory_space<vmem>> -> memref<4x8x128xf32, #tpu.memory_space<vmem>>
    %dma_wait3A_759 = arith.constant 192 : i32
    %dma_wait3A_760 = arith.constant 0 : i32
    %dma_wait3A_761 = arith.constant 0 : i32
    %dma_wait3A_762 = tpu.memref_slice %arg2[%dma_wait3A_742, %dma_wait3A_759, %dma_wait3A_760, %dma_wait3A_761] : memref<14x196x8x128xf32, #tpu.memory_space<hbm>> -> memref<1x4x8x128xf32, #tpu.memory_space<hbm>>
    %dma_wait3A_763 = tpu.memref_squeeze %dma_wait3A_762 : memref<1x4x8x128xf32, #tpu.memory_space<hbm>> -> memref<4x8x128xf32, #tpu.memory_space<hbm>>
    tpu.wait_dma2 semaphore(%arg8 : memref<!tpu.dma_semaphore, #tpu.memory_space<semaphore_mem>>) src(%dma_wait3A_763 : memref<4x8x128xf32, #tpu.memory_space<hbm>>) dst(%dma_wait3A_758 : memref<4x8x128xf32, #tpu.memory_space<vmem>>)
    %add3A_764 = arith.constant 0 : i32
    %add3A_765 = arith.addi %select_n3A_47, %add3A_764 : i32
    %ge3A_766 = arith.constant 1 : i32
    %ge3A_767 = arith.cmpi sge, %add3A_765, %ge3A_766 : i32
    %le3A_768 = arith.cmpi sle, %add3A_765, %select_n3A_73 : i32
    %and3A_769 = arith.andi %ge3A_767, %le3A_768 : i1
    %convert_element_type3A_770 = arith.extui %and3A_769 : i1 to i32
    %cond3A_771 = arith.constant 0 : i32
    %cond3A_772 = arith.cmpi ne, %convert_element_type3A_770, %cond3A_771 : i32
    scf.if %cond3A_772 {
      %dma_wait3A_981 = arith.constant 0 : i32
      %dma_wait3A_982 = arith.constant 6 : i32
      %dma_wait3A_983 = arith.constant 0 : i32
      %dma_wait3A_984 = arith.constant 0 : i32
      %dma_wait3A_985 = arith.constant 0 : i32
      %dma_wait3A_986 = tpu.memref_slice %arg5[%dma_wait3A_982, %dma_wait3A_983, %dma_wait3A_984, %dma_wait3A_985] : memref<9x4x8x128xf32, #tpu.memory_space<vmem>> -> memref<1x4x8x128xf32, #tpu.memory_space<vmem>>
      %dma_wait3A_987 = tpu.memref_squeeze %dma_wait3A_986 : memref<1x4x8x128xf32, #tpu.memory_space<vmem>> -> memref<4x8x128xf32, #tpu.memory_space<vmem>>
      %dma_wait3A_988 = arith.constant 192 : i32
      %dma_wait3A_989 = arith.constant 0 : i32
      %dma_wait3A_990 = arith.constant 0 : i32
      %dma_wait3A_991 = tpu.memref_slice %arg2[%dma_wait3A_981, %dma_wait3A_988, %dma_wait3A_989, %dma_wait3A_990] : memref<14x196x8x128xf32, #tpu.memory_space<hbm>> -> memref<1x4x8x128xf32, #tpu.memory_space<hbm>>
      %dma_wait3A_992 = tpu.memref_squeeze %dma_wait3A_991 : memref<1x4x8x128xf32, #tpu.memory_space<hbm>> -> memref<4x8x128xf32, #tpu.memory_space<hbm>>
      %dma_wait3A_993 = arith.constant 0 : i32
      %dma_wait3A_994 = arith.constant 0 : i32
      %dma_wait3A_995 = arith.constant 0 : i32
      %dma_wait3A_996 = tpu.memref_slice %arg5[%dma_wait3A_982, %dma_wait3A_993, %dma_wait3A_994, %dma_wait3A_995] : memref<9x4x8x128xf32, #tpu.memory_space<vmem>> -> memref<1x4x8x128xf32, #tpu.memory_space<vmem>>
      %dma_wait3A_997 = tpu.memref_squeeze %dma_wait3A_996 : memref<1x4x8x128xf32, #tpu.memory_space<vmem>> -> memref<4x8x128xf32, #tpu.memory_space<vmem>>
      %dma_wait3A_998 = arith.constant 192 : i32
      %dma_wait3A_999 = arith.constant 0 : i32
      %dma_wait3A_1000 = arith.constant 0 : i32
      %dma_wait3A_1001 = tpu.memref_slice %arg2[%dma_wait3A_981, %dma_wait3A_998, %dma_wait3A_999, %dma_wait3A_1000] : memref<14x196x8x128xf32, #tpu.memory_space<hbm>> -> memref<1x4x8x128xf32, #tpu.memory_space<hbm>>
      %dma_wait3A_1002 = tpu.memref_squeeze %dma_wait3A_1001 : memref<1x4x8x128xf32, #tpu.memory_space<hbm>> -> memref<4x8x128xf32, #tpu.memory_space<hbm>>
      tpu.wait_dma2 semaphore(%arg8 : memref<!tpu.dma_semaphore, #tpu.memory_space<semaphore_mem>>) src(%dma_wait3A_1002 : memref<4x8x128xf32, #tpu.memory_space<hbm>>) dst(%dma_wait3A_997 : memref<4x8x128xf32, #tpu.memory_space<vmem>>)
    } else {
    }
    %add3A_773 = arith.constant 1 : i32
    %add3A_774 = arith.addi %select_n3A_47, %add3A_773 : i32
    %ge3A_775 = arith.constant 1 : i32
    %ge3A_776 = arith.cmpi sge, %add3A_774, %ge3A_775 : i32
    %le3A_777 = arith.cmpi sle, %add3A_774, %select_n3A_73 : i32
    %and3A_778 = arith.andi %ge3A_776, %le3A_777 : i1
    %convert_element_type3A_779 = arith.extui %and3A_778 : i1 to i32
    %cond3A_780 = arith.constant 0 : i32
    %cond3A_781 = arith.cmpi ne, %convert_element_type3A_779, %cond3A_780 : i32
    scf.if %cond3A_781 {
      %dma_wait3A_981 = arith.constant 0 : i32
      %dma_wait3A_982 = arith.constant 7 : i32
      %dma_wait3A_983 = arith.constant 0 : i32
      %dma_wait3A_984 = arith.constant 0 : i32
      %dma_wait3A_985 = arith.constant 0 : i32
      %dma_wait3A_986 = tpu.memref_slice %arg5[%dma_wait3A_982, %dma_wait3A_983, %dma_wait3A_984, %dma_wait3A_985] : memref<9x4x8x128xf32, #tpu.memory_space<vmem>> -> memref<1x4x8x128xf32, #tpu.memory_space<vmem>>
      %dma_wait3A_987 = tpu.memref_squeeze %dma_wait3A_986 : memref<1x4x8x128xf32, #tpu.memory_space<vmem>> -> memref<4x8x128xf32, #tpu.memory_space<vmem>>
      %dma_wait3A_988 = arith.constant 192 : i32
      %dma_wait3A_989 = arith.constant 0 : i32
      %dma_wait3A_990 = arith.constant 0 : i32
      %dma_wait3A_991 = tpu.memref_slice %arg2[%dma_wait3A_981, %dma_wait3A_988, %dma_wait3A_989, %dma_wait3A_990] : memref<14x196x8x128xf32, #tpu.memory_space<hbm>> -> memref<1x4x8x128xf32, #tpu.memory_space<hbm>>
      %dma_wait3A_992 = tpu.memref_squeeze %dma_wait3A_991 : memref<1x4x8x128xf32, #tpu.memory_space<hbm>> -> memref<4x8x128xf32, #tpu.memory_space<hbm>>
      %dma_wait3A_993 = arith.constant 0 : i32
      %dma_wait3A_994 = arith.constant 0 : i32
      %dma_wait3A_995 = arith.constant 0 : i32
      %dma_wait3A_996 = tpu.memref_slice %arg5[%dma_wait3A_982, %dma_wait3A_993, %dma_wait3A_994, %dma_wait3A_995] : memref<9x4x8x128xf32, #tpu.memory_space<vmem>> -> memref<1x4x8x128xf32, #tpu.memory_space<vmem>>
      %dma_wait3A_997 = tpu.memref_squeeze %dma_wait3A_996 : memref<1x4x8x128xf32, #tpu.memory_space<vmem>> -> memref<4x8x128xf32, #tpu.memory_space<vmem>>
      %dma_wait3A_998 = arith.constant 192 : i32
      %dma_wait3A_999 = arith.constant 0 : i32
      %dma_wait3A_1000 = arith.constant 0 : i32
      %dma_wait3A_1001 = tpu.memref_slice %arg2[%dma_wait3A_981, %dma_wait3A_998, %dma_wait3A_999, %dma_wait3A_1000] : memref<14x196x8x128xf32, #tpu.memory_space<hbm>> -> memref<1x4x8x128xf32, #tpu.memory_space<hbm>>
      %dma_wait3A_1002 = tpu.memref_squeeze %dma_wait3A_1001 : memref<1x4x8x128xf32, #tpu.memory_space<hbm>> -> memref<4x8x128xf32, #tpu.memory_space<hbm>>
      tpu.wait_dma2 semaphore(%arg8 : memref<!tpu.dma_semaphore, #tpu.memory_space<semaphore_mem>>) src(%dma_wait3A_1002 : memref<4x8x128xf32, #tpu.memory_space<hbm>>) dst(%dma_wait3A_997 : memref<4x8x128xf32, #tpu.memory_space<vmem>>)
    } else {
    }
    %add3A_782 = arith.constant 2 : i32
    %add3A_783 = arith.addi %select_n3A_47, %add3A_782 : i32
    %ge3A_784 = arith.constant 1 : i32
    %ge3A_785 = arith.cmpi sge, %add3A_783, %ge3A_784 : i32
    %le3A_786 = arith.cmpi sle, %add3A_783, %select_n3A_73 : i32
    %and3A_787 = arith.andi %ge3A_785, %le3A_786 : i1
    %convert_element_type3A_788 = arith.extui %and3A_787 : i1 to i32
    %cond3A_789 = arith.constant 0 : i32
    %cond3A_790 = arith.cmpi ne, %convert_element_type3A_788, %cond3A_789 : i32
    scf.if %cond3A_790 {
      %dma_wait3A_981 = arith.constant 0 : i32
      %dma_wait3A_982 = arith.constant 8 : i32
      %dma_wait3A_983 = arith.constant 0 : i32
      %dma_wait3A_984 = arith.constant 0 : i32
      %dma_wait3A_985 = arith.constant 0 : i32
      %dma_wait3A_986 = tpu.memref_slice %arg5[%dma_wait3A_982, %dma_wait3A_983, %dma_wait3A_984, %dma_wait3A_985] : memref<9x4x8x128xf32, #tpu.memory_space<vmem>> -> memref<1x4x8x128xf32, #tpu.memory_space<vmem>>
      %dma_wait3A_987 = tpu.memref_squeeze %dma_wait3A_986 : memref<1x4x8x128xf32, #tpu.memory_space<vmem>> -> memref<4x8x128xf32, #tpu.memory_space<vmem>>
      %dma_wait3A_988 = arith.constant 192 : i32
      %dma_wait3A_989 = arith.constant 0 : i32
      %dma_wait3A_990 = arith.constant 0 : i32
      %dma_wait3A_991 = tpu.memref_slice %arg2[%dma_wait3A_981, %dma_wait3A_988, %dma_wait3A_989, %dma_wait3A_990] : memref<14x196x8x128xf32, #tpu.memory_space<hbm>> -> memref<1x4x8x128xf32, #tpu.memory_space<hbm>>
      %dma_wait3A_992 = tpu.memref_squeeze %dma_wait3A_991 : memref<1x4x8x128xf32, #tpu.memory_space<hbm>> -> memref<4x8x128xf32, #tpu.memory_space<hbm>>
      %dma_wait3A_993 = arith.constant 0 : i32
      %dma_wait3A_994 = arith.constant 0 : i32
      %dma_wait3A_995 = arith.constant 0 : i32
      %dma_wait3A_996 = tpu.memref_slice %arg5[%dma_wait3A_982, %dma_wait3A_993, %dma_wait3A_994, %dma_wait3A_995] : memref<9x4x8x128xf32, #tpu.memory_space<vmem>> -> memref<1x4x8x128xf32, #tpu.memory_space<vmem>>
      %dma_wait3A_997 = tpu.memref_squeeze %dma_wait3A_996 : memref<1x4x8x128xf32, #tpu.memory_space<vmem>> -> memref<4x8x128xf32, #tpu.memory_space<vmem>>
      %dma_wait3A_998 = arith.constant 192 : i32
      %dma_wait3A_999 = arith.constant 0 : i32
      %dma_wait3A_1000 = arith.constant 0 : i32
      %dma_wait3A_1001 = tpu.memref_slice %arg2[%dma_wait3A_981, %dma_wait3A_998, %dma_wait3A_999, %dma_wait3A_1000] : memref<14x196x8x128xf32, #tpu.memory_space<hbm>> -> memref<1x4x8x128xf32, #tpu.memory_space<hbm>>
      %dma_wait3A_1002 = tpu.memref_squeeze %dma_wait3A_1001 : memref<1x4x8x128xf32, #tpu.memory_space<hbm>> -> memref<4x8x128xf32, #tpu.memory_space<hbm>>
      tpu.wait_dma2 semaphore(%arg8 : memref<!tpu.dma_semaphore, #tpu.memory_space<semaphore_mem>>) src(%dma_wait3A_1002 : memref<4x8x128xf32, #tpu.memory_space<hbm>>) dst(%dma_wait3A_997 : memref<4x8x128xf32, #tpu.memory_space<vmem>>)
    } else {
    }
    %scan3A_791 = arith.constant 0 : i32
    %scan3A_792 = arith.constant 0 : i32
    %scan3A_793 = arith.constant 10 : i32
    %scan3A_794 = arith.addi %scan3A_792, %scan3A_793 : i32
    %scan3A_795 = arith.constant 1 : i32
    scf.for %scan3A_981 = %scan3A_792 to %scan3A_794 step %scan3A_795  : i32 {
      %add3A_982 = arith.addi %min3A_21, %scan3A_981 : i32
      %div3A_983 = arith.constant 6 : i32
      %div3A_984 = arith.divsi %add3A_982, %div3A_983 : i32
      %rem3A_985 = arith.constant 6 : i32
      %rem3A_986 = arith.remsi %add3A_982, %rem3A_985 : i32
      %gt3A = arith.constant 0 : i32
      %gt3A_987 = arith.cmpi sgt, %div3A_984, %gt3A : i32
      %sub3A_988 = arith.constant 1 : i32
      %sub3A_989 = arith.subi %div3A_984, %sub3A_988 : i32
      %rem3A_990 = arith.constant 6 : i32
      %rem3A_991 = arith.remsi %sub3A_989, %rem3A_990 : i32
      %eq3A = arith.cmpi eq, %rem3A_991, %rem3A_986 : i32
      %and3A_992 = arith.andi %gt3A_987, %eq3A : i1
      %sub3A_993 = arith.subi %div3A_984, %select_n3A_47 : i32
      %add3A_994 = arith.constant 6 : i32
      %add3A_995 = arith.addi %add3A_994, %sub3A_993 : i32
      %select_n3A_996 = arith.select %and3A_992, %add3A_995, %rem3A_986 : i32
      %div3A_997 = arith.constant 49 : i32
      %div3A_998 = arith.divsi %add3A_982, %div3A_997 : i32
      %rem3A_999 = arith.constant 49 : i32
      %rem3A_1000 = arith.remsi %add3A_982, %rem3A_999 : i32
      %dma_start3A_1001 = arith.constant 0 : i32
      %dma_start3A_1002 = arith.constant 0 : i32
      %dma_start3A_1003 = arith.constant 0 : i32
      %dma_start3A_1004 = tpu.memref_slice %arg5[%select_n3A_996, %dma_start3A_1001, %dma_start3A_1002, %dma_start3A_1003] : memref<9x4x8x128xf32, #tpu.memory_space<vmem>> -> memref<1x4x8x128xf32, #tpu.memory_space<vmem>>
      %dma_start3A_1005 = tpu.memref_squeeze %dma_start3A_1004 : memref<1x4x8x128xf32, #tpu.memory_space<vmem>> -> memref<4x8x128xf32, #tpu.memory_space<vmem>>
      %dma_start3A_1006 = arith.constant 192 : i32
      %dma_start3A_1007 = arith.constant 0 : i32
      %dma_start3A_1008 = arith.constant 0 : i32
      %dma_start3A_1009 = tpu.memref_slice %arg3[%div3A_998, %rem3A_1000, %dma_start3A_1006, %dma_start3A_1007, %dma_start3A_1008] : memref<6x49x196x8x128xf32, #tpu.memory_space<hbm>> -> memref<1x1x4x8x128xf32, #tpu.memory_space<hbm>>
      %dma_start3A_1010 = tpu.memref_squeeze %dma_start3A_1009 : memref<1x1x4x8x128xf32, #tpu.memory_space<hbm>> -> memref<4x8x128xf32, #tpu.memory_space<hbm>>
      %dma_start3A_1011 = arith.constant 192 : i32
      %dma_start3A_1012 = arith.constant 0 : i32
      %dma_start3A_1013 = arith.constant 0 : i32
      %dma_start3A_1014 = tpu.memref_slice %arg3[%div3A_998, %rem3A_1000, %dma_start3A_1011, %dma_start3A_1012, %dma_start3A_1013] : memref<6x49x196x8x128xf32, #tpu.memory_space<hbm>> -> memref<1x1x4x8x128xf32, #tpu.memory_space<hbm>>
      %dma_start3A_1015 = tpu.memref_squeeze %dma_start3A_1014 : memref<1x1x4x8x128xf32, #tpu.memory_space<hbm>> -> memref<4x8x128xf32, #tpu.memory_space<hbm>>
      %dma_start3A_1016 = arith.constant 0 : i32
      %dma_start3A_1017 = arith.constant 0 : i32
      %dma_start3A_1018 = arith.constant 0 : i32
      %dma_start3A_1019 = tpu.memref_slice %arg5[%select_n3A_996, %dma_start3A_1016, %dma_start3A_1017, %dma_start3A_1018] : memref<9x4x8x128xf32, #tpu.memory_space<vmem>> -> memref<1x4x8x128xf32, #tpu.memory_space<vmem>>
      %dma_start3A_1020 = tpu.memref_squeeze %dma_start3A_1019 : memref<1x4x8x128xf32, #tpu.memory_space<vmem>> -> memref<4x8x128xf32, #tpu.memory_space<vmem>>
      tpu.enqueue_dma source(%dma_start3A_1020 : memref<4x8x128xf32, #tpu.memory_space<vmem>>) target(%dma_start3A_1015 : memref<4x8x128xf32, #tpu.memory_space<hbm>>) target_semaphore(%arg9 : memref<!tpu.dma_semaphore, #tpu.memory_space<semaphore_mem>>)
    }
    %scan3A_796 = arith.constant 10 : i32
    %dma_wait3A_797 = arith.constant 0 : i32
    %dma_wait3A_798 = arith.constant 0 : i32
    %dma_wait3A_799 = arith.constant 0 : i32
    %dma_wait3A_800 = arith.constant 0 : i32
    %dma_wait3A_801 = arith.constant 0 : i32
    %dma_wait3A_802 = tpu.memref_slice %arg4[%dma_wait3A_798, %dma_wait3A_799, %dma_wait3A_800, %dma_wait3A_801] : memref<14x6x8x128xf32, #tpu.memory_space<vmem>> -> memref<1x6x8x128xf32, #tpu.memory_space<vmem>>
    %dma_wait3A_803 = tpu.memref_squeeze %dma_wait3A_802 : memref<1x6x8x128xf32, #tpu.memory_space<vmem>> -> memref<6x8x128xf32, #tpu.memory_space<vmem>>
    %dma_wait3A_804 = arith.constant 0 : i32
    %dma_wait3A_805 = arith.constant 0 : i32
    %dma_wait3A_806 = tpu.memref_slice %arg2[%dma_wait3A_797, %mul3A_2, %dma_wait3A_804, %dma_wait3A_805] : memref<14x196x8x128xf32, #tpu.memory_space<hbm>> -> memref<1x6x8x128xf32, #tpu.memory_space<hbm>>
    %dma_wait3A_807 = tpu.memref_squeeze %dma_wait3A_806 : memref<1x6x8x128xf32, #tpu.memory_space<hbm>> -> memref<6x8x128xf32, #tpu.memory_space<hbm>>
    %dma_wait3A_808 = arith.constant 0 : i32
    %dma_wait3A_809 = arith.constant 0 : i32
    %dma_wait3A_810 = arith.constant 0 : i32
    %dma_wait3A_811 = tpu.memref_slice %arg4[%dma_wait3A_798, %dma_wait3A_808, %dma_wait3A_809, %dma_wait3A_810] : memref<14x6x8x128xf32, #tpu.memory_space<vmem>> -> memref<1x6x8x128xf32, #tpu.memory_space<vmem>>
    %dma_wait3A_812 = tpu.memref_squeeze %dma_wait3A_811 : memref<1x6x8x128xf32, #tpu.memory_space<vmem>> -> memref<6x8x128xf32, #tpu.memory_space<vmem>>
    %dma_wait3A_813 = arith.constant 0 : i32
    %dma_wait3A_814 = arith.constant 0 : i32
    %dma_wait3A_815 = tpu.memref_slice %arg2[%dma_wait3A_797, %mul3A_2, %dma_wait3A_813, %dma_wait3A_814] : memref<14x196x8x128xf32, #tpu.memory_space<hbm>> -> memref<1x6x8x128xf32, #tpu.memory_space<hbm>>
    %dma_wait3A_816 = tpu.memref_squeeze %dma_wait3A_815 : memref<1x6x8x128xf32, #tpu.memory_space<hbm>> -> memref<6x8x128xf32, #tpu.memory_space<hbm>>
    tpu.wait_dma2 semaphore(%arg7 : memref<!tpu.dma_semaphore, #tpu.memory_space<semaphore_mem>>) src(%dma_wait3A_816 : memref<6x8x128xf32, #tpu.memory_space<hbm>>) dst(%dma_wait3A_812 : memref<6x8x128xf32, #tpu.memory_space<vmem>>)
    %dma_wait3A_817 = arith.constant 1 : i32
    %dma_wait3A_818 = arith.constant 1 : i32
    %dma_wait3A_819 = arith.constant 0 : i32
    %dma_wait3A_820 = arith.constant 0 : i32
    %dma_wait3A_821 = arith.constant 0 : i32
    %dma_wait3A_822 = tpu.memref_slice %arg4[%dma_wait3A_818, %dma_wait3A_819, %dma_wait3A_820, %dma_wait3A_821] : memref<14x6x8x128xf32, #tpu.memory_space<vmem>> -> memref<1x6x8x128xf32, #tpu.memory_space<vmem>>
    %dma_wait3A_823 = tpu.memref_squeeze %dma_wait3A_822 : memref<1x6x8x128xf32, #tpu.memory_space<vmem>> -> memref<6x8x128xf32, #tpu.memory_space<vmem>>
    %dma_wait3A_824 = arith.constant 0 : i32
    %dma_wait3A_825 = arith.constant 0 : i32
    %dma_wait3A_826 = tpu.memref_slice %arg2[%dma_wait3A_817, %mul3A_2, %dma_wait3A_824, %dma_wait3A_825] : memref<14x196x8x128xf32, #tpu.memory_space<hbm>> -> memref<1x6x8x128xf32, #tpu.memory_space<hbm>>
    %dma_wait3A_827 = tpu.memref_squeeze %dma_wait3A_826 : memref<1x6x8x128xf32, #tpu.memory_space<hbm>> -> memref<6x8x128xf32, #tpu.memory_space<hbm>>
    %dma_wait3A_828 = arith.constant 0 : i32
    %dma_wait3A_829 = arith.constant 0 : i32
    %dma_wait3A_830 = arith.constant 0 : i32
    %dma_wait3A_831 = tpu.memref_slice %arg4[%dma_wait3A_818, %dma_wait3A_828, %dma_wait3A_829, %dma_wait3A_830] : memref<14x6x8x128xf32, #tpu.memory_space<vmem>> -> memref<1x6x8x128xf32, #tpu.memory_space<vmem>>
    %dma_wait3A_832 = tpu.memref_squeeze %dma_wait3A_831 : memref<1x6x8x128xf32, #tpu.memory_space<vmem>> -> memref<6x8x128xf32, #tpu.memory_space<vmem>>
    %dma_wait3A_833 = arith.constant 0 : i32
    %dma_wait3A_834 = arith.constant 0 : i32
    %dma_wait3A_835 = tpu.memref_slice %arg2[%dma_wait3A_817, %mul3A_2, %dma_wait3A_833, %dma_wait3A_834] : memref<14x196x8x128xf32, #tpu.memory_space<hbm>> -> memref<1x6x8x128xf32, #tpu.memory_space<hbm>>
    %dma_wait3A_836 = tpu.memref_squeeze %dma_wait3A_835 : memref<1x6x8x128xf32, #tpu.memory_space<hbm>> -> memref<6x8x128xf32, #tpu.memory_space<hbm>>
    tpu.wait_dma2 semaphore(%arg7 : memref<!tpu.dma_semaphore, #tpu.memory_space<semaphore_mem>>) src(%dma_wait3A_836 : memref<6x8x128xf32, #tpu.memory_space<hbm>>) dst(%dma_wait3A_832 : memref<6x8x128xf32, #tpu.memory_space<vmem>>)
    %dma_wait3A_837 = arith.constant 2 : i32
    %dma_wait3A_838 = arith.constant 2 : i32
    %dma_wait3A_839 = arith.constant 0 : i32
    %dma_wait3A_840 = arith.constant 0 : i32
    %dma_wait3A_841 = arith.constant 0 : i32
    %dma_wait3A_842 = tpu.memref_slice %arg4[%dma_wait3A_838, %dma_wait3A_839, %dma_wait3A_840, %dma_wait3A_841] : memref<14x6x8x128xf32, #tpu.memory_space<vmem>> -> memref<1x6x8x128xf32, #tpu.memory_space<vmem>>
    %dma_wait3A_843 = tpu.memref_squeeze %dma_wait3A_842 : memref<1x6x8x128xf32, #tpu.memory_space<vmem>> -> memref<6x8x128xf32, #tpu.memory_space<vmem>>
    %dma_wait3A_844 = arith.constant 0 : i32
    %dma_wait3A_845 = arith.constant 0 : i32
    %dma_wait3A_846 = tpu.memref_slice %arg2[%dma_wait3A_837, %mul3A_2, %dma_wait3A_844, %dma_wait3A_845] : memref<14x196x8x128xf32, #tpu.memory_space<hbm>> -> memref<1x6x8x128xf32, #tpu.memory_space<hbm>>
    %dma_wait3A_847 = tpu.memref_squeeze %dma_wait3A_846 : memref<1x6x8x128xf32, #tpu.memory_space<hbm>> -> memref<6x8x128xf32, #tpu.memory_space<hbm>>
    %dma_wait3A_848 = arith.constant 0 : i32
    %dma_wait3A_849 = arith.constant 0 : i32
    %dma_wait3A_850 = arith.constant 0 : i32
    %dma_wait3A_851 = tpu.memref_slice %arg4[%dma_wait3A_838, %dma_wait3A_848, %dma_wait3A_849, %dma_wait3A_850] : memref<14x6x8x128xf32, #tpu.memory_space<vmem>> -> memref<1x6x8x128xf32, #tpu.memory_space<vmem>>
    %dma_wait3A_852 = tpu.memref_squeeze %dma_wait3A_851 : memref<1x6x8x128xf32, #tpu.memory_space<vmem>> -> memref<6x8x128xf32, #tpu.memory_space<vmem>>
    %dma_wait3A_853 = arith.constant 0 : i32
    %dma_wait3A_854 = arith.constant 0 : i32
    %dma_wait3A_855 = tpu.memref_slice %arg2[%dma_wait3A_837, %mul3A_2, %dma_wait3A_853, %dma_wait3A_854] : memref<14x196x8x128xf32, #tpu.memory_space<hbm>> -> memref<1x6x8x128xf32, #tpu.memory_space<hbm>>
    %dma_wait3A_856 = tpu.memref_squeeze %dma_wait3A_855 : memref<1x6x8x128xf32, #tpu.memory_space<hbm>> -> memref<6x8x128xf32, #tpu.memory_space<hbm>>
    tpu.wait_dma2 semaphore(%arg7 : memref<!tpu.dma_semaphore, #tpu.memory_space<semaphore_mem>>) src(%dma_wait3A_856 : memref<6x8x128xf32, #tpu.memory_space<hbm>>) dst(%dma_wait3A_852 : memref<6x8x128xf32, #tpu.memory_space<vmem>>)
    %dma_wait3A_857 = arith.constant 3 : i32
    %dma_wait3A_858 = arith.constant 3 : i32
    %dma_wait3A_859 = arith.constant 0 : i32
    %dma_wait3A_860 = arith.constant 0 : i32
    %dma_wait3A_861 = arith.constant 0 : i32
    %dma_wait3A_862 = tpu.memref_slice %arg4[%dma_wait3A_858, %dma_wait3A_859, %dma_wait3A_860, %dma_wait3A_861] : memref<14x6x8x128xf32, #tpu.memory_space<vmem>> -> memref<1x6x8x128xf32, #tpu.memory_space<vmem>>
    %dma_wait3A_863 = tpu.memref_squeeze %dma_wait3A_862 : memref<1x6x8x128xf32, #tpu.memory_space<vmem>> -> memref<6x8x128xf32, #tpu.memory_space<vmem>>
    %dma_wait3A_864 = arith.constant 0 : i32
    %dma_wait3A_865 = arith.constant 0 : i32
    %dma_wait3A_866 = tpu.memref_slice %arg2[%dma_wait3A_857, %mul3A_2, %dma_wait3A_864, %dma_wait3A_865] : memref<14x196x8x128xf32, #tpu.memory_space<hbm>> -> memref<1x6x8x128xf32, #tpu.memory_space<hbm>>
    %dma_wait3A_867 = tpu.memref_squeeze %dma_wait3A_866 : memref<1x6x8x128xf32, #tpu.memory_space<hbm>> -> memref<6x8x128xf32, #tpu.memory_space<hbm>>
    %dma_wait3A_868 = arith.constant 0 : i32
    %dma_wait3A_869 = arith.constant 0 : i32
    %dma_wait3A_870 = arith.constant 0 : i32
    %dma_wait3A_871 = tpu.memref_slice %arg4[%dma_wait3A_858, %dma_wait3A_868, %dma_wait3A_869, %dma_wait3A_870] : memref<14x6x8x128xf32, #tpu.memory_space<vmem>> -> memref<1x6x8x128xf32, #tpu.memory_space<vmem>>
    %dma_wait3A_872 = tpu.memref_squeeze %dma_wait3A_871 : memref<1x6x8x128xf32, #tpu.memory_space<vmem>> -> memref<6x8x128xf32, #tpu.memory_space<vmem>>
    %dma_wait3A_873 = arith.constant 0 : i32
    %dma_wait3A_874 = arith.constant 0 : i32
    %dma_wait3A_875 = tpu.memref_slice %arg2[%dma_wait3A_857, %mul3A_2, %dma_wait3A_873, %dma_wait3A_874] : memref<14x196x8x128xf32, #tpu.memory_space<hbm>> -> memref<1x6x8x128xf32, #tpu.memory_space<hbm>>
    %dma_wait3A_876 = tpu.memref_squeeze %dma_wait3A_875 : memref<1x6x8x128xf32, #tpu.memory_space<hbm>> -> memref<6x8x128xf32, #tpu.memory_space<hbm>>
    tpu.wait_dma2 semaphore(%arg7 : memref<!tpu.dma_semaphore, #tpu.memory_space<semaphore_mem>>) src(%dma_wait3A_876 : memref<6x8x128xf32, #tpu.memory_space<hbm>>) dst(%dma_wait3A_872 : memref<6x8x128xf32, #tpu.memory_space<vmem>>)
    %dma_wait3A_877 = arith.constant 4 : i32
    %dma_wait3A_878 = arith.constant 4 : i32
    %dma_wait3A_879 = arith.constant 0 : i32
    %dma_wait3A_880 = arith.constant 0 : i32
    %dma_wait3A_881 = arith.constant 0 : i32
    %dma_wait3A_882 = tpu.memref_slice %arg4[%dma_wait3A_878, %dma_wait3A_879, %dma_wait3A_880, %dma_wait3A_881] : memref<14x6x8x128xf32, #tpu.memory_space<vmem>> -> memref<1x6x8x128xf32, #tpu.memory_space<vmem>>
    %dma_wait3A_883 = tpu.memref_squeeze %dma_wait3A_882 : memref<1x6x8x128xf32, #tpu.memory_space<vmem>> -> memref<6x8x128xf32, #tpu.memory_space<vmem>>
    %dma_wait3A_884 = arith.constant 0 : i32
    %dma_wait3A_885 = arith.constant 0 : i32
    %dma_wait3A_886 = tpu.memref_slice %arg2[%dma_wait3A_877, %mul3A_2, %dma_wait3A_884, %dma_wait3A_885] : memref<14x196x8x128xf32, #tpu.memory_space<hbm>> -> memref<1x6x8x128xf32, #tpu.memory_space<hbm>>
    %dma_wait3A_887 = tpu.memref_squeeze %dma_wait3A_886 : memref<1x6x8x128xf32, #tpu.memory_space<hbm>> -> memref<6x8x128xf32, #tpu.memory_space<hbm>>
    %dma_wait3A_888 = arith.constant 0 : i32
    %dma_wait3A_889 = arith.constant 0 : i32
    %dma_wait3A_890 = arith.constant 0 : i32
    %dma_wait3A_891 = tpu.memref_slice %arg4[%dma_wait3A_878, %dma_wait3A_888, %dma_wait3A_889, %dma_wait3A_890] : memref<14x6x8x128xf32, #tpu.memory_space<vmem>> -> memref<1x6x8x128xf32, #tpu.memory_space<vmem>>
    %dma_wait3A_892 = tpu.memref_squeeze %dma_wait3A_891 : memref<1x6x8x128xf32, #tpu.memory_space<vmem>> -> memref<6x8x128xf32, #tpu.memory_space<vmem>>
    %dma_wait3A_893 = arith.constant 0 : i32
    %dma_wait3A_894 = arith.constant 0 : i32
    %dma_wait3A_895 = tpu.memref_slice %arg2[%dma_wait3A_877, %mul3A_2, %dma_wait3A_893, %dma_wait3A_894] : memref<14x196x8x128xf32, #tpu.memory_space<hbm>> -> memref<1x6x8x128xf32, #tpu.memory_space<hbm>>
    %dma_wait3A_896 = tpu.memref_squeeze %dma_wait3A_895 : memref<1x6x8x128xf32, #tpu.memory_space<hbm>> -> memref<6x8x128xf32, #tpu.memory_space<hbm>>
    tpu.wait_dma2 semaphore(%arg7 : memref<!tpu.dma_semaphore, #tpu.memory_space<semaphore_mem>>) src(%dma_wait3A_896 : memref<6x8x128xf32, #tpu.memory_space<hbm>>) dst(%dma_wait3A_892 : memref<6x8x128xf32, #tpu.memory_space<vmem>>)
    %dma_wait3A_897 = arith.constant 5 : i32
    %dma_wait3A_898 = arith.constant 5 : i32
    %dma_wait3A_899 = arith.constant 0 : i32
    %dma_wait3A_900 = arith.constant 0 : i32
    %dma_wait3A_901 = arith.constant 0 : i32
    %dma_wait3A_902 = tpu.memref_slice %arg4[%dma_wait3A_898, %dma_wait3A_899, %dma_wait3A_900, %dma_wait3A_901] : memref<14x6x8x128xf32, #tpu.memory_space<vmem>> -> memref<1x6x8x128xf32, #tpu.memory_space<vmem>>
    %dma_wait3A_903 = tpu.memref_squeeze %dma_wait3A_902 : memref<1x6x8x128xf32, #tpu.memory_space<vmem>> -> memref<6x8x128xf32, #tpu.memory_space<vmem>>
    %dma_wait3A_904 = arith.constant 0 : i32
    %dma_wait3A_905 = arith.constant 0 : i32
    %dma_wait3A_906 = tpu.memref_slice %arg2[%dma_wait3A_897, %mul3A_2, %dma_wait3A_904, %dma_wait3A_905] : memref<14x196x8x128xf32, #tpu.memory_space<hbm>> -> memref<1x6x8x128xf32, #tpu.memory_space<hbm>>
    %dma_wait3A_907 = tpu.memref_squeeze %dma_wait3A_906 : memref<1x6x8x128xf32, #tpu.memory_space<hbm>> -> memref<6x8x128xf32, #tpu.memory_space<hbm>>
    %dma_wait3A_908 = arith.constant 0 : i32
    %dma_wait3A_909 = arith.constant 0 : i32
    %dma_wait3A_910 = arith.constant 0 : i32
    %dma_wait3A_911 = tpu.memref_slice %arg4[%dma_wait3A_898, %dma_wait3A_908, %dma_wait3A_909, %dma_wait3A_910] : memref<14x6x8x128xf32, #tpu.memory_space<vmem>> -> memref<1x6x8x128xf32, #tpu.memory_space<vmem>>
    %dma_wait3A_912 = tpu.memref_squeeze %dma_wait3A_911 : memref<1x6x8x128xf32, #tpu.memory_space<vmem>> -> memref<6x8x128xf32, #tpu.memory_space<vmem>>
    %dma_wait3A_913 = arith.constant 0 : i32
    %dma_wait3A_914 = arith.constant 0 : i32
    %dma_wait3A_915 = tpu.memref_slice %arg2[%dma_wait3A_897, %mul3A_2, %dma_wait3A_913, %dma_wait3A_914] : memref<14x196x8x128xf32, #tpu.memory_space<hbm>> -> memref<1x6x8x128xf32, #tpu.memory_space<hbm>>
    %dma_wait3A_916 = tpu.memref_squeeze %dma_wait3A_915 : memref<1x6x8x128xf32, #tpu.memory_space<hbm>> -> memref<6x8x128xf32, #tpu.memory_space<hbm>>
    tpu.wait_dma2 semaphore(%arg7 : memref<!tpu.dma_semaphore, #tpu.memory_space<semaphore_mem>>) src(%dma_wait3A_916 : memref<6x8x128xf32, #tpu.memory_space<hbm>>) dst(%dma_wait3A_912 : memref<6x8x128xf32, #tpu.memory_space<vmem>>)
    %dma_wait3A_917 = arith.constant 6 : i32
    %dma_wait3A_918 = arith.constant 6 : i32
    %dma_wait3A_919 = arith.constant 0 : i32
    %dma_wait3A_920 = arith.constant 0 : i32
    %dma_wait3A_921 = arith.constant 0 : i32
    %dma_wait3A_922 = tpu.memref_slice %arg4[%dma_wait3A_918, %dma_wait3A_919, %dma_wait3A_920, %dma_wait3A_921] : memref<14x6x8x128xf32, #tpu.memory_space<vmem>> -> memref<1x6x8x128xf32, #tpu.memory_space<vmem>>
    %dma_wait3A_923 = tpu.memref_squeeze %dma_wait3A_922 : memref<1x6x8x128xf32, #tpu.memory_space<vmem>> -> memref<6x8x128xf32, #tpu.memory_space<vmem>>
    %dma_wait3A_924 = arith.constant 0 : i32
    %dma_wait3A_925 = arith.constant 0 : i32
    %dma_wait3A_926 = tpu.memref_slice %arg2[%dma_wait3A_917, %mul3A_2, %dma_wait3A_924, %dma_wait3A_925] : memref<14x196x8x128xf32, #tpu.memory_space<hbm>> -> memref<1x6x8x128xf32, #tpu.memory_space<hbm>>
    %dma_wait3A_927 = tpu.memref_squeeze %dma_wait3A_926 : memref<1x6x8x128xf32, #tpu.memory_space<hbm>> -> memref<6x8x128xf32, #tpu.memory_space<hbm>>
    %dma_wait3A_928 = arith.constant 0 : i32
    %dma_wait3A_929 = arith.constant 0 : i32
    %dma_wait3A_930 = arith.constant 0 : i32
    %dma_wait3A_931 = tpu.memref_slice %arg4[%dma_wait3A_918, %dma_wait3A_928, %dma_wait3A_929, %dma_wait3A_930] : memref<14x6x8x128xf32, #tpu.memory_space<vmem>> -> memref<1x6x8x128xf32, #tpu.memory_space<vmem>>
    %dma_wait3A_932 = tpu.memref_squeeze %dma_wait3A_931 : memref<1x6x8x128xf32, #tpu.memory_space<vmem>> -> memref<6x8x128xf32, #tpu.memory_space<vmem>>
    %dma_wait3A_933 = arith.constant 0 : i32
    %dma_wait3A_934 = arith.constant 0 : i32
    %dma_wait3A_935 = tpu.memref_slice %arg2[%dma_wait3A_917, %mul3A_2, %dma_wait3A_933, %dma_wait3A_934] : memref<14x196x8x128xf32, #tpu.memory_space<hbm>> -> memref<1x6x8x128xf32, #tpu.memory_space<hbm>>
    %dma_wait3A_936 = tpu.memref_squeeze %dma_wait3A_935 : memref<1x6x8x128xf32, #tpu.memory_space<hbm>> -> memref<6x8x128xf32, #tpu.memory_space<hbm>>
    tpu.wait_dma2 semaphore(%arg7 : memref<!tpu.dma_semaphore, #tpu.memory_space<semaphore_mem>>) src(%dma_wait3A_936 : memref<6x8x128xf32, #tpu.memory_space<hbm>>) dst(%dma_wait3A_932 : memref<6x8x128xf32, #tpu.memory_space<vmem>>)
    %dma_wait3A_937 = arith.constant 7 : i32
    %dma_wait3A_938 = arith.constant 7 : i32
    %dma_wait3A_939 = arith.constant 0 : i32
    %dma_wait3A_940 = arith.constant 0 : i32
    %dma_wait3A_941 = arith.constant 0 : i32
    %dma_wait3A_942 = tpu.memref_slice %arg4[%dma_wait3A_938, %dma_wait3A_939, %dma_wait3A_940, %dma_wait3A_941] : memref<14x6x8x128xf32, #tpu.memory_space<vmem>> -> memref<1x6x8x128xf32, #tpu.memory_space<vmem>>
    %dma_wait3A_943 = tpu.memref_squeeze %dma_wait3A_942 : memref<1x6x8x128xf32, #tpu.memory_space<vmem>> -> memref<6x8x128xf32, #tpu.memory_space<vmem>>
    %dma_wait3A_944 = arith.constant 0 : i32
    %dma_wait3A_945 = arith.constant 0 : i32
    %dma_wait3A_946 = tpu.memref_slice %arg2[%dma_wait3A_937, %mul3A_2, %dma_wait3A_944, %dma_wait3A_945] : memref<14x196x8x128xf32, #tpu.memory_space<hbm>> -> memref<1x6x8x128xf32, #tpu.memory_space<hbm>>
    %dma_wait3A_947 = tpu.memref_squeeze %dma_wait3A_946 : memref<1x6x8x128xf32, #tpu.memory_space<hbm>> -> memref<6x8x128xf32, #tpu.memory_space<hbm>>
    %dma_wait3A_948 = arith.constant 0 : i32
    %dma_wait3A_949 = arith.constant 0 : i32
    %dma_wait3A_950 = arith.constant 0 : i32
    %dma_wait3A_951 = tpu.memref_slice %arg4[%dma_wait3A_938, %dma_wait3A_948, %dma_wait3A_949, %dma_wait3A_950] : memref<14x6x8x128xf32, #tpu.memory_space<vmem>> -> memref<1x6x8x128xf32, #tpu.memory_space<vmem>>
    %dma_wait3A_952 = tpu.memref_squeeze %dma_wait3A_951 : memref<1x6x8x128xf32, #tpu.memory_space<vmem>> -> memref<6x8x128xf32, #tpu.memory_space<vmem>>
    %dma_wait3A_953 = arith.constant 0 : i32
    %dma_wait3A_954 = arith.constant 0 : i32
    %dma_wait3A_955 = tpu.memref_slice %arg2[%dma_wait3A_937, %mul3A_2, %dma_wait3A_953, %dma_wait3A_954] : memref<14x196x8x128xf32, #tpu.memory_space<hbm>> -> memref<1x6x8x128xf32, #tpu.memory_space<hbm>>
    %dma_wait3A_956 = tpu.memref_squeeze %dma_wait3A_955 : memref<1x6x8x128xf32, #tpu.memory_space<hbm>> -> memref<6x8x128xf32, #tpu.memory_space<hbm>>
    tpu.wait_dma2 semaphore(%arg7 : memref<!tpu.dma_semaphore, #tpu.memory_space<semaphore_mem>>) src(%dma_wait3A_956 : memref<6x8x128xf32, #tpu.memory_space<hbm>>) dst(%dma_wait3A_952 : memref<6x8x128xf32, #tpu.memory_space<vmem>>)
    %scan3A_957 = arith.constant 0 : i32
    %scan3A_958 = arith.constant 1 : i32
    %scan3A_959 = arith.constant 48 : i32
    %scan3A_960 = arith.addi %scan3A_958, %scan3A_959 : i32
    %scan3A_961 = arith.constant 1 : i32
    scf.for %scan3A_981 = %scan3A_958 to %scan3A_960 step %scan3A_961  : i32 {
      %sub3A_982 = arith.constant 1 : i32
      %sub3A_983 = arith.subi %scan3A_981, %sub3A_982 : i32
      %rem3A_984 = arith.constant 6 : i32
      %rem3A_985 = arith.remsi %sub3A_983, %rem3A_984 : i32
      %mul3A_986 = arith.constant 6 : i32
      %mul3A_987 = arith.muli %scan3A_981, %mul3A_986 : i32
      %add3A_988 = arith.addi %mul3A_987, %rem3A_985 : i32
      %sub3A_989 = arith.constant 1 : i32
      %sub3A_990 = arith.subi %scan3A_981, %sub3A_989 : i32
      %div3A_991 = arith.constant 6 : i32
      %div3A_992 = arith.divsi %sub3A_990, %div3A_991 : i32
      %jit3A_993 = arith.constant 49 : i32
      %div3A_994 = arith.divsi %add3A_988, %jit3A_993 : i32
      %sign3A_995 = arith.constant 0 : i32
      %sign3A_996 = arith.cmpi sgt, %add3A_988, %sign3A_995 : i32
      %sign3A_997 = arith.extui %sign3A_996 : i1 to i32
      %sign3A_998 = arith.constant 0 : i32
      %sign3A_999 = arith.cmpi slt, %add3A_988, %sign3A_998 : i32
      %sign3A_1000 = arith.extui %sign3A_999 : i1 to i32
      %sign3A_1001 = arith.subi %sign3A_997, %sign3A_1000 : i32
      %sign3A_1002 = arith.constant 0 : i32
      %sign3A_1003 = arith.cmpi sgt, %jit3A_993, %sign3A_1002 : i32
      %sign3A_1004 = arith.extui %sign3A_1003 : i1 to i32
      %sign3A_1005 = arith.constant 0 : i32
      %sign3A_1006 = arith.cmpi slt, %jit3A_993, %sign3A_1005 : i32
      %sign3A_1007 = arith.extui %sign3A_1006 : i1 to i32
      %sign3A_1008 = arith.subi %sign3A_1004, %sign3A_1007 : i32
      %ne3A_1009 = arith.cmpi ne, %sign3A_1001, %sign3A_1008 : i32
      %rem3A_1010 = arith.remsi %add3A_988, %jit3A_993 : i32
      %ne3A_1011 = arith.constant 0 : i32
      %ne3A_1012 = arith.cmpi ne, %rem3A_1010, %ne3A_1011 : i32
      %and3A_1013 = arith.andi %ne3A_1009, %ne3A_1012 : i1
      %sub3A_1014 = arith.constant 1 : i32
      %sub3A_1015 = arith.subi %div3A_994, %sub3A_1014 : i32
      %select_n3A_1016 = arith.select %and3A_1013, %sub3A_1015, %div3A_994 : i32
      %rem3A_1017 = arith.constant 49 : i32
      %rem3A_1018 = arith.remsi %add3A_988, %rem3A_1017 : i32
      %dma_start3A_1019 = arith.constant 0 : i32
      %dma_start3A_1020 = arith.constant 0 : i32
      %dma_start3A_1021 = arith.constant 0 : i32
      %dma_start3A_1022 = tpu.memref_slice %arg4[%div3A_992, %dma_start3A_1019, %dma_start3A_1020, %dma_start3A_1021] : memref<14x6x8x128xf32, #tpu.memory_space<vmem>> -> memref<1x6x8x128xf32, #tpu.memory_space<vmem>>
      %dma_start3A_1023 = tpu.memref_squeeze %dma_start3A_1022 : memref<1x6x8x128xf32, #tpu.memory_space<vmem>> -> memref<6x8x128xf32, #tpu.memory_space<vmem>>
      %dma_start3A_1024 = arith.constant 0 : i32
      %dma_start3A_1025 = arith.constant 0 : i32
      %dma_start3A_1026 = tpu.memref_slice %arg3[%select_n3A_1016, %rem3A_1018, %mul3A_2, %dma_start3A_1024, %dma_start3A_1025] : memref<6x49x196x8x128xf32, #tpu.memory_space<hbm>> -> memref<1x1x6x8x128xf32, #tpu.memory_space<hbm>>
      %dma_start3A_1027 = tpu.memref_squeeze %dma_start3A_1026 : memref<1x1x6x8x128xf32, #tpu.memory_space<hbm>> -> memref<6x8x128xf32, #tpu.memory_space<hbm>>
      %dma_start3A_1028 = arith.constant 0 : i32
      %dma_start3A_1029 = arith.constant 0 : i32
      %dma_start3A_1030 = tpu.memref_slice %arg3[%select_n3A_1016, %rem3A_1018, %mul3A_2, %dma_start3A_1028, %dma_start3A_1029] : memref<6x49x196x8x128xf32, #tpu.memory_space<hbm>> -> memref<1x1x6x8x128xf32, #tpu.memory_space<hbm>>
      %dma_start3A_1031 = tpu.memref_squeeze %dma_start3A_1030 : memref<1x1x6x8x128xf32, #tpu.memory_space<hbm>> -> memref<6x8x128xf32, #tpu.memory_space<hbm>>
      %dma_start3A_1032 = arith.constant 0 : i32
      %dma_start3A_1033 = arith.constant 0 : i32
      %dma_start3A_1034 = arith.constant 0 : i32
      %dma_start3A_1035 = tpu.memref_slice %arg4[%div3A_992, %dma_start3A_1032, %dma_start3A_1033, %dma_start3A_1034] : memref<14x6x8x128xf32, #tpu.memory_space<vmem>> -> memref<1x6x8x128xf32, #tpu.memory_space<vmem>>
      %dma_start3A_1036 = tpu.memref_squeeze %dma_start3A_1035 : memref<1x6x8x128xf32, #tpu.memory_space<vmem>> -> memref<6x8x128xf32, #tpu.memory_space<vmem>>
      tpu.enqueue_dma source(%dma_start3A_1036 : memref<6x8x128xf32, #tpu.memory_space<vmem>>) target(%dma_start3A_1031 : memref<6x8x128xf32, #tpu.memory_space<hbm>>) target_semaphore(%arg9 : memref<!tpu.dma_semaphore, #tpu.memory_space<semaphore_mem>>)
    }
    %scan3A_962 = arith.constant 48 : i32
    %scan3A_963 = arith.constant 0 : i32
    %scan3A_964 = arith.constant 0 : i32
    %scan3A_965 = arith.constant 49 : i32
    %scan3A_966 = arith.addi %scan3A_964, %scan3A_965 : i32
    %scan3A_967 = arith.constant 1 : i32
    scf.for %scan3A_981 = %scan3A_964 to %scan3A_966 step %scan3A_967  : i32 {
      %eq3A = arith.constant 0 : i32
      %eq3A_982 = arith.cmpi eq, %scan3A_981, %eq3A : i32
      %sub3A_983 = arith.constant 1 : i32
      %sub3A_984 = arith.subi %scan3A_981, %sub3A_983 : i32
      %rem3A_985 = arith.constant 6 : i32
      %rem3A_986 = arith.remsi %sub3A_984, %rem3A_985 : i32
      %ne3A_987 = arith.constant 0 : i32
      %ne3A_988 = arith.cmpi ne, %rem3A_986, %ne3A_987 : i32
      %or3A = arith.ori %eq3A_982, %ne3A_988 : i1
      %convert_element_type3A_989 = arith.extui %or3A : i1 to i32
      %cond3A_990 = arith.constant 0 : i32
      %cond3A_991 = arith.cmpi ne, %convert_element_type3A_989, %cond3A_990 : i32
      scf.if %cond3A_991 {
        %dma_wait3A_1052 = arith.constant 8 : i32
        %dma_wait3A_1053 = arith.constant 0 : i32
        %dma_wait3A_1054 = arith.constant 0 : i32
        %dma_wait3A_1055 = arith.constant 0 : i32
        %dma_wait3A_1056 = arith.constant 0 : i32
        %dma_wait3A_1057 = arith.constant 0 : i32
        %dma_wait3A_1058 = tpu.memref_slice %arg4[%dma_wait3A_1052, %dma_wait3A_1055, %dma_wait3A_1056, %dma_wait3A_1057] : memref<14x6x8x128xf32, #tpu.memory_space<vmem>> -> memref<1x6x8x128xf32, #tpu.memory_space<vmem>>
        %dma_wait3A_1059 = tpu.memref_squeeze %dma_wait3A_1058 : memref<1x6x8x128xf32, #tpu.memory_space<vmem>> -> memref<6x8x128xf32, #tpu.memory_space<vmem>>
        %dma_wait3A_1060 = arith.constant 0 : i32
        %dma_wait3A_1061 = arith.constant 0 : i32
        %dma_wait3A_1062 = tpu.memref_slice %arg3[%dma_wait3A_1053, %dma_wait3A_1054, %mul3A_2, %dma_wait3A_1060, %dma_wait3A_1061] : memref<6x49x196x8x128xf32, #tpu.memory_space<hbm>> -> memref<1x1x6x8x128xf32, #tpu.memory_space<hbm>>
        %dma_wait3A_1063 = tpu.memref_squeeze %dma_wait3A_1062 : memref<1x1x6x8x128xf32, #tpu.memory_space<hbm>> -> memref<6x8x128xf32, #tpu.memory_space<hbm>>
        %dma_wait3A_1064 = arith.constant 0 : i32
        %dma_wait3A_1065 = arith.constant 0 : i32
        %dma_wait3A_1066 = tpu.memref_slice %arg3[%dma_wait3A_1053, %dma_wait3A_1054, %mul3A_2, %dma_wait3A_1064, %dma_wait3A_1065] : memref<6x49x196x8x128xf32, #tpu.memory_space<hbm>> -> memref<1x1x6x8x128xf32, #tpu.memory_space<hbm>>
        %dma_wait3A_1067 = tpu.memref_squeeze %dma_wait3A_1066 : memref<1x1x6x8x128xf32, #tpu.memory_space<hbm>> -> memref<6x8x128xf32, #tpu.memory_space<hbm>>
        %dma_wait3A_1068 = arith.constant 0 : i32
        %dma_wait3A_1069 = arith.constant 0 : i32
        %dma_wait3A_1070 = arith.constant 0 : i32
        %dma_wait3A_1071 = tpu.memref_slice %arg4[%dma_wait3A_1052, %dma_wait3A_1068, %dma_wait3A_1069, %dma_wait3A_1070] : memref<14x6x8x128xf32, #tpu.memory_space<vmem>> -> memref<1x6x8x128xf32, #tpu.memory_space<vmem>>
        %dma_wait3A_1072 = tpu.memref_squeeze %dma_wait3A_1071 : memref<1x6x8x128xf32, #tpu.memory_space<vmem>> -> memref<6x8x128xf32, #tpu.memory_space<vmem>>
        tpu.wait_dma2 semaphore(%arg9 : memref<!tpu.dma_semaphore, #tpu.memory_space<semaphore_mem>>) src(%dma_wait3A_1072 : memref<6x8x128xf32, #tpu.memory_space<vmem>>) dst(%dma_wait3A_1067 : memref<6x8x128xf32, #tpu.memory_space<hbm>>)
      } else {
      }
      %eq3A_992 = arith.constant 0 : i32
      %eq3A_993 = arith.cmpi eq, %scan3A_981, %eq3A_992 : i32
      %sub3A_994 = arith.constant 1 : i32
      %sub3A_995 = arith.subi %scan3A_981, %sub3A_994 : i32
      %rem3A_996 = arith.constant 6 : i32
      %rem3A_997 = arith.remsi %sub3A_995, %rem3A_996 : i32
      %ne3A_998 = arith.constant 1 : i32
      %ne3A_999 = arith.cmpi ne, %rem3A_997, %ne3A_998 : i32
      %or3A_1000 = arith.ori %eq3A_993, %ne3A_999 : i1
      %convert_element_type3A_1001 = arith.extui %or3A_1000 : i1 to i32
      %cond3A_1002 = arith.constant 0 : i32
      %cond3A_1003 = arith.cmpi ne, %convert_element_type3A_1001, %cond3A_1002 : i32
      scf.if %cond3A_1003 {
        %dma_wait3A_1052 = arith.constant 9 : i32
        %dma_wait3A_1053 = arith.constant 0 : i32
        %dma_wait3A_1054 = arith.constant 0 : i32
        %dma_wait3A_1055 = arith.constant 0 : i32
        %dma_wait3A_1056 = arith.constant 0 : i32
        %dma_wait3A_1057 = arith.constant 0 : i32
        %dma_wait3A_1058 = tpu.memref_slice %arg4[%dma_wait3A_1052, %dma_wait3A_1055, %dma_wait3A_1056, %dma_wait3A_1057] : memref<14x6x8x128xf32, #tpu.memory_space<vmem>> -> memref<1x6x8x128xf32, #tpu.memory_space<vmem>>
        %dma_wait3A_1059 = tpu.memref_squeeze %dma_wait3A_1058 : memref<1x6x8x128xf32, #tpu.memory_space<vmem>> -> memref<6x8x128xf32, #tpu.memory_space<vmem>>
        %dma_wait3A_1060 = arith.constant 0 : i32
        %dma_wait3A_1061 = arith.constant 0 : i32
        %dma_wait3A_1062 = tpu.memref_slice %arg3[%dma_wait3A_1053, %dma_wait3A_1054, %mul3A_2, %dma_wait3A_1060, %dma_wait3A_1061] : memref<6x49x196x8x128xf32, #tpu.memory_space<hbm>> -> memref<1x1x6x8x128xf32, #tpu.memory_space<hbm>>
        %dma_wait3A_1063 = tpu.memref_squeeze %dma_wait3A_1062 : memref<1x1x6x8x128xf32, #tpu.memory_space<hbm>> -> memref<6x8x128xf32, #tpu.memory_space<hbm>>
        %dma_wait3A_1064 = arith.constant 0 : i32
        %dma_wait3A_1065 = arith.constant 0 : i32
        %dma_wait3A_1066 = tpu.memref_slice %arg3[%dma_wait3A_1053, %dma_wait3A_1054, %mul3A_2, %dma_wait3A_1064, %dma_wait3A_1065] : memref<6x49x196x8x128xf32, #tpu.memory_space<hbm>> -> memref<1x1x6x8x128xf32, #tpu.memory_space<hbm>>
        %dma_wait3A_1067 = tpu.memref_squeeze %dma_wait3A_1066 : memref<1x1x6x8x128xf32, #tpu.memory_space<hbm>> -> memref<6x8x128xf32, #tpu.memory_space<hbm>>
        %dma_wait3A_1068 = arith.constant 0 : i32
        %dma_wait3A_1069 = arith.constant 0 : i32
        %dma_wait3A_1070 = arith.constant 0 : i32
        %dma_wait3A_1071 = tpu.memref_slice %arg4[%dma_wait3A_1052, %dma_wait3A_1068, %dma_wait3A_1069, %dma_wait3A_1070] : memref<14x6x8x128xf32, #tpu.memory_space<vmem>> -> memref<1x6x8x128xf32, #tpu.memory_space<vmem>>
        %dma_wait3A_1072 = tpu.memref_squeeze %dma_wait3A_1071 : memref<1x6x8x128xf32, #tpu.memory_space<vmem>> -> memref<6x8x128xf32, #tpu.memory_space<vmem>>
        tpu.wait_dma2 semaphore(%arg9 : memref<!tpu.dma_semaphore, #tpu.memory_space<semaphore_mem>>) src(%dma_wait3A_1072 : memref<6x8x128xf32, #tpu.memory_space<vmem>>) dst(%dma_wait3A_1067 : memref<6x8x128xf32, #tpu.memory_space<hbm>>)
      } else {
      }
      %eq3A_1004 = arith.constant 0 : i32
      %eq3A_1005 = arith.cmpi eq, %scan3A_981, %eq3A_1004 : i32
      %sub3A_1006 = arith.constant 1 : i32
      %sub3A_1007 = arith.subi %scan3A_981, %sub3A_1006 : i32
      %rem3A_1008 = arith.constant 6 : i32
      %rem3A_1009 = arith.remsi %sub3A_1007, %rem3A_1008 : i32
      %ne3A_1010 = arith.constant 2 : i32
      %ne3A_1011 = arith.cmpi ne, %rem3A_1009, %ne3A_1010 : i32
      %or3A_1012 = arith.ori %eq3A_1005, %ne3A_1011 : i1
      %convert_element_type3A_1013 = arith.extui %or3A_1012 : i1 to i32
      %cond3A_1014 = arith.constant 0 : i32
      %cond3A_1015 = arith.cmpi ne, %convert_element_type3A_1013, %cond3A_1014 : i32
      scf.if %cond3A_1015 {
        %dma_wait3A_1052 = arith.constant 10 : i32
        %dma_wait3A_1053 = arith.constant 0 : i32
        %dma_wait3A_1054 = arith.constant 0 : i32
        %dma_wait3A_1055 = arith.constant 0 : i32
        %dma_wait3A_1056 = arith.constant 0 : i32
        %dma_wait3A_1057 = arith.constant 0 : i32
        %dma_wait3A_1058 = tpu.memref_slice %arg4[%dma_wait3A_1052, %dma_wait3A_1055, %dma_wait3A_1056, %dma_wait3A_1057] : memref<14x6x8x128xf32, #tpu.memory_space<vmem>> -> memref<1x6x8x128xf32, #tpu.memory_space<vmem>>
        %dma_wait3A_1059 = tpu.memref_squeeze %dma_wait3A_1058 : memref<1x6x8x128xf32, #tpu.memory_space<vmem>> -> memref<6x8x128xf32, #tpu.memory_space<vmem>>
        %dma_wait3A_1060 = arith.constant 0 : i32
        %dma_wait3A_1061 = arith.constant 0 : i32
        %dma_wait3A_1062 = tpu.memref_slice %arg3[%dma_wait3A_1053, %dma_wait3A_1054, %mul3A_2, %dma_wait3A_1060, %dma_wait3A_1061] : memref<6x49x196x8x128xf32, #tpu.memory_space<hbm>> -> memref<1x1x6x8x128xf32, #tpu.memory_space<hbm>>
        %dma_wait3A_1063 = tpu.memref_squeeze %dma_wait3A_1062 : memref<1x1x6x8x128xf32, #tpu.memory_space<hbm>> -> memref<6x8x128xf32, #tpu.memory_space<hbm>>
        %dma_wait3A_1064 = arith.constant 0 : i32
        %dma_wait3A_1065 = arith.constant 0 : i32
        %dma_wait3A_1066 = tpu.memref_slice %arg3[%dma_wait3A_1053, %dma_wait3A_1054, %mul3A_2, %dma_wait3A_1064, %dma_wait3A_1065] : memref<6x49x196x8x128xf32, #tpu.memory_space<hbm>> -> memref<1x1x6x8x128xf32, #tpu.memory_space<hbm>>
        %dma_wait3A_1067 = tpu.memref_squeeze %dma_wait3A_1066 : memref<1x1x6x8x128xf32, #tpu.memory_space<hbm>> -> memref<6x8x128xf32, #tpu.memory_space<hbm>>
        %dma_wait3A_1068 = arith.constant 0 : i32
        %dma_wait3A_1069 = arith.constant 0 : i32
        %dma_wait3A_1070 = arith.constant 0 : i32
        %dma_wait3A_1071 = tpu.memref_slice %arg4[%dma_wait3A_1052, %dma_wait3A_1068, %dma_wait3A_1069, %dma_wait3A_1070] : memref<14x6x8x128xf32, #tpu.memory_space<vmem>> -> memref<1x6x8x128xf32, #tpu.memory_space<vmem>>
        %dma_wait3A_1072 = tpu.memref_squeeze %dma_wait3A_1071 : memref<1x6x8x128xf32, #tpu.memory_space<vmem>> -> memref<6x8x128xf32, #tpu.memory_space<vmem>>
        tpu.wait_dma2 semaphore(%arg9 : memref<!tpu.dma_semaphore, #tpu.memory_space<semaphore_mem>>) src(%dma_wait3A_1072 : memref<6x8x128xf32, #tpu.memory_space<vmem>>) dst(%dma_wait3A_1067 : memref<6x8x128xf32, #tpu.memory_space<hbm>>)
      } else {
      }
      %eq3A_1016 = arith.constant 0 : i32
      %eq3A_1017 = arith.cmpi eq, %scan3A_981, %eq3A_1016 : i32
      %sub3A_1018 = arith.constant 1 : i32
      %sub3A_1019 = arith.subi %scan3A_981, %sub3A_1018 : i32
      %rem3A_1020 = arith.constant 6 : i32
      %rem3A_1021 = arith.remsi %sub3A_1019, %rem3A_1020 : i32
      %ne3A_1022 = arith.constant 3 : i32
      %ne3A_1023 = arith.cmpi ne, %rem3A_1021, %ne3A_1022 : i32
      %or3A_1024 = arith.ori %eq3A_1017, %ne3A_1023 : i1
      %convert_element_type3A_1025 = arith.extui %or3A_1024 : i1 to i32
      %cond3A_1026 = arith.constant 0 : i32
      %cond3A_1027 = arith.cmpi ne, %convert_element_type3A_1025, %cond3A_1026 : i32
      scf.if %cond3A_1027 {
        %dma_wait3A_1052 = arith.constant 11 : i32
        %dma_wait3A_1053 = arith.constant 0 : i32
        %dma_wait3A_1054 = arith.constant 0 : i32
        %dma_wait3A_1055 = arith.constant 0 : i32
        %dma_wait3A_1056 = arith.constant 0 : i32
        %dma_wait3A_1057 = arith.constant 0 : i32
        %dma_wait3A_1058 = tpu.memref_slice %arg4[%dma_wait3A_1052, %dma_wait3A_1055, %dma_wait3A_1056, %dma_wait3A_1057] : memref<14x6x8x128xf32, #tpu.memory_space<vmem>> -> memref<1x6x8x128xf32, #tpu.memory_space<vmem>>
        %dma_wait3A_1059 = tpu.memref_squeeze %dma_wait3A_1058 : memref<1x6x8x128xf32, #tpu.memory_space<vmem>> -> memref<6x8x128xf32, #tpu.memory_space<vmem>>
        %dma_wait3A_1060 = arith.constant 0 : i32
        %dma_wait3A_1061 = arith.constant 0 : i32
        %dma_wait3A_1062 = tpu.memref_slice %arg3[%dma_wait3A_1053, %dma_wait3A_1054, %mul3A_2, %dma_wait3A_1060, %dma_wait3A_1061] : memref<6x49x196x8x128xf32, #tpu.memory_space<hbm>> -> memref<1x1x6x8x128xf32, #tpu.memory_space<hbm>>
        %dma_wait3A_1063 = tpu.memref_squeeze %dma_wait3A_1062 : memref<1x1x6x8x128xf32, #tpu.memory_space<hbm>> -> memref<6x8x128xf32, #tpu.memory_space<hbm>>
        %dma_wait3A_1064 = arith.constant 0 : i32
        %dma_wait3A_1065 = arith.constant 0 : i32
        %dma_wait3A_1066 = tpu.memref_slice %arg3[%dma_wait3A_1053, %dma_wait3A_1054, %mul3A_2, %dma_wait3A_1064, %dma_wait3A_1065] : memref<6x49x196x8x128xf32, #tpu.memory_space<hbm>> -> memref<1x1x6x8x128xf32, #tpu.memory_space<hbm>>
        %dma_wait3A_1067 = tpu.memref_squeeze %dma_wait3A_1066 : memref<1x1x6x8x128xf32, #tpu.memory_space<hbm>> -> memref<6x8x128xf32, #tpu.memory_space<hbm>>
        %dma_wait3A_1068 = arith.constant 0 : i32
        %dma_wait3A_1069 = arith.constant 0 : i32
        %dma_wait3A_1070 = arith.constant 0 : i32
        %dma_wait3A_1071 = tpu.memref_slice %arg4[%dma_wait3A_1052, %dma_wait3A_1068, %dma_wait3A_1069, %dma_wait3A_1070] : memref<14x6x8x128xf32, #tpu.memory_space<vmem>> -> memref<1x6x8x128xf32, #tpu.memory_space<vmem>>
        %dma_wait3A_1072 = tpu.memref_squeeze %dma_wait3A_1071 : memref<1x6x8x128xf32, #tpu.memory_space<vmem>> -> memref<6x8x128xf32, #tpu.memory_space<vmem>>
        tpu.wait_dma2 semaphore(%arg9 : memref<!tpu.dma_semaphore, #tpu.memory_space<semaphore_mem>>) src(%dma_wait3A_1072 : memref<6x8x128xf32, #tpu.memory_space<vmem>>) dst(%dma_wait3A_1067 : memref<6x8x128xf32, #tpu.memory_space<hbm>>)
      } else {
      }
      %eq3A_1028 = arith.constant 0 : i32
      %eq3A_1029 = arith.cmpi eq, %scan3A_981, %eq3A_1028 : i32
      %sub3A_1030 = arith.constant 1 : i32
      %sub3A_1031 = arith.subi %scan3A_981, %sub3A_1030 : i32
      %rem3A_1032 = arith.constant 6 : i32
      %rem3A_1033 = arith.remsi %sub3A_1031, %rem3A_1032 : i32
      %ne3A_1034 = arith.constant 4 : i32
      %ne3A_1035 = arith.cmpi ne, %rem3A_1033, %ne3A_1034 : i32
      %or3A_1036 = arith.ori %eq3A_1029, %ne3A_1035 : i1
      %convert_element_type3A_1037 = arith.extui %or3A_1036 : i1 to i32
      %cond3A_1038 = arith.constant 0 : i32
      %cond3A_1039 = arith.cmpi ne, %convert_element_type3A_1037, %cond3A_1038 : i32
      scf.if %cond3A_1039 {
        %dma_wait3A_1052 = arith.constant 12 : i32
        %dma_wait3A_1053 = arith.constant 0 : i32
        %dma_wait3A_1054 = arith.constant 0 : i32
        %dma_wait3A_1055 = arith.constant 0 : i32
        %dma_wait3A_1056 = arith.constant 0 : i32
        %dma_wait3A_1057 = arith.constant 0 : i32
        %dma_wait3A_1058 = tpu.memref_slice %arg4[%dma_wait3A_1052, %dma_wait3A_1055, %dma_wait3A_1056, %dma_wait3A_1057] : memref<14x6x8x128xf32, #tpu.memory_space<vmem>> -> memref<1x6x8x128xf32, #tpu.memory_space<vmem>>
        %dma_wait3A_1059 = tpu.memref_squeeze %dma_wait3A_1058 : memref<1x6x8x128xf32, #tpu.memory_space<vmem>> -> memref<6x8x128xf32, #tpu.memory_space<vmem>>
        %dma_wait3A_1060 = arith.constant 0 : i32
        %dma_wait3A_1061 = arith.constant 0 : i32
        %dma_wait3A_1062 = tpu.memref_slice %arg3[%dma_wait3A_1053, %dma_wait3A_1054, %mul3A_2, %dma_wait3A_1060, %dma_wait3A_1061] : memref<6x49x196x8x128xf32, #tpu.memory_space<hbm>> -> memref<1x1x6x8x128xf32, #tpu.memory_space<hbm>>
        %dma_wait3A_1063 = tpu.memref_squeeze %dma_wait3A_1062 : memref<1x1x6x8x128xf32, #tpu.memory_space<hbm>> -> memref<6x8x128xf32, #tpu.memory_space<hbm>>
        %dma_wait3A_1064 = arith.constant 0 : i32
        %dma_wait3A_1065 = arith.constant 0 : i32
        %dma_wait3A_1066 = tpu.memref_slice %arg3[%dma_wait3A_1053, %dma_wait3A_1054, %mul3A_2, %dma_wait3A_1064, %dma_wait3A_1065] : memref<6x49x196x8x128xf32, #tpu.memory_space<hbm>> -> memref<1x1x6x8x128xf32, #tpu.memory_space<hbm>>
        %dma_wait3A_1067 = tpu.memref_squeeze %dma_wait3A_1066 : memref<1x1x6x8x128xf32, #tpu.memory_space<hbm>> -> memref<6x8x128xf32, #tpu.memory_space<hbm>>
        %dma_wait3A_1068 = arith.constant 0 : i32
        %dma_wait3A_1069 = arith.constant 0 : i32
        %dma_wait3A_1070 = arith.constant 0 : i32
        %dma_wait3A_1071 = tpu.memref_slice %arg4[%dma_wait3A_1052, %dma_wait3A_1068, %dma_wait3A_1069, %dma_wait3A_1070] : memref<14x6x8x128xf32, #tpu.memory_space<vmem>> -> memref<1x6x8x128xf32, #tpu.memory_space<vmem>>
        %dma_wait3A_1072 = tpu.memref_squeeze %dma_wait3A_1071 : memref<1x6x8x128xf32, #tpu.memory_space<vmem>> -> memref<6x8x128xf32, #tpu.memory_space<vmem>>
        tpu.wait_dma2 semaphore(%arg9 : memref<!tpu.dma_semaphore, #tpu.memory_space<semaphore_mem>>) src(%dma_wait3A_1072 : memref<6x8x128xf32, #tpu.memory_space<vmem>>) dst(%dma_wait3A_1067 : memref<6x8x128xf32, #tpu.memory_space<hbm>>)
      } else {
      }
      %eq3A_1040 = arith.constant 0 : i32
      %eq3A_1041 = arith.cmpi eq, %scan3A_981, %eq3A_1040 : i32
      %sub3A_1042 = arith.constant 1 : i32
      %sub3A_1043 = arith.subi %scan3A_981, %sub3A_1042 : i32
      %rem3A_1044 = arith.constant 6 : i32
      %rem3A_1045 = arith.remsi %sub3A_1043, %rem3A_1044 : i32
      %ne3A_1046 = arith.constant 5 : i32
      %ne3A_1047 = arith.cmpi ne, %rem3A_1045, %ne3A_1046 : i32
      %or3A_1048 = arith.ori %eq3A_1041, %ne3A_1047 : i1
      %convert_element_type3A_1049 = arith.extui %or3A_1048 : i1 to i32
      %cond3A_1050 = arith.constant 0 : i32
      %cond3A_1051 = arith.cmpi ne, %convert_element_type3A_1049, %cond3A_1050 : i32
      scf.if %cond3A_1051 {
        %dma_wait3A_1052 = arith.constant 13 : i32
        %dma_wait3A_1053 = arith.constant 0 : i32
        %dma_wait3A_1054 = arith.constant 0 : i32
        %dma_wait3A_1055 = arith.constant 0 : i32
        %dma_wait3A_1056 = arith.constant 0 : i32
        %dma_wait3A_1057 = arith.constant 0 : i32
        %dma_wait3A_1058 = tpu.memref_slice %arg4[%dma_wait3A_1052, %dma_wait3A_1055, %dma_wait3A_1056, %dma_wait3A_1057] : memref<14x6x8x128xf32, #tpu.memory_space<vmem>> -> memref<1x6x8x128xf32, #tpu.memory_space<vmem>>
        %dma_wait3A_1059 = tpu.memref_squeeze %dma_wait3A_1058 : memref<1x6x8x128xf32, #tpu.memory_space<vmem>> -> memref<6x8x128xf32, #tpu.memory_space<vmem>>
        %dma_wait3A_1060 = arith.constant 0 : i32
        %dma_wait3A_1061 = arith.constant 0 : i32
        %dma_wait3A_1062 = tpu.memref_slice %arg3[%dma_wait3A_1053, %dma_wait3A_1054, %mul3A_2, %dma_wait3A_1060, %dma_wait3A_1061] : memref<6x49x196x8x128xf32, #tpu.memory_space<hbm>> -> memref<1x1x6x8x128xf32, #tpu.memory_space<hbm>>
        %dma_wait3A_1063 = tpu.memref_squeeze %dma_wait3A_1062 : memref<1x1x6x8x128xf32, #tpu.memory_space<hbm>> -> memref<6x8x128xf32, #tpu.memory_space<hbm>>
        %dma_wait3A_1064 = arith.constant 0 : i32
        %dma_wait3A_1065 = arith.constant 0 : i32
        %dma_wait3A_1066 = tpu.memref_slice %arg3[%dma_wait3A_1053, %dma_wait3A_1054, %mul3A_2, %dma_wait3A_1064, %dma_wait3A_1065] : memref<6x49x196x8x128xf32, #tpu.memory_space<hbm>> -> memref<1x1x6x8x128xf32, #tpu.memory_space<hbm>>
        %dma_wait3A_1067 = tpu.memref_squeeze %dma_wait3A_1066 : memref<1x1x6x8x128xf32, #tpu.memory_space<hbm>> -> memref<6x8x128xf32, #tpu.memory_space<hbm>>
        %dma_wait3A_1068 = arith.constant 0 : i32
        %dma_wait3A_1069 = arith.constant 0 : i32
        %dma_wait3A_1070 = arith.constant 0 : i32
        %dma_wait3A_1071 = tpu.memref_slice %arg4[%dma_wait3A_1052, %dma_wait3A_1068, %dma_wait3A_1069, %dma_wait3A_1070] : memref<14x6x8x128xf32, #tpu.memory_space<vmem>> -> memref<1x6x8x128xf32, #tpu.memory_space<vmem>>
        %dma_wait3A_1072 = tpu.memref_squeeze %dma_wait3A_1071 : memref<1x6x8x128xf32, #tpu.memory_space<vmem>> -> memref<6x8x128xf32, #tpu.memory_space<vmem>>
        tpu.wait_dma2 semaphore(%arg9 : memref<!tpu.dma_semaphore, #tpu.memory_space<semaphore_mem>>) src(%dma_wait3A_1072 : memref<6x8x128xf32, #tpu.memory_space<vmem>>) dst(%dma_wait3A_1067 : memref<6x8x128xf32, #tpu.memory_space<hbm>>)
      } else {
      }
    }
    %scan3A_968 = arith.constant 49 : i32
    %scan3A_969 = arith.constant 0 : i32
    %scan3A_970 = arith.constant 1 : i32
    %scan3A_971 = arith.constant 48 : i32
    %scan3A_972 = arith.addi %scan3A_970, %scan3A_971 : i32
    %scan3A_973 = arith.constant 1 : i32
    scf.for %scan3A_981 = %scan3A_970 to %scan3A_972 step %scan3A_973  : i32 {
      %dma_wait3A_982 = arith.constant 0 : i32
      %dma_wait3A_983 = arith.constant 0 : i32
      %dma_wait3A_984 = arith.constant 0 : i32
      %dma_wait3A_985 = arith.constant 0 : i32
      %dma_wait3A_986 = arith.constant 0 : i32
      %dma_wait3A_987 = arith.constant 0 : i32
      %dma_wait3A_988 = tpu.memref_slice %arg4[%dma_wait3A_982, %dma_wait3A_985, %dma_wait3A_986, %dma_wait3A_987] : memref<14x6x8x128xf32, #tpu.memory_space<vmem>> -> memref<1x6x8x128xf32, #tpu.memory_space<vmem>>
      %dma_wait3A_989 = tpu.memref_squeeze %dma_wait3A_988 : memref<1x6x8x128xf32, #tpu.memory_space<vmem>> -> memref<6x8x128xf32, #tpu.memory_space<vmem>>
      %dma_wait3A_990 = arith.constant 0 : i32
      %dma_wait3A_991 = arith.constant 0 : i32
      %dma_wait3A_992 = tpu.memref_slice %arg3[%dma_wait3A_983, %dma_wait3A_984, %mul3A_2, %dma_wait3A_990, %dma_wait3A_991] : memref<6x49x196x8x128xf32, #tpu.memory_space<hbm>> -> memref<1x1x6x8x128xf32, #tpu.memory_space<hbm>>
      %dma_wait3A_993 = tpu.memref_squeeze %dma_wait3A_992 : memref<1x1x6x8x128xf32, #tpu.memory_space<hbm>> -> memref<6x8x128xf32, #tpu.memory_space<hbm>>
      %dma_wait3A_994 = arith.constant 0 : i32
      %dma_wait3A_995 = arith.constant 0 : i32
      %dma_wait3A_996 = tpu.memref_slice %arg3[%dma_wait3A_983, %dma_wait3A_984, %mul3A_2, %dma_wait3A_994, %dma_wait3A_995] : memref<6x49x196x8x128xf32, #tpu.memory_space<hbm>> -> memref<1x1x6x8x128xf32, #tpu.memory_space<hbm>>
      %dma_wait3A_997 = tpu.memref_squeeze %dma_wait3A_996 : memref<1x1x6x8x128xf32, #tpu.memory_space<hbm>> -> memref<6x8x128xf32, #tpu.memory_space<hbm>>
      %dma_wait3A_998 = arith.constant 0 : i32
      %dma_wait3A_999 = arith.constant 0 : i32
      %dma_wait3A_1000 = arith.constant 0 : i32
      %dma_wait3A_1001 = tpu.memref_slice %arg4[%dma_wait3A_982, %dma_wait3A_998, %dma_wait3A_999, %dma_wait3A_1000] : memref<14x6x8x128xf32, #tpu.memory_space<vmem>> -> memref<1x6x8x128xf32, #tpu.memory_space<vmem>>
      %dma_wait3A_1002 = tpu.memref_squeeze %dma_wait3A_1001 : memref<1x6x8x128xf32, #tpu.memory_space<vmem>> -> memref<6x8x128xf32, #tpu.memory_space<vmem>>
      tpu.wait_dma2 semaphore(%arg9 : memref<!tpu.dma_semaphore, #tpu.memory_space<semaphore_mem>>) src(%dma_wait3A_1002 : memref<6x8x128xf32, #tpu.memory_space<vmem>>) dst(%dma_wait3A_997 : memref<6x8x128xf32, #tpu.memory_space<hbm>>)
    }
    %scan3A_974 = arith.constant 48 : i32
    %scan3A_975 = arith.constant 0 : i32
    %scan3A_976 = arith.constant 0 : i32
    %scan3A_977 = arith.constant 10 : i32
    %scan3A_978 = arith.addi %scan3A_976, %scan3A_977 : i32
    %scan3A_979 = arith.constant 1 : i32
    scf.for %scan3A_981 = %scan3A_976 to %scan3A_978 step %scan3A_979  : i32 {
      %dma_wait3A_982 = arith.constant 0 : i32
      %dma_wait3A_983 = arith.constant 0 : i32
      %dma_wait3A_984 = arith.constant 0 : i32
      %dma_wait3A_985 = arith.constant 0 : i32
      %dma_wait3A_986 = arith.constant 0 : i32
      %dma_wait3A_987 = arith.constant 0 : i32
      %dma_wait3A_988 = tpu.memref_slice %arg5[%dma_wait3A_982, %dma_wait3A_985, %dma_wait3A_986, %dma_wait3A_987] : memref<9x4x8x128xf32, #tpu.memory_space<vmem>> -> memref<1x4x8x128xf32, #tpu.memory_space<vmem>>
      %dma_wait3A_989 = tpu.memref_squeeze %dma_wait3A_988 : memref<1x4x8x128xf32, #tpu.memory_space<vmem>> -> memref<4x8x128xf32, #tpu.memory_space<vmem>>
      %dma_wait3A_990 = arith.constant 192 : i32
      %dma_wait3A_991 = arith.constant 0 : i32
      %dma_wait3A_992 = arith.constant 0 : i32
      %dma_wait3A_993 = tpu.memref_slice %arg3[%dma_wait3A_983, %dma_wait3A_984, %dma_wait3A_990, %dma_wait3A_991, %dma_wait3A_992] : memref<6x49x196x8x128xf32, #tpu.memory_space<hbm>> -> memref<1x1x4x8x128xf32, #tpu.memory_space<hbm>>
      %dma_wait3A_994 = tpu.memref_squeeze %dma_wait3A_993 : memref<1x1x4x8x128xf32, #tpu.memory_space<hbm>> -> memref<4x8x128xf32, #tpu.memory_space<hbm>>
      %dma_wait3A_995 = arith.constant 192 : i32
      %dma_wait3A_996 = arith.constant 0 : i32
      %dma_wait3A_997 = arith.constant 0 : i32
      %dma_wait3A_998 = tpu.memref_slice %arg3[%dma_wait3A_983, %dma_wait3A_984, %dma_wait3A_995, %dma_wait3A_996, %dma_wait3A_997] : memref<6x49x196x8x128xf32, #tpu.memory_space<hbm>> -> memref<1x1x4x8x128xf32, #tpu.memory_space<hbm>>
      %dma_wait3A_999 = tpu.memref_squeeze %dma_wait3A_998 : memref<1x1x4x8x128xf32, #tpu.memory_space<hbm>> -> memref<4x8x128xf32, #tpu.memory_space<hbm>>
      %dma_wait3A_1000 = arith.constant 0 : i32
      %dma_wait3A_1001 = arith.constant 0 : i32
      %dma_wait3A_1002 = arith.constant 0 : i32
      %dma_wait3A_1003 = tpu.memref_slice %arg5[%dma_wait3A_982, %dma_wait3A_1000, %dma_wait3A_1001, %dma_wait3A_1002] : memref<9x4x8x128xf32, #tpu.memory_space<vmem>> -> memref<1x4x8x128xf32, #tpu.memory_space<vmem>>
      %dma_wait3A_1004 = tpu.memref_squeeze %dma_wait3A_1003 : memref<1x4x8x128xf32, #tpu.memory_space<vmem>> -> memref<4x8x128xf32, #tpu.memory_space<vmem>>
      tpu.wait_dma2 semaphore(%arg9 : memref<!tpu.dma_semaphore, #tpu.memory_space<semaphore_mem>>) src(%dma_wait3A_1004 : memref<4x8x128xf32, #tpu.memory_space<vmem>>) dst(%dma_wait3A_999 : memref<4x8x128xf32, #tpu.memory_space<hbm>>)
    }
    %scan3A_980 = arith.constant 10 : i32
    return
  }
}

</mosaic_0001>

<sc_bundles>
// kernel: kernel.3.cloned.1.call-start
scs
__scs_entry_jumppad:
0x0: {  	(pc) =	sbr.rel $0x88, $3  }
0x1: {  	(tag) =	ssettag $0x0;
	lr =	simm.s32 $0x1  }
0x2: {  	[smem:$0x3FA0] =	sst lr;
	_ =	strace $0xD0000000  }
0x3: {  	_ = 	snop  }
0x4: {  	_ = 	snop  }
0x5: {  	_ = 	snop  }
0x6: {  	_ = 	snop  }
0x7: {  	_ = 	snop  }
__scs_overlays_trampoline_lowered:
0x8: {  	[smem:$0x3FAF] =	sst s0  }
0x9: {  	[smem:$0x3FB0] =	sst s1  }
0xa: {  	[smem:$0x3FB1] =	sst s2  }
0xb: {  	[smem:$0x3FB2] =	sst s3  }
0xc: {  	[smem:$0x3FB3] =	sst s4  }
0xd: {  	[smem:$0x3FB4] =	sst s5  }
0xe: {  	[smem:$0x3FB5] =	sst s6  }
0xf: {  	[smem:$0x3FB6] =	sst s7  }
0x10: {  	[smem:$0x3FB7] =	sst s8  }
0x11: {  	[smem:$0x3FB8] =	sst s9;
	s0 =	simm.s32 @!p0 $0x0  }
0x12: {  	s1 =	sld [smem:$0x3F9E];
	s0 =	simm.s32 @p0 $0x1  }
0x13: {  	[smem:$0x3FB9] =	sst s0;
	s0 =	simm.s32 @!p1 $0x0  }
0x14: {  	s2 =	sld [smem:$0x3F9D];
	s0 =	simm.s32 @p1 $0x1  }
0x15: {  	[smem:$0x3FBA] =	sst s0;
	s0 =	simm.s32 @!p2 $0x0  }
0x16: {  	s3 =	sld [smem:$0x3FDB];
	s0 =	simm.s32 @p2 $0x1  }
0x17: {  	s4 =	simm.s32 $0x1BF5;
	[smem:$0x3FBC] =	sst s0  }
0x18: {  	s0 =	sld [smem:$0x3F9F];
	_ =	swait.ge [sflag:s4], $0x0  }
0x19: {  	s7 =	sld [smem:$0x3FA0]  }
0x1a: {  	s8 =	sadd.s32 $0xFFFFE003, lr  }
0x1b: {  	s9 =	sadd.s32 $0xFFFFFEF7, lr;
	s5 =	simm.s32 $0xFFFFFFFF;
	p2 =	slt.u32 s8, $0xFFFFF086  }
0x1c: {  	p1 =	slt.u32 s9, $0xF7A;
	s5 =	simm.s32 @!p2 $0x0  }
0x1d: {  	s5 =	simm.s32 @p1 $0x1;
	p0 =	seq.s32 s7, s2  }
0x1e: {  	s7 =	smul.u32 @!p0 $0xF7A, s2;
	p2 =	seq.s32 @!p0 s5, $0x0  }
0x1f: {  	s9 =	smul.u32 $0xF7A, s1;
	s8 =	simm.s32 @!p0 $0x1BF5;
	p2 =	por !p2, p0  }
0x20: {  	[sflag:s8] =	ssyncset.s32 @!p0 $0xFFFFF086;
	s6 =	sadd.s32 @!p0 s3, s7;
	s7 =	simm.s32 @!p0 $0x108  }
0x21: {  	s3 =	sadd.s32 s3, s9;
	s6 =	sadd.s32 @!p0 $0x88, s6;
	s7 =	simm.s32 @p2 $0x1082  }
0x22: {  	[simem:s7], [sflag:s8] =	dma.local @!p0 [hbm:s6], $0xF7A  }
0x23: {  	s9 =	sor.u32 $0xD0000000, s2;
	s6 =	simm.s32 $0x108;
	_ =	swait.ge @!p0 [sflag:s8], $0x0  }
0x24: {  	s3 =	sadd.s32 $0x88, s3;
	s6 =	simm.s32 @!p1 $0x1082;
	[sflag:s4] =	ssyncset.s32 $0xFFFFF086  }
0x25: {  	[simem:s6], [sflag:s4] =	dma.local [hbm:s3], $0xF7A  }
0x26: {  	[smem:$0x3FA0] =	sst s1;
	(tag) =	ssettag s2;
	_ =	strace s9  }
0x27: {  	s1 =	sld [smem:$0x3FB0]  }
0x28: {  	s2 =	sld [smem:$0x3FB1]  }
0x29: {  	s4 =	sld [smem:$0x3FB3]  }
0x2a: {  	p0 =	seq.s32 s5, $0x0;
	s5 =	sld [smem:$0x3FB4]  }
0x2b: {  	s6 =	sld [smem:$0x3FB5]  }
0x2c: {  	s7 =	sld [smem:$0x3FB6]  }
0x2d: {  	s3 =	simm.s32 $0x108;
	s8 =	sld [smem:$0x3FB7]  }
0x2e: {  	s3 =	simm.s32 @!p0 $0x1082;
	s9 =	sld [smem:$0x3FB8]  }
0x2f: {  	lr =	sadd.s32 s0, s3;
	s0 =	sld [smem:$0x3FAF]  }
0x30: {  	s3 =	sld [smem:$0x3FB2]  }
0x31: {  	[smem:$0x3FBB] =	sst s10  }
0x32: {  	s10 =	sld [smem:$0x3FB9];
	_ =	sdelay $0x3  }
0x33: {  	p0 =	seq.s32 s10, $0x1;
	s10 =	sld [smem:$0x3FBB];
	_ =	sdelay $0x3  }
0x34: {  	[smem:$0x3FBB] =	sst s10  }
0x35: {  	s10 =	sld [smem:$0x3FBA];
	_ =	sdelay $0x3  }
0x36: {  	p1 =	seq.s32 s10, $0x1;
	s10 =	sld [smem:$0x3FBB];
	_ =	sdelay $0x3  }
0x37: {  	[smem:$0x3FBB] =	sst s10  }
0x38: {  	s10 =	sld [smem:$0x3FBC]  }
0x39: {  	_ = 	snop;
	(pc) =	sbr.ind lr, $3  }
0x3a: {  	_ = 	snop  }
0x3b: {  	_ = 	snop  }
0x3c: {  	p2 =	seq.s32 s10, $0x1;
	s10 =	sld [smem:$0x3FBB]  }
0x3d: {  	_ =	shalt  }
0x3e: {  	_ =	shalt  }
0x3f: {  	_ =	shalt  }
0x40: {  	_ =	shalt  }
0x41: {  	_ =	shalt  }
0x42: {  	_ =	shalt  }
0x43: {  	_ =	shalt  }
0x44: {  	_ =	shalt  }
0x45: {  	_ =	shalt  }
0x46: {  	_ =	shalt  }
0x47: {  	_ =	shalt  }
0x48: {  	_ =	shalt  }
0x49: {  	_ =	shalt  }
0x4a: {  	_ =	shalt  }
0x4b: {  	_ =	shalt  }
0x4c: {  	_ =	shalt  }
0x4d: {  	_ =	shalt  }
0x4e: {  	_ =	shalt  }
0x4f: {  	_ =	shalt  }
0x50: {  	_ =	shalt  }
0x51: {  	_ =	shalt  }
0x52: {  	_ =	shalt  }
0x53: {  	_ =	shalt  }
0x54: {  	_ =	shalt  }
0x55: {  	_ =	shalt  }
0x56: {  	_ =	shalt  }
0x57: {  	_ =	shalt  }
0x58: {  	_ =	shalt  }
0x59: {  	_ =	shalt  }
0x5a: {  	_ =	shalt  }
0x5b: {  	_ =	shalt  }
0x5c: {  	_ =	shalt  }
0x5d: {  	_ =	shalt  }
0x5e: {  	_ =	shalt  }
0x5f: {  	_ =	shalt  }
0x60: {  	_ =	shalt  }
0x61: {  	_ =	shalt  }
0x62: {  	_ =	shalt  }
0x63: {  	_ =	shalt  }
0x64: {  	_ =	shalt  }
0x65: {  	_ =	shalt  }
0x66: {  	_ =	shalt  }
0x67: {  	_ =	shalt  }
0x68: {  	_ =	shalt  }
0x69: {  	_ =	shalt  }
0x6a: {  	_ =	shalt  }
0x6b: {  	_ =	shalt  }
0x6c: {  	_ =	shalt  }
0x6d: {  	_ =	shalt  }
0x6e: {  	_ =	shalt  }
0x6f: {  	_ =	shalt  }
0x70: {  	_ =	shalt  }
0x71: {  	_ =	shalt  }
0x72: {  	_ =	shalt  }
0x73: {  	_ =	shalt  }
0x74: {  	_ =	shalt  }
0x75: {  	_ =	shalt  }
0x76: {  	_ =	shalt  }
0x77: {  	_ =	shalt  }
0x78: {  	_ =	shalt  }
0x79: {  	_ =	shalt  }
0x7a: {  	_ =	shalt  }
0x7b: {  	_ =	shalt  }
0x7c: {  	_ =	shalt  }
0x7d: {  	_ =	shalt  }
0x7e: {  	_ =	shalt  }
0x7f: {  	_ =	shalt  }
0x80: {  	_ =	shalt  }
0x81: {  	_ =	shalt  }
0x82: {  	_ =	shalt  }
0x83: {  	_ =	shalt  }
0x84: {  	_ =	shalt  }
0x85: {  	_ =	shalt  }
0x86: {  	_ =	shalt  }
0x87: {  	_ =	shalt  }
.Lfunc_end0:
.L_simem_size_0:
called_computation_lowered:
.L_overlay_start_0:
0x88: {  	s2 =	sld [smem:$0x3FD9]  }
0x89: {  	s3 =	sld [smem:$0x3FFE];
	_ =	sdelay $0x1  }
0x8a: {  	s1 =	srdreg.scid  }
0x8b: {  	s0 =	sand.u32 $0x1, s1  }
0x8c: {  	s18 =	sshll.u32 s0, $0xA;
	s2 =	sadd.s32 s3, s2  }
0x8d: {  	s2 =	sadd.s32 s2, s18  }
0x8e: {  	[smem:$0x3FC7] =	sst s2  }
0x8f: {  	_ = 	snop  }
0x90: {  	s2 =	sld [smem:$0x3FC9]  }
0x91: {  	s19 =	sld [smem:$0x3FD0];
	(tm) =	ssettm $0x1  }
0x92: {  	s4 =	sld [smem:$0x3FFB];
	_ =	sdelay $0x3  }
0x93: {  	_ =	strace s4  }
0x94: {  	s4 =	sld [smem:$0x3FFC];
	_ =	sdelay $0x3  }
0x95: {  	_ =	strace s4  }
0x96: {  	s4 =	sld [smem:$0x3FFD];
	_ =	sdelay $0x3  }
0x97: {  	_ =	strace s4  }
0x98: {  	_ =	strace $0x8FFFFFFF  }
0x99: {  	s20 =	sld [smem:$0x3FDB];
	_ =	sdelay $0x1  }
0x9a: {  	s5 =	simm.s32 $_scs_section_size  }
0x9b: {  	s6 =	simm.s32 $_size__tile_overlayer_lowered;
	s7 =	simm.s32 $_tile_overlayer_lowered  }
0x9c: {  	s23 =	simm.s32 $0x1BFF;
	s22 =	sshll.u32 s7, $0x1;
	s4 =	sadd.s32 s5, s20  }
0x9d: {  	s8 =	simm.s32 $0x0;
	s21 =	sshll.u32 s6, $0x1;
	s6 =	sadd.s32 s22, s4  }
0x9e: {  	[timem:s8], [sflag:s23] =	dma.local [hbm:s6], s21  }
0x9f: {  	_ =	swait.ge [sflag:s23], s21  }
0xa0: {  	s5 =	ssub.s32 $0x0, s21;
	[sflag:s23] =	ssyncset.done $0x0  }
0xa1: {  	[sflag:s23] =	ssyncadd.s32 s5;
	_ =	sdelay $0x1  }
0xa2: {  	s24 =	simm.s32 $0x1B8B  }
0xa3: {  	_ =	swait.ge [sflag:s24], $0x1  }
0xa4: {  	[sflag:s24] =	ssyncset.done $0x0  }
0xa5: {  	s25 =	simm.s32 $0x1B8E;
	[sflag:s24] =	ssyncadd.s32 $0xFFFFFFFF  }
0xa6: {  	s26 =	simm.s32 $execute0_lowered;
	[smem:$0x3FD2] =	sst s25  }
0xa7: {  	s5 =	sshll.u32 s26, $0x1;
	_ =	strace $0x80000046;
	[dreg:$0x1] =	wrdreg $0xFFFFFFFF  }
0xa8: {  	s28 =	simm.s32 $_size_execute0_lowered;
	s4 =	sadd.s32 s4, s5;
	[dreg:$0x0] =	wrdreg $0x0  }
0xa9: {  	s5 =	sshll.u32 s28, $0x1;
	[dreg:$0x2] =	wrdreg s4  }
0xaa: {  	[dreg:$0x3] =	wrdreg s5  }
0xab: {  	[dreg:$0x4] =	wrdreg $0xC0  }
0xac: {  	_ =	task [dreg:s8], $0x5FFFF  }
0xad: {  	[dreg:$0x1] =	wrdreg $0xFFFFFFFF  }
0xae: {  	[dreg:$0x0] =	wrdreg $0x60  }
0xaf: {  	[dreg:$0x2] =	wrdreg s2  }
0xb0: {  	[dreg:$0x3] =	wrdreg s19  }
0xb1: {  	[dreg:$0x4] =	wrdreg $0x9  }
0xb2: {  	_ =	task.clear_ibuf [dreg:s8], $0x5FFFF;
	_ =	strace $0x90000046  }
0xb3: {  	s29 =	simm.s32 $0x9;
	_ =	strace $0x80000048  }
0xb4: {  	_ =	swait.ge [sflag:s29], $0x1  }
0xb5: {  	[sflag:s29] =	ssyncadd.s32 $0xFFFFFFFF  }
0xb6: {  	_ =	strace $0x90000048  }
0xb7: {  	_ =	sfence  }
0xb8: {  	s30 =	sld [smem:$0x0];
	_ =	sdelay $0x2  }
0xb9: {  	s31 =	sshll.u32 s1, $0xD;
	s1 =	sshrl.u32 s1, $0x2  }
0xba: {  	s3 =	sand.u32 $0x4000, s31;
	s1 =	sadd.s32 s1, s30  }
0xbb: {  	s0 =	sor.u32 s3, s0;
	s1 =	sshll.u32 s1, $0x11  }
0xbc: {  	s0 =	sor.u32 s1, s0  }
0xbd: {  	s0 =	sadd.s32 $0x8F2B, s0  }
0xbe: {  	[sflag:s0] =	ssyncadd.remote.s32 $0x1  }
0xbf: {  	_ =	sfence.sel $0xFFFF  }
0xc0: {  	[dreg:$0x0] =	wrdreg $0xFFFFFFFF;
	(pc) =	sbr.abs _section_cstart, $3  }
0xc1: {  	[dreg:$0x1] =	wrdreg $0xFFFFFFFF  }
0xc2: {  	_ =	task.clear_ibuf [dreg:s8], $0x2FFFF;
	_ =	strace $0x9FFFFFFF  }
0xc3: {  	(tm) =	ssettm $0x7FFFFFFF  }
tec
execute0_lowered:
.L_overlay_start_1:
0x0: {  	(tag) =	ssettag $0x1  }
0x1: {  	s0 =	srdreg.scid;
	s7 =	rddreg [dreg:$0x0]  }
0x2: {  	s13 =	stileid.u32;
	s2 =	rddreg [dreg:$0x1];
	s3 =	simm.s32 $0x0  }
0x3: {  	s0 =	sand.u32 $0x1, s0;
	s1 =	sshll.u32 s13, $0x1;
	[smem:$0x7FF] =	sst s3  }
0x4: {  	s26 =	sadd.s32 $0x37000, s7;
	s14 =	sadd.s32 $0x3D200, s7;
	s15 =	sadd.s32 $0x43400, s7  }
0x5: {  	s16 =	sadd.s32 $0x49600, s7;
	_ =	strace $0x80000047;
	[dreg:$0xa] =	wrdreg s26  }
0x6: {  	s17 =	smul.u32 $0x24C, s13;
	s1 =	sor.u32 s0, s1;
	[dreg:$0xb] =	wrdreg s14  }
0x7: {  	s5 =	ssub.s32 $0x2, s0;
	[dreg:$0xc] =	wrdreg s15;
	s4 =	smul.u32 $0x126, s1  }
0x8: {  	[dreg:$0xd] =	wrdreg s16;
	s0 =	smul.u32 $0x126, s0;
	s9 =	sshrl.u32 s5, $0x1  }
0x9: {  	p1 =	sne.s32 s1, $0x0;
	s8 =	sshrl.u32 s4, $0x5;
	s4 =	smul.u32 $0x1800, s1  }
0xa: {  	s9 =	ssub.s32 s5, s9;
	s0 =	sadd.s32 s0, s17;
	s6 =	smul.u32 $0xAAAB, s8  }
0xb: {  	s26 =	smax.u32 s9, $0x1;
	s9 =	simm.s32 $0x2;
	s10 =	smul.u32 $0x2AAB, s8  }
0xc: {  	s8 =	smul.u32 $0x71D, s8;
	[dreg:$0x13] =	wrdreg s26;
	s11 =	sshrl.u32 s4, $0x3  }
0xd: {  	s12 =	sadd.s32 $0x60003, s6;
	s5 =	sadd.s32 s7, s11;
	s6 =	sshrl.u32 s10, $0x10  }
0xe: {  	s8 =	sshrl.u32 s8, $0x10;
	s10 =	sshrl.u32 s12, $0x12;
	s11 =	sadd.s32 $0x31000, s5  }
0xf: {  	s19 =	sadd.s32 $0x37200, s5;
	s20 =	sadd.s32 $0x3D400, s5;
	[dreg:$0x3] =	wrdreg s11  }
0x10: {  	s21 =	sadd.s32 $0x43600, s5;
	s22 =	sadd.s32 $0x49800, s5;
	[dreg:$0x4] =	wrdreg s19  }
0x11: {  	s23 =	sadd.s32 $0x4FA00, s5;
	s24 =	sadd.s32 $0xFFFFFFFF, s6;
	[dreg:$0x5] =	wrdreg s20  }
0x12: {  	s25 =	sadd.s32 $0x6200, s5;
	s18 =	sadd.s32 $0x1, s6;
	[dreg:$0x6] =	wrdreg s21  }
0x13: {  	s8 =	smul.u32 $0x31000, s8;
	s26 =	sadd.s32 $0xC400, s5;
	[dreg:$0x7] =	wrdreg s22  }
0x14: {  	s28 =	sadd.s32 $0x12600, s5;
	s29 =	sadd.s32 $0x18800, s5;
	[dreg:$0x8] =	wrdreg s23  }
0x15: {  	s30 =	sadd.s32 $0x1EA00, s5;
	s31 =	sadd.s32 $0x24C00, s5;
	[dreg:$0x9] =	wrdreg s25  }
0x16: {  	s11 =	smulhi.u32 $0xAAAAAAAB, s24;
	s12 =	sand.u32 $0xFF, s18;
	s19 =	sadd.s32 $0x2, s6  }
0x17: {  	p2 =	sle.u32 s6, s10;
	s20 =	sadd.s32 $0x4F800, s7;
	s12 =	smul.u32 $0xAB, s12  }
0x18: {  	p0 =	sgt.u32 s19, s10;
	[dreg:$0xe] =	wrdreg s20;
	p2 =	por !p1, !p2  }
0x19: {  	s8 =	sshrl.u32 s8, $0x3;
	s19 =	sshrl.u32 s0, $0x5;
	p1 =	sge.u32 s6, s10  }
0x1a: {  	s10 =	simm.s32 $0x4;
	s11 =	sshrl.u32 s11, $0x2;
	s23 =	smul.u32 $0x6200, s19  }
0x1b: {  	s8 =	sadd.s32 s7, s8;
	s11 =	smul.u32 $0x31000, s11;
	s21 =	sshrl.u32 s12, $0xA  }
0x1c: {  	p2 =	por !p2, !p2;
	s25 =	sadd.s32 $0x6000, s8;
	s1 =	smul.u32 $0x31000, s21  }
0x1d: {  	s8 =	simm.s32 $0x3;
	[dreg:$0x11] =	wrdreg s25;
	s11 =	sshrl.u32 s11, $0x3  }
0x1e: {  	s11 =	sadd.s32 s7, s11;
	s22 =	sshrl.u32 s1, $0x3;
	s1 =	sadd.s32 s23, s2  }
0x1f: {  	s0 =	sadd.s32 s7, s22;
	s7 =	sadd.s32 $0x55A00, s7;
	s24 =	sadd.s32 $0x6000, s11  }
0x20: {  	s25 =	sadd.s32 $0x6000, s1;
	s1 =	sadd.s32 $0x2AE00, s5;
	[dreg:$0xf] =	wrdreg s7  }
0x21: {  	s11 =	simm.s32 $0x0;
	[dreg:$0x10] =	wrdreg s24;
	s0 =	sadd.s32 $0x6000, s0  }
0x22: {  	s7 =	simm.s32 $0x1;
	[dreg:$0x12] =	wrdreg s0;
	s0 =	simm.s32 $0x13800  }
.LBB2_1:
0x23: {  	s12 =	rddreg [dreg:$0x3];
	s13 =	simm.s32 $0xC000  }
0x24: {  	[tilespmem:s13], [sflag:$0x1] =	stream.linear.gather [hbm4b:s12+s3], $0x1800, $0x38;
	[tilespmem:$0x1E000] =	vst v63  }
0x25: {  	s16 =	rddreg [dreg:$0x4];
	s17 =	simm.s32 $0xD800  }
0x26: {  	[tilespmem:s17], [sflag:$0x1] =	stream.linear.gather [hbm4b:s16+s3], $0x1800, $0x38;
	[tilespmem:$0x1E000] =	vst v63  }
0x27: {  	s18 =	rddreg [dreg:$0x5];
	s20 =	simm.s32 $0xF000  }
0x28: {  	[tilespmem:s20], [sflag:$0x1] =	stream.linear.gather [hbm4b:s18+s3], $0x1800, $0x38;
	[tilespmem:$0x1E000] =	vst v63  }
0x29: {  	s21 =	rddreg [dreg:$0x6];
	s22 =	simm.s32 $0x10800  }
0x2a: {  	[tilespmem:s22], [sflag:$0x1] =	stream.linear.gather [hbm4b:s21+s3], $0x1800, $0x38;
	[tilespmem:$0x1E000] =	vst v63  }
0x2b: {  	s23 =	rddreg [dreg:$0x7];
	s24 =	simm.s32 $0x12000  }
0x2c: {  	[tilespmem:s24], [sflag:$0x1] =	stream.linear.gather [hbm4b:s23+s3], $0x1800, $0x38;
	[tilespmem:$0x1E000] =	vst v63  }
0x2d: {  	s13 =	rddreg [dreg:$0x8]  }
0x2e: {  	[tilespmem:s0], [sflag:$0x1] =	stream.linear.gather [hbm4b:s13+s3], $0x1800, $0x38;
	[tilespmem:$0x1E000] =	vst v63  }
0x2f: {  	_ = 	snop  }
0x30: {  	[tilespmem:s3], [sflag:$0x2] =	stream.linear.gather [hbm4b:s5+s3], $0x1800, $0x38;
	[tilespmem:$0x1E000] =	vst v63  }
0x31: {  	s14 =	rddreg [dreg:$0x9];
	s15 =	simm.s32 $0x1800  }
0x32: {  	[tilespmem:s15], [sflag:$0x2] =	stream.linear.gather [hbm4b:s14+s3], $0x1800, $0x38;
	[tilespmem:$0x1E000] =	vst v63  }
0x33: {  	s16 =	simm.s32 $0x3000  }
0x34: {  	[tilespmem:s16], [sflag:$0x2] =	stream.linear.gather [hbm4b:s26+s3], $0x1800, $0x38;
	[tilespmem:$0x1E000] =	vst v63  }
0x35: {  	s17 =	simm.s32 $0x4800  }
0x36: {  	[tilespmem:s17], [sflag:$0x2] =	stream.linear.gather [hbm4b:s28+s3], $0x1800, $0x38;
	[tilespmem:$0x1E000] =	vst v63  }
0x37: {  	s18 =	simm.s32 $0x6000  }
0x38: {  	[tilespmem:s18], [sflag:$0x2] =	stream.linear.gather [hbm4b:s29+s3], $0x1800, $0x38;
	[tilespmem:$0x1E000] =	vst v63  }
0x39: {  	s20 =	simm.s32 $0x7800  }
0x3a: {  	[tilespmem:s20], [sflag:$0x2] =	stream.linear.gather [hbm4b:s30+s3], $0x1800, $0x38;
	[tilespmem:$0x1E000] =	vst v63  }
0x3b: {  	s21 =	simm.s32 $0x9000  }
0x3c: {  	[tilespmem:s21], [sflag:$0x2] =	stream.linear.gather [hbm4b:s31+s3], $0x1800, $0x38;
	[tilespmem:$0x1E000] =	vst v63  }
0x3d: {  	s22 =	simm.s32 $0xA800  }
0x3e: {  	[tilespmem:s22], [sflag:$0x2] =	stream.linear.gather [hbm4b:s1+s3], $0x1800, $0x38;
	[tilespmem:$0x1E000] =	vst v63  }
0x3f: {  	s23 =	rddreg [dreg:$0xa];
	s24 =	simm.s32 $0x15000  }
0x40: {  	[tilespmem:s24], [sflag:$0x3] =	stream.linear.gather [hbm4b:s23+s3], $0x1000, $0x38;
	[tilespmem:$0x1E000] =	vst v63  }
0x41: {  	s14 =	rddreg [dreg:$0xb];
	s15 =	simm.s32 $0x16000  }
0x42: {  	[tilespmem:s15], [sflag:$0x3] =	stream.linear.gather [hbm4b:s14+s3], $0x1000, $0x38;
	[tilespmem:$0x1E000] =	vst v63  }
0x43: {  	s16 =	rddreg [dreg:$0xc];
	s17 =	simm.s32 $0x17000  }
0x44: {  	[tilespmem:s17], [sflag:$0x3] =	stream.linear.gather [hbm4b:s16+s3], $0x1000, $0x38;
	[tilespmem:$0x1E000] =	vst v63  }
0x45: {  	s18 =	rddreg [dreg:$0xd];
	s20 =	simm.s32 $0x18000  }
0x46: {  	[tilespmem:s20], [sflag:$0x3] =	stream.linear.gather [hbm4b:s18+s3], $0x1000, $0x38;
	[tilespmem:$0x1E000] =	vst v63  }
0x47: {  	s21 =	rddreg [dreg:$0xe];
	s22 =	simm.s32 $0x19000  }
0x48: {  	[tilespmem:s22], [sflag:$0x3] =	stream.linear.gather [hbm4b:s21+s3], $0x1000, $0x38;
	[tilespmem:$0x1E000] =	vst v63  }
0x49: {  	s23 =	rddreg [dreg:$0xf];
	s24 =	simm.s32 $0x1A000  }
0x4a: {  	[tilespmem:s24], [sflag:$0x3] =	stream.linear.gather [hbm4b:s23+s3], $0x1000, $0x38;
	[tilespmem:$0x1E000] =	vst v63  }
0x4b: {  	s12 =	simm.s32 @p2 $0x0;
	s13 =	simm.s32 @p2 $0x1B000;
	s14 =	rddreg [dreg:$0x10]  }
0x4c: {  	[tilespmem:s13], [sflag:$0x3] =	stream.linear.gather @p2 [hbm4b:s14+s12], $0x1000, $0x38;
	[tilespmem:$0x1E000] =	vst v63  }
0x4d: {  	s12 =	simm.s32 @!p1 $0x0;
	s13 =	simm.s32 @!p1 $0x1C000;
	s14 =	rddreg [dreg:$0x11]  }
0x4e: {  	[tilespmem:s13], [sflag:$0x3] =	stream.linear.gather @!p1 [hbm4b:s14+s12], $0x1000, $0x38;
	[tilespmem:$0x1E000] =	vst v63  }
0x4f: {  	s12 =	simm.s32 @!p0 $0x0;
	s13 =	simm.s32 @!p0 $0x1D000;
	s14 =	rddreg [dreg:$0x12]  }
0x50: {  	[tilespmem:s13], [sflag:$0x3] =	stream.linear.gather @!p0 [hbm4b:s14+s12], $0x1000, $0x38;
	[tilespmem:$0x1E000] =	vst v63  }
0x51: {  	_ =	swait.ge [sflag:s7], $0x1800  }
0x52: {  	[sflag:s7] =	ssyncset.done $0x0  }
0x53: {  	[sflag:s7] =	ssyncadd.s32 $0xFFFFE800  }
0x54: {  	_ =	swait.ge [sflag:s7], $0x1800  }
0x55: {  	[sflag:s7] =	ssyncset.done $0x0  }
0x56: {  	[sflag:s7] =	ssyncadd.s32 $0xFFFFE800  }
0x57: {  	_ =	swait.ge [sflag:s7], $0x1800  }
0x58: {  	[sflag:s7] =	ssyncset.done $0x0  }
0x59: {  	[sflag:s7] =	ssyncadd.s32 $0xFFFFE800  }
0x5a: {  	_ =	swait.ge [sflag:s7], $0x1800  }
0x5b: {  	[sflag:s7] =	ssyncset.done $0x0  }
0x5c: {  	[sflag:s7] =	ssyncadd.s32 $0xFFFFE800  }
0x5d: {  	_ =	swait.ge [sflag:s7], $0x1800  }
0x5e: {  	[sflag:s7] =	ssyncset.done $0x0  }
0x5f: {  	[sflag:s7] =	ssyncadd.s32 $0xFFFFE800  }
0x60: {  	_ =	swait.ge [sflag:s7], $0x1800  }
0x61: {  	[sflag:s7] =	ssyncset.done $0x0  }
0x62: {  	s12 =	simm.s32 $0x0;
	s13 =	simm.s32 $0x0;
	[sflag:s7] =	ssyncadd.s32 $0xFFFFE800  }
.LBB2_2:
0x63: {  	s14 =	sadd.s32 $0xFFFFFFFF, s13  }
0x64: {  	s15 =	sshll.u32 s14, $0x18  }
0x65: {  	s15 =	sshra.s32 s15, $0x18  }
0x66: {  	s15 =	smul.u32 $0x2B, s15;
	_ =	sdelay $0x1  }
0x67: {  	s16 =	sshrl.u32 s15, $0x1F;
	s15 =	sshrl.u32 s15, $0x8  }
0x68: {  	s15 =	sadd.s32 s16, s15  }
0x69: {  	s15 =	smul.u32 $0x6, s15;
	_ =	sdelay $0x1  }
0x6a: {  	s14 =	ssub.s32 s14, s15  }
0x6b: {  	s15 =	sand.u32 $0xFF, s14  }
0x6c: {  	p4 =	seq.s32 s15, $0x0  }
0x6d: {  	s15 =	smul.u32 @!p4 $0x4E5F, s12;
	_ =	sdelay $0x1  }
0x6e: {  	s15 =	sshrl.u32 @!p4 s15, $0x10  }
0x6f: {  	s16 =	ssub.s32 @!p4 s12, s15  }
0x70: {  	s16 =	sand.u32 @!p4 $0xFFFE, s16  }
0x71: {  	s16 =	sshrl.u32 @!p4 s16, $0x1  }
0x72: {  	s15 =	sadd.s32 @!p4 s15, s16  }
0x73: {  	s15 =	sand.u32 @!p4 $0xFFE0, s15  }
0x74: {  	s15 =	sshrl.u32 @!p4 s15, $0x5  }
0x75: {  	s16 =	smul.u32 @!p4 $0x31, s15;
	_ =	sdelay $0x1  }
0x76: {  	s16 =	ssub.s32 @!p4 s12, s16  }
0x77: {  	s16 =	sand.u32 @!p4 $0xFFFF, s16  }
0x78: {  	s17 =	sand.u32 @!p4 $0xFF, s14;
	s16 =	smul.u32 @!p4 $0x31000, s16  }
0x79: {  	p3 =	seq.s32 @!p4 s17, $0x1;
	s15 =	smul.u32 @!p4 $0x961000, s15  }
0x7a: {  	p3 =	por p4, !p3;
	s16 =	sadd.s32 @!p4 s4, s16  }
0x7b: {  	s15 =	sadd.s32 @!p4 s15, s16;
	s16 =	sor.u32 @p3 $0x1, s12  }
0x7c: {  	s18 =	simm.s32 @!p4 $0x0;
	s15 =	sshrl.u32 @!p4 s15, $0x3;
	s17 =	sand.u32 @p3 $0xFFFF, s16  }
0x7d: {  	s20 =	simm.s32 @!p4 $0xC000;
	s15 =	sadd.s32 @!p4 s2, s15;
	s17 =	smul.u32 @p3 $0x4E5F, s17  }
0x7e: {  	[hbm4b:s15+s18] =	stream.linear.scatter @!p4 [tilespmem:s20], [sflag:$0x4], $0x1800, $0x38;
	[tilespmem:$0x1E000] =	vst v63  }
0x7f: {  	s15 =	sshrl.u32 @p3 s17, $0x10  }
0x80: {  	s17 =	ssub.s32 @p3 s16, s15  }
0x81: {  	s17 =	sand.u32 @p3 $0xFFFE, s17  }
0x82: {  	s18 =	sand.u32 @p3 $0xFF, s14;
	s17 =	sshrl.u32 @p3 s17, $0x1  }
0x83: {  	p4 =	seq.s32 @p3 s18, $0x2;
	s15 =	sadd.s32 @p3 s15, s17  }
0x84: {  	p4 =	por !p3, !p4;
	s15 =	sshrl.u32 @p3 s15, $0x5  }
0x85: {  	s18 =	sadd.s32 @p4 $0x2, s12;
	s17 =	smul.u32 @p3 $0x31, s15  }
0x86: {  	s20 =	sand.u32 @p4 $0xFFFF, s18  }
0x87: {  	s16 =	ssub.s32 @p3 s16, s17;
	s17 =	smul.u32 @p4 $0x4E5F, s20  }
0x88: {  	s16 =	sand.u32 @p3 $0xFFFF, s16  }
0x89: {  	s16 =	smul.u32 @p3 $0x31000, s16;
	s17 =	sshrl.u32 @p4 s17, $0x10  }
0x8a: {  	s15 =	smul.u32 @p3 $0x961000, s15;
	s20 =	ssub.s32 @p4 s18, s17  }
0x8b: {  	s16 =	sadd.s32 @p3 s4, s16;
	s20 =	sand.u32 @p4 $0xFFFE, s20  }
0x8c: {  	s15 =	sadd.s32 @p3 s15, s16;
	s16 =	sshrl.u32 @p4 s20, $0x1  }
0x8d: {  	s16 =	sadd.s32 @p4 s17, s16  }
0x8e: {  	s20 =	simm.s32 @p3 $0xD800;
	s15 =	sshrl.u32 @p3 s15, $0x3;
	s16 =	sshrl.u32 @p4 s16, $0x5  }
0x8f: {  	s17 =	simm.s32 @p3 $0x0;
	s15 =	sadd.s32 @p3 s2, s15;
	s21 =	smul.u32 @p4 $0x31, s16  }
0x90: {  	[hbm4b:s15+s17] =	stream.linear.scatter @p3 [tilespmem:s20], [sflag:$0x4], $0x1800, $0x38;
	[tilespmem:$0x1E000] =	vst v63  }
0x91: {  	s15 =	ssub.s32 @p4 s18, s21  }
0x92: {  	s15 =	sand.u32 @p4 $0xFFFF, s15  }
0x93: {  	s17 =	sand.u32 @p4 $0xFF, s14;
	s15 =	smul.u32 @p4 $0x31000, s15  }
0x94: {  	s16 =	smul.u32 @p4 $0x961000, s16;
	p3 =	seq.s32 @p4 s17, $0x3  }
0x95: {  	p3 =	por !p4, !p3;
	s15 =	sadd.s32 @p4 s4, s15  }
0x96: {  	s15 =	sadd.s32 @p4 s16, s15;
	s16 =	sadd.s32 @p3 $0x3, s12  }
0x97: {  	s20 =	simm.s32 @p4 $0xF000;
	s15 =	sshrl.u32 @p4 s15, $0x3;
	s17 =	sand.u32 @p3 $0xFFFF, s16  }
0x98: {  	s18 =	simm.s32 @p4 $0x0;
	s15 =	sadd.s32 @p4 s2, s15;
	s17 =	smul.u32 @p3 $0x4E5F, s17  }
0x99: {  	[hbm4b:s15+s18] =	stream.linear.scatter @p4 [tilespmem:s20], [sflag:$0x4], $0x1800, $0x38;
	[tilespmem:$0x1E000] =	vst v63  }
0x9a: {  	s15 =	sshrl.u32 @p3 s17, $0x10  }
0x9b: {  	s17 =	ssub.s32 @p3 s16, s15  }
0x9c: {  	s17 =	sand.u32 @p3 $0xFFFE, s17  }
0x9d: {  	s18 =	sand.u32 @p3 $0xFF, s14;
	s17 =	sshrl.u32 @p3 s17, $0x1  }
0x9e: {  	p4 =	seq.s32 @p3 s18, $0x4;
	s15 =	sadd.s32 @p3 s15, s17  }
0x9f: {  	p4 =	por !p3, !p4;
	s15 =	sshrl.u32 @p3 s15, $0x5  }
0xa0: {  	s18 =	sadd.s32 @p4 $0x4, s12;
	s17 =	smul.u32 @p3 $0x31, s15  }
0xa1: {  	s20 =	sand.u32 @p4 $0xFFFF, s18  }
0xa2: {  	s16 =	ssub.s32 @p3 s16, s17;
	s17 =	smul.u32 @p4 $0x4E5F, s20  }
0xa3: {  	s16 =	sand.u32 @p3 $0xFFFF, s16  }
0xa4: {  	s16 =	smul.u32 @p3 $0x31000, s16;
	s17 =	sshrl.u32 @p4 s17, $0x10  }
0xa5: {  	s15 =	smul.u32 @p3 $0x961000, s15;
	s20 =	ssub.s32 @p4 s18, s17  }
0xa6: {  	s16 =	sadd.s32 @p3 s4, s16;
	s20 =	sand.u32 @p4 $0xFFFE, s20  }
0xa7: {  	s15 =	sadd.s32 @p3 s15, s16;
	s16 =	sshrl.u32 @p4 s20, $0x1  }
0xa8: {  	s16 =	sadd.s32 @p4 s17, s16  }
0xa9: {  	s20 =	simm.s32 @p3 $0x10800;
	s15 =	sshrl.u32 @p3 s15, $0x3;
	s16 =	sshrl.u32 @p4 s16, $0x5  }
0xaa: {  	s17 =	simm.s32 @p3 $0x0;
	s15 =	sadd.s32 @p3 s2, s15;
	s21 =	smul.u32 @p4 $0x31, s16  }
0xab: {  	[hbm4b:s15+s17] =	stream.linear.scatter @p3 [tilespmem:s20], [sflag:$0x4], $0x1800, $0x38;
	[tilespmem:$0x1E000] =	vst v63  }
0xac: {  	s15 =	ssub.s32 @p4 s18, s21  }
0xad: {  	s15 =	sand.u32 @p4 $0xFFFF, s15  }
0xae: {  	s15 =	smul.u32 @p4 $0x31000, s15  }
0xaf: {  	s16 =	smul.u32 @p4 $0x961000, s16  }
0xb0: {  	s14 =	sand.u32 @p4 $0xFF, s14;
	s15 =	sadd.s32 @p4 s4, s15  }
0xb1: {  	p3 =	seq.s32 @p4 s14, $0x5;
	s15 =	sadd.s32 @p4 s16, s15  }
0xb2: {  	s17 =	simm.s32 @p4 $0x12000;
	p3 =	por !p4, !p3;
	s15 =	sshrl.u32 @p4 s15, $0x3  }
0xb3: {  	s14 =	sadd.s32 @p3 $0x5, s12;
	s16 =	simm.s32 @p4 $0x0;
	s15 =	sadd.s32 @p4 s2, s15  }
0xb4: {  	[hbm4b:s15+s16] =	stream.linear.scatter @p4 [tilespmem:s17], [sflag:$0x4], $0x1800, $0x38;
	[tilespmem:$0x1E000] =	vst v63  }
0xb5: {  	s15 =	sand.u32 @p3 $0xFFFF, s14  }
0xb6: {  	s15 =	smul.u32 @p3 $0x4E5F, s15;
	_ =	sdelay $0x1  }
0xb7: {  	s15 =	sshrl.u32 @p3 s15, $0x10  }
0xb8: {  	s16 =	ssub.s32 @p3 s14, s15  }
0xb9: {  	s16 =	sand.u32 @p3 $0xFFFE, s16  }
0xba: {  	s16 =	sshrl.u32 @p3 s16, $0x1  }
0xbb: {  	s15 =	sadd.s32 @p3 s15, s16  }
0xbc: {  	s15 =	sshrl.u32 @p3 s15, $0x5  }
0xbd: {  	s16 =	smul.u32 @p3 $0x31, s15;
	_ =	sdelay $0x1  }
0xbe: {  	s14 =	ssub.s32 @p3 s14, s16  }
0xbf: {  	s14 =	sand.u32 @p3 $0xFFFF, s14  }
0xc0: {  	s14 =	smul.u32 @p3 $0x31000, s14  }
0xc1: {  	s15 =	smul.u32 @p3 $0x961000, s15  }
0xc2: {  	s14 =	sadd.s32 @p3 s4, s14  }
0xc3: {  	s14 =	sadd.s32 @p3 s15, s14  }
0xc4: {  	s14 =	sshrl.u32 @p3 s14, $0x3  }
0xc5: {  	s12 =	sadd.s32 $0x6, s12;
	s14 =	sadd.s32 @p3 s2, s14  }
0xc6: {  	[hbm4b:s14+s3] =	stream.linear.scatter @p3 [tilespmem:s0], [sflag:$0x4], $0x1800, $0x38;
	[tilespmem:$0x1E000] =	vst v63  }
0xc7: {  	p3 =	sne.s32 s12, $0x126  }
.Ltmp0:
0xc8: {  	_ = 	snop;
	(pc) =	sbr.rel @p3 .LBB2_2-.Ltmp0, $2  }
0xc9: {  	_ =	sdelay $0x2  }
0xca: {  	s13 =	sadd.s32 $0x1, s13  }
0xcb: {  	_ =	swait.ge [sflag:s8], $0x1000  }
0xcc: {  	[sflag:s8] =	ssyncset.done $0x0  }
0xcd: {  	[sflag:s8] =	ssyncadd.s32 $0xFFFFF000  }
0xce: {  	_ =	swait.ge [sflag:s8], $0x1000  }
0xcf: {  	[sflag:s8] =	ssyncset.done $0x0  }
0xd0: {  	[sflag:s8] =	ssyncadd.s32 $0xFFFFF000  }
0xd1: {  	_ =	swait.ge [sflag:s8], $0x1000  }
0xd2: {  	[sflag:s8] =	ssyncset.done $0x0  }
0xd3: {  	[sflag:s8] =	ssyncadd.s32 $0xFFFFF000  }
0xd4: {  	_ =	swait.ge [sflag:s8], $0x1000  }
0xd5: {  	[sflag:s8] =	ssyncset.done $0x0  }
0xd6: {  	[sflag:s8] =	ssyncadd.s32 $0xFFFFF000  }
0xd7: {  	_ =	swait.ge [sflag:s8], $0x1000  }
0xd8: {  	[sflag:s8] =	ssyncset.done $0x0  }
0xd9: {  	s13 =	smulhi.u32 $0xAAAAAAAB, s19;
	[sflag:s8] =	ssyncadd.s32 $0xFFFFF000  }
0xda: {  	_ =	swait.ge [sflag:s8], $0x1000  }
0xdb: {  	s12 =	simm.s32 @p2 $0x3;
	s18 =	sshrl.u32 s13, $0x2;
	[sflag:s8] =	ssyncset.done $0x0  }
0xdc: {  	s16 =	simm.s32 @!p0 $0x3;
	s15 =	sadd.s32 $0xFFFFFFFF, s18;
	[sflag:s8] =	ssyncadd.s32 $0xFFFFF000  }
0xdd: {  	s23 =	smulhi.u32 $0x2AAAAAAB, s15;
	s14 =	sshra.s32 s15, $0x1F;
	_ =	swait.ge @p2 [sflag:s12], $0x1000  }
0xde: {  	p3 =	sgt.u32 s19, $0x5;
	s14 =	smul.u32 $0x2AAAAAAB, s14;
	[sflag:s12] =	ssyncset.done @p2 $0x0  }
0xdf: {  	s20 =	smul.u32 $0xFFFFFFFA, s18;
	[sflag:s12] =	ssyncadd.s32 @p2 $0xFFFFF000;
	s12 =	simm.s32 @!p1 $0x3  }
0xe0: {  	s21 =	ssub.s32 s18, s6;
	s13 =	sadd.s32 s14, s23;
	_ =	swait.ge @!p1 [sflag:s12], $0x1000  }
0xe1: {  	s18 =	smov.u32 s19;
	s17 =	sshrl.u32 s13, $0x1F;
	[sflag:s12] =	ssyncset.done @!p1 $0x0  }
0xe2: {  	s17 =	sadd.s32 s17, s13;
	[sflag:s12] =	ssyncadd.s32 @!p1 $0xFFFFF000;
	s12 =	sadd.s32 $0x1, s19  }
0xe3: {  	s13 =	simm.s32 $0x6200;
	_ =	swait.ge @!p0 [sflag:s16], $0x1000;
	s24 =	smulhi.u32 $0xAAAAAAAB, s12  }
0xe4: {  	s22 =	smul.u32 $0x6, s17;
	s17 =	simm.s32 $0xC400;
	[sflag:s16] =	ssyncset.done @!p0 $0x0  }
0xe5: {  	[sflag:s16] =	ssyncadd.s32 @!p0 $0xFFFFF000;
	s16 =	simm.s32 $0x0;
	s14 =	sshrl.u32 s24, $0x2  }
.LBB2_4:
0xe6: {  	p4 =	sne.s32 s17, $0x37200  }
0xe7: {  	s22 =	ssub.s32 s15, s22;
	s20 =	sadd.s32 s20, s18;
	s15 =	sadd.s32 $0xFFFFFFFF, s14  }
0xe8: {  	s18 =	sadd.s32 $0x6, s21;
	p5 =	seq.s32 s20, s22;
	s23 =	smov.u32 s20  }
0xe9: {  	s21 =	smulhi.u32 $0x2AAAAAAB, s15;
	s22 =	sshra.s32 s15, $0x1F;
	s23 =	smov.u32 @p5 s18  }
0xea: {  	s22 =	smul.u32 $0x2AAAAAAB, s22;
	s18 =	smov.u32 s12;
	s20 =	smov.u32 @p3 s23  }
0xeb: {  	s16 =	sadd.s32 s16, s25;
	s12 =	sadd.s32 $0x1, s12;
	s20 =	sshll.u32 s20, $0xE  }
0xec: {  	s23 =	smulhi.u32 $0xAAAAAAAB, s12;
	s21 =	sadd.s32 s22, s21;
	s20 =	sshra.s32 s20, $0x2  }
.Ltmp1:
0xed: {  	s22 =	sshrl.u32 s21, $0x1F;
	s20 =	sadd.s32 $0x15000, s20;
	(pc) =	sbr.rel @p4 .LBB2_4-.Ltmp1, $4  }
0xee: {  	[hbm4b:s16+s3] =	stream.linear.scatter [tilespmem:s20], [sflag:$0x4], $0x1000, $0x38;
	[tilespmem:$0x1E000] =	vst v63  }
0xef: {  	s21 =	sadd.s32 s22, s21;
	s20 =	smul.u32 $0xFFFFFFFA, s14;
	s16 =	smov.u32 s13  }
0xf0: {  	p3 =	sgt.u32 s18, $0x5;
	s22 =	smul.u32 $0x6, s21;
	s13 =	smov.u32 s17  }
0xf1: {  	s17 =	sadd.s32 $0x6200, s17;
	s21 =	ssub.s32 s14, s6;
	s14 =	sshrl.u32 s23, $0x2  }
0xf2: {  	s15 =	ssub.s32 s15, s22;
	s17 =	sadd.s32 $0xFFFFFFFF, s14;
	s18 =	sadd.s32 s20, s18  }
0xf3: {  	s23 =	smulhi.u32 $0x2AAAAAAB, s17;
	s24 =	sshra.s32 s17, $0x1F;
	p4 =	seq.s32 s18, s15  }
0xf4: {  	s15 =	sadd.s32 $0x6, s21;
	s21 =	smov.u32 s18;
	s22 =	smul.u32 $0x2AAAAAAB, s24  }
0xf5: {  	s21 =	smov.u32 @p4 s15  }
0xf6: {  	s18 =	smov.u32 @p3 s21;
	s23 =	sadd.s32 s22, s23  }
0xf7: {  	s18 =	sshll.u32 s18, $0xE;
	s20 =	sshrl.u32 s23, $0x1F  }
0xf8: {  	s24 =	smul.u32 $0xFFFFFFFA, s14;
	s18 =	sshra.s32 s18, $0x2;
	s15 =	sadd.s32 s20, s23  }
0xf9: {  	s16 =	sadd.s32 s16, s25;
	s18 =	sadd.s32 $0x15000, s18;
	s15 =	smul.u32 $0x6, s15  }
0xfa: {  	[hbm4b:s16+s3] =	stream.linear.scatter [tilespmem:s18], [sflag:$0x4], $0x1000, $0x38;
	[tilespmem:$0x1E000] =	vst v63  }
0xfb: {  	s20 =	ssub.s32 s14, s6;
	s16 =	sadd.s32 s24, s12;
	s15 =	ssub.s32 s17, s15  }
0xfc: {  	s14 =	sadd.s32 $0x6, s20;
	p3 =	seq.s32 s16, s15;
	s15 =	smov.u32 s16  }
0xfd: {  	p4 =	sgt.u32 s12, $0x5;
	s15 =	smov.u32 @p3 s14  }
0xfe: {  	s16 =	smov.u32 @p4 s15  }
0xff: {  	s21 =	sshll.u32 s16, $0xE  }
0x100: {  	s12 =	sshra.s32 s21, $0x2  }
0x101: {  	s13 =	sadd.s32 s13, s25;
	s12 =	sadd.s32 $0x15000, s12  }
0x102: {  	[hbm4b:s13+s3] =	stream.linear.scatter [tilespmem:s12], [sflag:$0x4], $0x1000, $0x38;
	[tilespmem:$0x1E000] =	vst v63  }
0x103: {  	_ =	swait.ge [sflag:s9], $0x1800  }
0x104: {  	[sflag:s9] =	ssyncset.done $0x0  }
0x105: {  	[sflag:s9] =	ssyncadd.s32 $0xFFFFE800  }
0x106: {  	_ =	swait.ge [sflag:s9], $0x1800  }
0x107: {  	[sflag:s9] =	ssyncset.done $0x0  }
0x108: {  	[sflag:s9] =	ssyncadd.s32 $0xFFFFE800  }
0x109: {  	s12 =	simm.s32 $0x0;
	_ =	swait.ge [sflag:s9], $0x1800  }
0x10a: {  	s22 =	sand.u32 $0xFF, s12;
	[sflag:s9] =	ssyncset.done $0x0  }
0x10b: {  	s13 =	smul.u32 $0xAB, s22;
	[sflag:s9] =	ssyncadd.s32 $0xFFFFE800  }
0x10c: {  	_ =	swait.ge [sflag:s9], $0x1800  }
0x10d: {  	s13 =	sshrl.u32 s13, $0xA;
	[sflag:s9] =	ssyncset.done $0x0  }
0x10e: {  	s13 =	smul.u32 $0x6, s13;
	[sflag:s9] =	ssyncadd.s32 $0xFFFFE800  }
0x10f: {  	_ =	swait.ge [sflag:s9], $0x1800  }
0x110: {  	s13 =	ssub.s32 $0x0, s13;
	[sflag:s9] =	ssyncset.done $0x0  }
0x111: {  	s13 =	sshll.u32 s13, $0x18;
	[sflag:s9] =	ssyncadd.s32 $0xFFFFE800  }
0x112: {  	s13 =	sshra.s32 s13, $0x18;
	_ =	swait.ge [sflag:s9], $0x1800  }
0x113: {  	s16 =	sadd.s32 $0x6, s13;
	[sflag:s9] =	ssyncset.done $0x0  }
0x114: {  	s17 =	simm.s32 $0x3;
	s13 =	sshll.u32 s16, $0x10;
	[sflag:s9] =	ssyncadd.s32 $0xFFFFE800  }
0x115: {  	s14 =	simm.s32 $0x1;
	s13 =	sshra.s32 s13, $0x10;
	_ =	swait.ge [sflag:s9], $0x1800  }
0x116: {  	s24 =	sand.u32 $0xFF, s14;
	s13 =	smul.u32 $0xA73, s13;
	[sflag:s9] =	ssyncset.done $0x0  }
0x117: {  	s15 =	simm.s32 $0x6;
	s21 =	smul.u32 $0xAB, s24;
	[sflag:s9] =	ssyncadd.s32 $0xFFFFE800  }
0x118: {  	s23 =	sshrl.u32 s13, $0x1F;
	s13 =	sshra.s32 s13, $0x11;
	_ =	swait.ge [sflag:s9], $0x1800  }
0x119: {  	s22 =	simm.s32 $0x0;
	s18 =	sadd.s32 s23, s13;
	[sflag:s9] =	ssyncset.done $0x0  }
0x11a: {  	s13 =	simm.s32 $0x2;
	s20 =	smul.u32 $0xFFFFFFCF, s18;
	[sflag:s9] =	ssyncadd.s32 $0xFFFFE800  }
.LBB2_6:
0x11b: {  	p3 =	sne.s32 s17, $0x30  }
0x11c: {  	s22 =	smul.u32 $0x2B, s22;
	s20 =	sadd.s32 s16, s20;
	s15 =	sadd.s32 $0x6, s15  }
0x11d: {  	p4 =	slt.s32 s16, $0x1;
	s21 =	sshrl.u32 s21, $0xA;
	s23 =	sand.u32 $0xFFFF, s20  }
0x11e: {  	s20 =	sshll.u32 s20, $0x10;
	s24 =	sshrl.u32 s22, $0x1F;
	p5 =	sne.s32 s23, $0x0  }
0x11f: {  	s16 =	smul.u32 $0x6, s21;
	s21 =	sshrl.u32 s22, $0x8;
	p4 =	por !p4, !p5  }
0x120: {  	s22 =	simm.s32 $0x1;
	s21 =	sadd.s32 s24, s21;
	p4 =	por !p4, !p4  }
0x121: {  	s20 =	sshra.s32 s20, $0x10;
	s16 =	ssub.s32 s14, s16;
	s22 =	simm.s32 @!p4 $0x0  }
0x122: {  	s20 =	smul.u32 $0x31000, s20;
	s16 =	sshll.u32 s16, $0x18;
	s18 =	ssub.s32 s18, s22  }
0x123: {  	s21 =	sshll.u32 s21, $0x18;
	s16 =	sshra.s32 s16, $0x18;
	s18 =	smul.u32 $0x961000, s18  }
0x124: {  	s20 =	sadd.s32 s4, s20;
	s21 =	sshra.s32 s21, $0x18;
	s16 =	sadd.s32 s16, s15  }
0x125: {  	s22 =	sshll.u32 s16, $0x10;
	s18 =	sadd.s32 s18, s20;
	s20 =	smul.u32 $0x6000, s21  }
0x126: {  	s21 =	sshra.s32 s22, $0x10;
	s22 =	smov.u32 s13;
	s18 =	sshrl.u32 s18, $0x3  }
0x127: {  	s13 =	smul.u32 $0xA73, s21;
	s18 =	sadd.s32 s2, s18;
	s20 =	sshra.s32 s20, $0x2  }
0x128: {  	[hbm4b:s18+s12] =	stream.linear.scatter [tilespmem:s20], [sflag:$0x4], $0x1800, $0x38;
	[tilespmem:$0x1E000] =	vst v63  }
.Ltmp2:
0x129: {  	_ = 	snop;
	(pc) =	sbr.rel @p3 .LBB2_6-.Ltmp2, $4  }
0x12a: {  	s18 =	sshrl.u32 s13, $0x1F;
	s20 =	sshra.s32 s13, $0x11;
	s13 =	smov.u32 s17  }
0x12b: {  	s14 =	sadd.s32 $0x1, s14;
	s21 =	sshll.u32 s22, $0x18;
	s18 =	sadd.s32 s18, s20  }
0x12c: {  	s22 =	sand.u32 $0xFF, s14;
	s23 =	sadd.s32 $0xFF000000, s21;
	s20 =	smul.u32 $0xFFFFFFCF, s18  }
0x12d: {  	s21 =	smul.u32 $0xAB, s22;
	s17 =	sadd.s32 $0x1, s17;
	s22 =	sshra.s32 s23, $0x18  }
0x12e: {  	s17 =	smul.u32 $0x2B, s22;
	s20 =	sadd.s32 s16, s20;
	s15 =	sadd.s32 $0x6, s15  }
0x12f: {  	p3 =	slt.s32 s16, $0x1;
	s21 =	sshrl.u32 s21, $0xA;
	s24 =	sand.u32 $0xFFFF, s20  }
0x130: {  	s20 =	sshll.u32 s20, $0x10;
	s23 =	sshrl.u32 s17, $0x1F;
	p4 =	sne.s32 s24, $0x0  }
0x131: {  	s22 =	sshrl.u32 s17, $0x8;
	s24 =	smul.u32 $0x6, s21;
	p3 =	por !p3, !p4  }
0x132: {  	s21 =	simm.s32 $0x1;
	s16 =	sadd.s32 s23, s22;
	p3 =	por !p3, !p3  }
0x133: {  	s22 =	sshra.s32 s20, $0x10;
	s14 =	ssub.s32 s14, s24;
	s21 =	simm.s32 @!p3 $0x0  }
0x134: {  	s17 =	smul.u32 $0x31000, s22;
	s14 =	sshll.u32 s14, $0x18;
	s18 =	ssub.s32 s18, s21  }
0x135: {  	s16 =	sshll.u32 s16, $0x18;
	s14 =	sshra.s32 s14, $0x18;
	s18 =	smul.u32 $0x961000, s18  }
0x136: {  	s16 =	sshra.s32 s16, $0x18;
	s23 =	sadd.s32 s4, s17;
	s14 =	sadd.s32 s14, s15  }
0x137: {  	s16 =	smul.u32 $0x6000, s16;
	s24 =	sshll.u32 s14, $0x10;
	s15 =	sadd.s32 s18, s23  }
0x138: {  	s17 =	sshra.s32 s24, $0x10;
	s15 =	sshrl.u32 s15, $0x3  }
0x139: {  	s16 =	sshra.s32 s16, $0x2;
	s17 =	smul.u32 $0xA73, s17;
	s15 =	sadd.s32 s2, s15  }
0x13a: {  	[hbm4b:s15+s12] =	stream.linear.scatter [tilespmem:s16], [sflag:$0x4], $0x1800, $0x38;
	[tilespmem:$0x1E000] =	vst v63  }
0x13b: {  	s18 =	sshrl.u32 s17, $0x1F;
	s20 =	sshra.s32 s17, $0x11  }
0x13c: {  	s15 =	sadd.s32 s18, s20  }
0x13d: {  	s13 =	sshll.u32 s13, $0x18;
	s16 =	smul.u32 $0xFFFFFFCF, s15  }
0x13e: {  	s13 =	sadd.s32 $0xFF000000, s13  }
0x13f: {  	s13 =	sshra.s32 s13, $0x18;
	s16 =	sadd.s32 s14, s16  }
0x140: {  	s13 =	smul.u32 $0x2B, s13;
	s21 =	sand.u32 $0xFFFF, s16  }
0x141: {  	p5 =	slt.s32 s14, $0x1;
	p6 =	sne.s32 s21, $0x0  }
0x142: {  	s22 =	sshrl.u32 s13, $0x1F;
	p3 =	por !p5, !p6  }
0x143: {  	s17 =	simm.s32 $0x1;
	s16 =	sshll.u32 s16, $0x10;
	p3 =	por !p3, !p3  }
0x144: {  	s13 =	sshrl.u32 s13, $0x8;
	s16 =	sshra.s32 s16, $0x10;
	s17 =	simm.s32 @!p3 $0x0  }
0x145: {  	s13 =	sadd.s32 s22, s13;
	s24 =	smul.u32 $0x31000, s16;
	s23 =	ssub.s32 s15, s17  }
0x146: {  	s13 =	sshll.u32 s13, $0x18;
	s14 =	smul.u32 $0x961000, s23  }
0x147: {  	s13 =	sshra.s32 s13, $0x18;
	s15 =	sadd.s32 s4, s24  }
0x148: {  	s13 =	smul.u32 $0x6000, s13;
	s14 =	sadd.s32 s14, s15  }
0x149: {  	s14 =	sshrl.u32 s14, $0x3  }
0x14a: {  	s13 =	sshra.s32 s13, $0x2;
	s14 =	sadd.s32 s2, s14  }
0x14b: {  	[hbm4b:s14+s12] =	stream.linear.scatter [tilespmem:s13], [sflag:$0x4], $0x1800, $0x38;
	[tilespmem:$0x1E000] =	vst v63  }
.LBB2_8:
0x14c: {  	s13 =	sadd.s32 $0xFFFFFFFF, s12  }
0x14d: {  	s14 =	sshll.u32 s13, $0x18  }
0x14e: {  	s14 =	sshra.s32 s14, $0x18  }
0x14f: {  	s14 =	smul.u32 $0x2B, s14;
	_ =	sdelay $0x1  }
0x150: {  	s15 =	sshrl.u32 s14, $0x1F;
	s14 =	sshrl.u32 s14, $0x8  }
0x151: {  	s14 =	sadd.s32 s15, s14  }
0x152: {  	s14 =	smul.u32 $0x6, s14;
	_ =	sdelay $0x1  }
0x153: {  	s13 =	ssub.s32 s13, s14  }
0x154: {  	s14 =	sand.u32 $0xFF, s13  }
0x155: {  	p3 =	seq.s32 s14, $0x0  }
0x156: {  	s14 =	simm.s32 @!p3 $0x4;
	s15 =	sand.u32 @!p3 $0xFF, s13  }
0x157: {  	_ =	swait.ge @!p3 [sflag:s14], $0x1800;
	p4 =	seq.s32 @!p3 s15, $0x1  }
0x158: {  	[sflag:s14] =	ssyncset.done @!p3 $0x0;
	p4 =	por p3, !p4  }
0x159: {  	[sflag:s14] =	ssyncadd.s32 @!p3 $0xFFFFE800;
	s14 =	simm.s32 @p4 $0x4;
	s15 =	sand.u32 @p4 $0xFF, s13  }
0x15a: {  	_ =	swait.ge @p4 [sflag:s14], $0x1800;
	p3 =	seq.s32 @p4 s15, $0x2  }
0x15b: {  	[sflag:s14] =	ssyncset.done @p4 $0x0;
	p3 =	por !p4, !p3  }
0x15c: {  	[sflag:s14] =	ssyncadd.s32 @p4 $0xFFFFE800;
	s14 =	simm.s32 @p3 $0x4;
	s15 =	sand.u32 @p3 $0xFF, s13  }
0x15d: {  	_ =	swait.ge @p3 [sflag:s14], $0x1800;
	p4 =	seq.s32 @p3 s15, $0x3  }
0x15e: {  	[sflag:s14] =	ssyncset.done @p3 $0x0;
	p4 =	por !p3, !p4  }
0x15f: {  	[sflag:s14] =	ssyncadd.s32 @p3 $0xFFFFE800;
	s14 =	simm.s32 @p4 $0x4;
	s15 =	sand.u32 @p4 $0xFF, s13  }
0x160: {  	_ =	swait.ge @p4 [sflag:s14], $0x1800;
	p3 =	seq.s32 @p4 s15, $0x4  }
0x161: {  	[sflag:s14] =	ssyncset.done @p4 $0x0;
	p3 =	por !p4, !p3  }
0x162: {  	[sflag:s14] =	ssyncadd.s32 @p4 $0xFFFFE800;
	s14 =	simm.s32 @p3 $0x4  }
0x163: {  	s13 =	sand.u32 @p3 $0xFF, s13;
	_ =	swait.ge @p3 [sflag:s14], $0x1800  }
0x164: {  	s12 =	sadd.s32 $0x1, s12;
	p4 =	seq.s32 @p3 s13, $0x5;
	[sflag:s14] =	ssyncset.done @p3 $0x0  }
0x165: {  	p4 =	por !p3, !p4;
	[sflag:s14] =	ssyncadd.s32 @p3 $0xFFFFE800;
	p3 =	sne.s32 s12, $0x31  }
.Ltmp3:
0x166: {  	_ = 	snop;
	(pc) =	sbr.rel @p3 .LBB2_8-.Ltmp3, $4  }
0x167: {  	_ = 	snop  }
0x168: {  	_ =	swait.ge @p4 [sflag:s10], $0x1800  }
0x169: {  	[sflag:s10] =	ssyncset.done @p4 $0x0  }
0x16a: {  	[sflag:s10] =	ssyncadd.s32 @p4 $0xFFFFE800  }
0x16b: {  	_ =	swait.ge [sflag:s10], $0x1800  }
0x16c: {  	s12 =	simm.s32 $0x2F;
	[sflag:s10] =	ssyncset.done $0x0  }
.LBB2_10:
0x16d: {  	p3 =	sne.s32 s12, $0x1;
	s12 =	sadd.s32 $0xFFFFFFFF, s12;
	[sflag:s10] =	ssyncadd.s32 $0xFFFFE800  }
.Ltmp4:
0x16e: {  	(pc) =	sbr.rel @p3 .LBB2_10-.Ltmp4, $3  }
0x16f: {  	_ =	sdelay $0x1  }
0x170: {  	_ =	swait.ge [sflag:s10], $0x1800  }
0x171: {  	[sflag:s10] =	ssyncset.done $0x0  }
0x172: {  	[sflag:s10] =	ssyncadd.s32 $0xFFFFE800  }
0x173: {  	_ =	swait.ge [sflag:s10], $0x1000  }
0x174: {  	[sflag:s10] =	ssyncset.done $0x0  }
0x175: {  	[sflag:s10] =	ssyncadd.s32 $0xFFFFF000  }
0x176: {  	_ =	swait.ge [sflag:s10], $0x1000  }
0x177: {  	[sflag:s10] =	ssyncset.done $0x0  }
0x178: {  	[sflag:s10] =	ssyncadd.s32 $0xFFFFF000  }
0x179: {  	_ =	swait.ge [sflag:s10], $0x1000  }
0x17a: {  	[sflag:s10] =	ssyncset.done $0x0  }
0x17b: {  	[sflag:s10] =	ssyncadd.s32 $0xFFFFF000  }
0x17c: {  	_ =	swait.ge [sflag:s10], $0x1000  }
0x17d: {  	[sflag:s10] =	ssyncset.done $0x0  }
0x17e: {  	[sflag:s10] =	ssyncadd.s32 $0xFFFFF000  }
0x17f: {  	_ =	swait.ge [sflag:s10], $0x1000  }
0x180: {  	[sflag:s10] =	ssyncset.done $0x0  }
0x181: {  	[sflag:s10] =	ssyncadd.s32 $0xFFFFF000  }
0x182: {  	_ =	swait.ge [sflag:s10], $0x1000  }
0x183: {  	[sflag:s10] =	ssyncset.done $0x0  }
0x184: {  	[sflag:s10] =	ssyncadd.s32 $0xFFFFF000  }
0x185: {  	_ =	swait.ge [sflag:s10], $0x1000  }
0x186: {  	[sflag:s10] =	ssyncset.done $0x0  }
0x187: {  	[sflag:s10] =	ssyncadd.s32 $0xFFFFF000  }
0x188: {  	_ =	swait.ge [sflag:s10], $0x1000  }
0x189: {  	[sflag:s10] =	ssyncset.done $0x0  }
0x18a: {  	[sflag:s10] =	ssyncadd.s32 $0xFFFFF000  }
0x18b: {  	_ =	swait.ge [sflag:s10], $0x1000  }
0x18c: {  	[sflag:s10] =	ssyncset.done $0x0  }
0x18d: {  	[sflag:s10] =	ssyncadd.s32 $0xFFFFF000  }
0x18e: {  	_ =	swait.ge [sflag:s10], $0x1000  }
0x18f: {  	s11 =	sadd.s32 $0x1, s11;
	s12 =	rddreg [dreg:$0x13]  }
0x190: {  	p3 =	sne.s32 s11, s12  }
.Ltmp5:
0x191: {  	_ = 	snop;
	(pc) =	sbr.rel @p3 .LBB2_1-.Ltmp5, $3  }
0x192: {  	_ =	sdelay $0x1  }
0x193: {  	[sflag:s10] =	ssyncset.done $0x0  }
0x194: {  	[sflag:s10] =	ssyncadd.s32 $0xFFFFF000  }
0x195: {  	_ =	sfence.sel $0x180000  }
0x196: {  	[bflag:$0x0] =	sbarrier.arrive $0xFFFF  }
0x197: {  	_ =	strace $0x90000047  }
0x198: {  	s0 =	stileid.u32;
	[bflag:$0x2] =	sbarrier.arrive $0xFFFF  }
0x199: {  	p0 =	sne.s32 s0, $0x0;
	s0 =	rddreg [dreg:$0x2]  }
0x19a: {  	s0 =	sadd.s32 @!p0 $0x100000, s0  }
0x19b: {  	[sflag:s0] =	ssyncadd.tile.s32 @!p0 $0x1;
	_ =	shalt  }
.Lfunc_end2:
_tile_overlayer_lowered:
.L_overlay_start_2:
0x19c: {  	(tag) =	ssettag $0x2  }
0x19d: {  	s0 =	rddreg [dreg:$0x0];
	s2 =	stileid.u32  }
0x19e: {  	s1 =	rddreg [dreg:$0x1];
	p0 =	sne.s32 s2, $0x0  }
0x19f: {  	s3 =	rddreg [dreg:$0x2];
	[bflag:$0x3] =	sbarrier.arrive $0xFFFF;
	s2 =	simm.s32 @!p0 $0x1C05  }
0x1a0: {  	[timem:s3], [sflag:s2] =	dma.local @!p0 [hbm:s0], s1  }
0x1a1: {  	s0 =	simm.s32 @!p0 $0x5  }
0x1a2: {  	_ =	swait.ge @!p0 [sflag:s0], s1  }
0x1a3: {  	s1 =	ssub.s32 @!p0 $0x0, s1;
	[sflag:s0] =	ssyncset.done @!p0 $0x0  }
0x1a4: {  	[sflag:s0] =	ssyncadd.s32 @!p0 s1  }
0x1a5: {  	[bflag:$0x3] =	sbarrier.arrive $0xFFFF  }
0x1a6: {  	_ =	shalt  }

</sc_bundles>
